<compile_context>
chip_gen: v7x
topology: tpu7x:2x2x1
jax: 0.10.2.dev20260603
libtpu: 0.0.44.dev20260713+nightly
codegen_flags: <defaults>
</compile_context>

<pallas_src>
import functools

import jax
import jax.numpy as jnp
from jax import lax
from jax.experimental import pallas as pl
from jax.experimental.pallas import tpu as pltpu
from jax.experimental.pallas import tpu_sc as plsc

F32 = jnp.float32
I32 = jnp.int32
CHUNK = 128
NC = 2
NS = 16
LANES = 16


def _rup(x, m):
    return (x + m - 1) // m * m


def _zero_rows(ref, width):
    def row(i, _):
        for j in range(width // LANES):
            ref[i, pl.ds(j * LANES, LANES)] = jnp.zeros((LANES,), F32)
        return 0
    lax.fori_loop(0, CHUNK, row, 0)


@functools.lru_cache(maxsize=None)
def _build_stats(ep, npad, bpad):
    mesh = plsc.VectorSubcoreMesh(core_axis_name="c", subcore_axis_name="s")
    rpt = npad // NS
    nchunk_d = ep // (NC * NS * CHUNK)
    nchunk_b = bpad // (NC * NS * CHUNK)

    @functools.partial(
        pl.kernel, mesh=mesh,
        out_type=[jax.ShapeDtypeStruct((NC, npad, CHUNK), F32),
                  jax.ShapeDtypeStruct((NC, CHUNK, CHUNK), F32)],
        scratch_types=[pltpu.VMEM((CHUNK,), I32),
                       pltpu.VMEM((CHUNK, CHUNK), F32),
                       pltpu.VMEM((CHUNK, CHUNK), F32),
                       pltpu.VMEM_SHARED((npad, CHUNK), F32),
                       pltpu.VMEM_SHARED((CHUNK, CHUNK), F32)],
    )
    def k(dst_hbm, batch_hbm, deg_out, cnt_out, idxv, onesv, zerov,
          acc_deg, acc_cnt):
        c = lax.axis_index("c")
        s = lax.axis_index("s")
        wid = s * NC + c

        def fill(i, _):
            for j in range(CHUNK // LANES):
                onesv[i, pl.ds(j * LANES, LANES)] = jnp.ones((LANES,), F32)
                zerov[i, pl.ds(j * LANES, LANES)] = jnp.zeros((LANES,), F32)
            return 0
        lax.fori_loop(0, CHUNK, fill, 0)

        def zstep(kk, _):
            pltpu.sync_copy(zerov, acc_deg.at[pl.ds(s * rpt + kk * CHUNK, CHUNK)])
            return 0
        lax.fori_loop(0, rpt // CHUNK, zstep, 0)

        @pl.when(s == 0)
        def _():
            pltpu.sync_copy(zerov, acc_cnt)

        plsc.subcore_barrier()

        ew = nchunk_d * CHUNK
        def dstep(kk, _):
            pltpu.sync_copy(dst_hbm.at[pl.ds(wid * ew + kk * CHUNK, CHUNK)], idxv)
            pltpu.sync_copy(onesv, acc_deg.at[idxv], add=True)
            return 0
        lax.fori_loop(0, nchunk_d, dstep, 0)

        bw = nchunk_b * CHUNK
        def bstep(kk, _):
            pltpu.sync_copy(batch_hbm.at[pl.ds(wid * bw + kk * CHUNK, CHUNK)], idxv)
            pltpu.sync_copy(onesv, acc_cnt.at[idxv], add=True)
            return 0
        lax.fori_loop(0, nchunk_b, bstep, 0)

        plsc.subcore_barrier()

        def wstep(kk, _):
            r0 = s * rpt + kk * CHUNK
            pltpu.sync_copy(acc_deg.at[pl.ds(r0, CHUNK)],
                            deg_out.at[c, pl.ds(r0, CHUNK)])
            return 0
        lax.fori_loop(0, rpt // CHUNK, wstep, 0)

        @pl.when(s == 0)
        def _():
            pltpu.sync_copy(acc_cnt, cnt_out.at[c])

    return k


@functools.lru_cache(maxsize=None)
def _build_prop_edge(ep, npad, f):
    mesh = plsc.VectorSubcoreMesh(core_axis_name="c", subcore_axis_name="s")
    rpt = npad // NS
    nchunk = ep // (NC * NS * CHUNK)

    @functools.partial(
        pl.kernel, mesh=mesh,
        out_type=jax.ShapeDtypeStruct((NC, npad, f), F32),
        scratch_types=[pltpu.VMEM((CHUNK,), I32),
                       pltpu.VMEM((CHUNK,), I32),
                       pltpu.VMEM((CHUNK, f), F32),
                       pltpu.VMEM((CHUNK, f), F32),
                       pltpu.VMEM_SHARED((npad, f), F32),
                       pltpu.SemaphoreType.DMA],
    )
    def k(g_hbm, src_hbm, dst_hbm, out, idxs, idxd, rowsv, zerov, acc, sem):
        c = lax.axis_index("c")
        s = lax.axis_index("s")
        wid = s * NC + c

        _zero_rows(zerov, f)

        def zstep(kk, _):
            pltpu.sync_copy(zerov, acc.at[pl.ds(s * rpt + kk * CHUNK, CHUNK)])
            return 0
        lax.fori_loop(0, rpt // CHUNK, zstep, 0)

        plsc.subcore_barrier()

        ew = nchunk * CHUNK
        def step(kk, _):
            off = wid * ew + kk * CHUNK
            pltpu.sync_copy(src_hbm.at[pl.ds(off, CHUNK)], idxs)
            pltpu.sync_copy(dst_hbm.at[pl.ds(off, CHUNK)], idxd)
            pltpu.async_copy(g_hbm.at[idxs], rowsv, sem).wait()
            pltpu.sync_copy(rowsv, acc.at[idxd], add=True)
            return 0
        lax.fori_loop(0, nchunk, step, 0)

        plsc.subcore_barrier()

        def wstep(kk, _):
            r0 = s * rpt + kk * CHUNK
            pltpu.sync_copy(acc.at[pl.ds(r0, CHUNK)], out.at[c, pl.ds(r0, CHUNK)])
            return 0
        lax.fori_loop(0, rpt // CHUNK, wstep, 0)

    return k


@functools.lru_cache(maxsize=None)
def _build_prop_half(ep, npad, f):
    mesh = plsc.VectorSubcoreMesh(core_axis_name="c", subcore_axis_name="s")
    rpt = npad // NS
    nchunk = ep // (NS * CHUNK)

    @functools.partial(
        pl.kernel, mesh=mesh,
        out_type=jax.ShapeDtypeStruct((NC, npad, f), F32),
        scratch_types=[pltpu.VMEM((CHUNK,), I32),
                       pltpu.VMEM((CHUNK,), I32),
                       pltpu.VMEM((CHUNK, f), F32),
                       pltpu.VMEM((CHUNK, f), F32),
                       pltpu.VMEM_SHARED((npad, f), F32),
                       pltpu.SemaphoreType.DMA],
    )
    def k(ga_hbm, gb_hbm, src_hbm, dst_hbm, out, idxs, idxd, rowsv, zerov,
          acc, sem):
        c = lax.axis_index("c")
        s = lax.axis_index("s")

        _zero_rows(zerov, f)

        def zstep(kk, _):
            pltpu.sync_copy(zerov, acc.at[pl.ds(s * rpt + kk * CHUNK, CHUNK)])
            return 0
        lax.fori_loop(0, rpt // CHUNK, zstep, 0)

        plsc.subcore_barrier()

        ew = nchunk * CHUNK

        def run(g_hbm):
            def step(kk, _):
                off = s * ew + kk * CHUNK
                pltpu.sync_copy(src_hbm.at[pl.ds(off, CHUNK)], idxs)
                pltpu.sync_copy(dst_hbm.at[pl.ds(off, CHUNK)], idxd)
                pltpu.async_copy(g_hbm.at[idxs], rowsv, sem).wait()
                pltpu.sync_copy(rowsv, acc.at[idxd], add=True)
                return 0
            lax.fori_loop(0, nchunk, step, 0)

        @pl.when(c == 0)
        def _():
            run(ga_hbm)

        @pl.when(c == 1)
        def _():
            run(gb_hbm)

        plsc.subcore_barrier()

        def wstep(kk, _):
            r0 = s * rpt + kk * CHUNK
            pltpu.sync_copy(acc.at[pl.ds(r0, CHUNK)], out.at[c, pl.ds(r0, CHUNK)])
            return 0
        lax.fori_loop(0, rpt // CHUNK, wstep, 0)

    return k


@functools.lru_cache(maxsize=None)
def _build_pool(b, f):
    mesh = plsc.VectorSubcoreMesh(core_axis_name="c", subcore_axis_name="s")

    @functools.partial(
        pl.kernel, mesh=mesh,
        out_type=jax.ShapeDtypeStruct((b, f), F32),
        scratch_types=[pltpu.VMEM((b,), I32),
                       pltpu.VMEM((b, f), F32),
                       pltpu.VMEM((b, f), F32),
                       pltpu.VMEM((b, f), F32),
                       pltpu.VMEM((b, f), F32),
                       pltpu.VMEM((f,), F32),
                       pltpu.VMEM((b, f), F32),
                       pltpu.SemaphoreType.DMA],
    )
    def k(li_hbm, s3a_hbm, s3b_hbm, g3_hbm, dinv_hbm, b3_hbm, out,
          liv, r1, r2, r3, r4, b3v, mv, sem):
        c = lax.axis_index("c")
        s = lax.axis_index("s")

        @pl.when(jnp.logical_and(c == 0, s == 0))
        def _():
            pltpu.sync_copy(li_hbm, liv)
            pltpu.sync_copy(b3_hbm, b3v)
            pltpu.async_copy(s3a_hbm.at[liv], r1, sem).wait()
            pltpu.async_copy(s3b_hbm.at[liv], r2, sem).wait()
            pltpu.async_copy(g3_hbm.at[liv], r3, sem).wait()
            pltpu.async_copy(dinv_hbm.at[liv], r4, sem).wait()

            def row(i, _):
                for j in range(f // LANES):
                    d = pl.ds(j * LANES, LANES)
                    mv[i, d] = (r1[i, d] + r2[i, d] + r3[i, d]) * r4[i, d] + b3v[d]
                return 0
            lax.fori_loop(0, b, row, 0)
            pltpu.sync_copy(mv, out)

    return k


def _tc_prep(degp, cntp, x, nblk, blk):
    n, fin = x.shape

    def body(degp_ref, cntp_ref, x_ref, dinv_ref, g1_ref, last_ref):
        dp = degp_ref[0] + degp_ref[1]
        deg = dp[:, 0:1] + 1.0
        dv = lax.rsqrt(deg)
        dvb = jnp.broadcast_to(dv, (blk, fin))
        dinv_ref[...] = dvb
        g1_ref[...] = x_ref[...] * dvb
        cp = cntp_ref[0] + cntp_ref[1]
        cnt = cp[0:64, 0:1]
        ri = lax.broadcasted_iota(I32, (64, 64), 0)
        ci = lax.broadcasted_iota(I32, (64, 64), 1)
        lmask = (ci <= ri).astype(F32)
        csum = jnp.dot(lmask, cnt, preferred_element_type=F32)
        lastf = jnp.where(cnt > 0.0, csum - 1.0, 0.0)
        last_ref[...] = lastf.astype(I32)

    return pl.pallas_call(
        body,
        grid=(nblk,),
        in_specs=[
            pl.BlockSpec((NC, blk, CHUNK), lambda i: (0, i, 0)),
            pl.BlockSpec((NC, CHUNK, CHUNK), lambda i: (0, 0, 0)),
            pl.BlockSpec((blk, fin), lambda i: (i, 0)),
        ],
        out_specs=[
            pl.BlockSpec((blk, fin), lambda i: (i, 0)),
            pl.BlockSpec((blk, fin), lambda i: (i, 0)),
            pl.BlockSpec((64, 1), lambda i: (0, 0)),
        ],
        out_shape=[
            jax.ShapeDtypeStruct((n, fin), F32),
            jax.ShapeDtypeStruct((n, fin), F32),
            jax.ShapeDtypeStruct((64, 1), I32),
        ],
    )(degp, cntp, x)


def _tc_layer1(s1, g1, dinv, w1, b1, nblk, blk):
    n, fin = g1.shape
    h = w1.shape[1]
    hh = h // 2

    def body(s1_ref, g1_ref, dinv_ref, w1_ref, b1_ref, g2a_ref, g2b_ref):
        aggm = (s1_ref[0] + s1_ref[1] + g1_ref[...]) * dinv_ref[...]
        hv = jax.nn.relu(jnp.dot(aggm, w1_ref[...],
                                 preferred_element_type=F32) + b1_ref[...])
        g2 = hv * dinv_ref[:, 0:1]
        g2a_ref[...] = g2[:, :hh]
        g2b_ref[...] = g2[:, hh:]

    return pl.pallas_call(
        body,
        grid=(nblk,),
        in_specs=[
            pl.BlockSpec((NC, blk, fin), lambda i: (0, i, 0)),
            pl.BlockSpec((blk, fin), lambda i: (i, 0)),
            pl.BlockSpec((blk, fin), lambda i: (i, 0)),
            pl.BlockSpec((fin, h), lambda i: (0, 0)),
            pl.BlockSpec((1, h), lambda i: (0, 0)),
        ],
        out_specs=[
            pl.BlockSpec((blk, hh), lambda i: (i, 0)),
            pl.BlockSpec((blk, hh), lambda i: (i, 0)),
        ],
        out_shape=[
            jax.ShapeDtypeStruct((n, hh), F32),
            jax.ShapeDtypeStruct((n, hh), F32),
        ],
    )(s1, g1, dinv, w1, b1)


def _tc_layer23(s2, g2a, g2b, dinv, w2, b2, w3, nblk, blk):
    n, hh = g2a.shape
    h = w2.shape[0]
    f3 = w3.shape[1]

    def body(s2_ref, g2a_ref, g2b_ref, dinv_ref, w2_ref, b2_ref, w3_ref,
             g3_ref):
        dvb = dinv_ref[...]
        ma = (s2_ref[0] + g2a_ref[...]) * dvb
        mb = (s2_ref[1] + g2b_ref[...]) * dvb
        m = jnp.concatenate([ma, mb], axis=1)
        h2 = jax.nn.relu(jnp.dot(m, w2_ref[...],
                                 preferred_element_type=F32) + b2_ref[...])
        g3_ref[...] = jnp.dot(h2, w3_ref[...],
                              preferred_element_type=F32) * dvb

    return pl.pallas_call(
        body,
        grid=(nblk,),
        in_specs=[
            pl.BlockSpec((NC, blk, hh), lambda i: (0, i, 0)),
            pl.BlockSpec((blk, hh), lambda i: (i, 0)),
            pl.BlockSpec((blk, hh), lambda i: (i, 0)),
            pl.BlockSpec((blk, hh), lambda i: (i, 0)),
            pl.BlockSpec((h, h), lambda i: (0, 0)),
            pl.BlockSpec((1, h), lambda i: (0, 0)),
            pl.BlockSpec((h, f3), lambda i: (0, 0)),
        ],
        out_specs=pl.BlockSpec((blk, f3), lambda i: (i, 0)),
        out_shape=jax.ShapeDtypeStruct((n, f3), F32),
    )(s2, g2a, g2b, dinv, w2, b2, w3)


def _tc_head(m, wl, bl):
    b, f = m.shape
    cpad = wl.shape[1]

    def body(m_ref, wl_ref, bl_ref, out_ref):
        out_ref[...] = jnp.dot(m_ref[...], wl_ref[...],
                               preferred_element_type=F32) + bl_ref[...]

    return pl.pallas_call(
        body,
        out_shape=jax.ShapeDtypeStruct((b, cpad), F32),
    )(m, wl, bl)


def kernel(x, edge_index, batch, W1, b1, W2, b2, W3, b3, Wl, bl):
    n, fin = x.shape
    e = edge_index.shape[1]
    h = W1.shape[1]
    hh = h // 2
    c = Wl.shape[1]
    nseg = 64

    npad = _rup(n, NS * CHUNK)
    ep = _rup(e, NC * NS * CHUNK)
    bpad = _rup(n, NC * NS * CHUNK)
    blk = 1000
    nblk = n // blk

    src_p = jnp.concatenate(
        [edge_index[0], jnp.zeros((ep - e,), I32)])
    dst_p = jnp.concatenate(
        [edge_index[1], jnp.full((ep - e,), n, I32)])
    batch_p = jnp.concatenate(
        [batch, jnp.full((bpad - n,), nseg, I32)])

    degp, cntp = _build_stats(ep, npad, bpad)(dst_p, batch_p)

    dinv, g1, last2 = _tc_prep(degp, cntp, x, nblk, blk)
    li = last2.reshape(nseg)

    s1 = _build_prop_edge(ep, npad, fin)(g1, src_p, dst_p)
    g2a, g2b = _tc_layer1(s1, g1, dinv, W1, b1.reshape(1, h), nblk, blk)

    s2 = _build_prop_half(ep, npad, hh)(g2a, g2b, src_p, dst_p)

    g3 = _tc_layer23(s2, g2a, g2b, dinv, W2, b2.reshape(1, h), W3, nblk, blk)

    s3 = _build_prop_edge(ep, npad, fin)(g3, src_p, dst_p)

    m = _build_pool(nseg, hh)(li, s3[0], s3[1], g3, dinv, b3)

    wl_p = jnp.pad(Wl, ((0, 0), (0, CHUNK - c)))
    bl_p = jnp.pad(bl, (0, CHUNK - c)).reshape(1, CHUNK)
    out = _tc_head(m, wl_p, bl_p)
    return out[:, :c]

# --- scband reference (transcript-rebuilt; emitter-appended) ---
"""Pipeline reference for scband-simple-gcn-46033459478731 (READ-ONLY COPY).

The authoritative reference and input builder live on the scoring server;
editing this copy changes nothing except your own understanding.
"""

import jax, jax.numpy as jnp
import numpy as np


def gcn_conv(x, edge_index, W, b):
    # PyG-style GCNConv: linear transform, add self-loops, symmetric normalization, scatter-add
    N = x.shape[0]
    loop = jnp.arange(N, dtype=edge_index.dtype)
    src = jnp.concatenate([edge_index[0], loop])
    dst = jnp.concatenate([edge_index[1], loop])
    h = x @ W
    deg = jnp.zeros((N,), dtype=h.dtype).at[dst].add(1.0)
    dinv = jnp.where(deg > 0, 1.0 / jnp.sqrt(deg), 0.0)
    norm = dinv[src] * dinv[dst]
    msg = h[src] * norm[:, None]
    out = jnp.zeros((N, h.shape[1]), dtype=h.dtype).at[dst].add(msg)
    return out + b


def setup_inputs(seed: int = 0):
    key = jax.random.key(seed)
    ks = jax.random.split(key, 16)
    N, E = 10000, 320000
    F_IN, H, C = 128, 256, 10
    x = jax.random.normal(ks[0], (N, F_IN), dtype=jnp.float32)
    edge_index = jax.random.randint(ks[1], (2, E), 0, N, dtype=jnp.int32)
    batch = jnp.sort(jax.random.randint(ks[2], (N,), 0, 64, dtype=jnp.int32))
    def glorot(k, shape):
        fan_in = shape[0]
        return jax.random.normal(k, shape, dtype=jnp.float32) * (1.0 / np.sqrt(fan_in))
    W1 = glorot(ks[3], (F_IN, H)); b1 = jnp.zeros((H,), dtype=jnp.float32)
    W2 = glorot(ks[4], (H, H)); b2 = jnp.zeros((H,), dtype=jnp.float32)
    W3 = glorot(ks[5], (H, H // 2)); b3 = jnp.zeros((H // 2,), dtype=jnp.float32)
    Wl = glorot(ks[6], (H // 2, C)); bl = jnp.zeros((C,), dtype=jnp.float32)
    return {"x": x, "edge_index": edge_index, "batch": batch,
            "W1": W1, "b1": b1, "W2": W2, "b2": b2, "W3": W3, "b3": b3,
            "Wl": Wl, "bl": bl}


def reference(x, edge_index, batch, W1, b1, W2, b2, W3, b3, Wl, bl):
    h = jax.nn.relu(gcn_conv(x, edge_index, W1, b1))
    h = jax.nn.relu(gcn_conv(h, edge_index, W2, b2))
    h = gcn_conv(h, edge_index, W3, b3)
    # label_node_pool: pick the LAST node of each graph (batch is sorted)
    B = 64
    last_idx = jax.ops.segment_max(jnp.arange(x.shape[0], dtype=jnp.int32), batch, num_segments=B)
    pooled = h[last_idx]
    return pooled @ Wl + bl


if False:  # reference __main__ guard neutralized (emitter)
    out = reference(**setup_inputs())
    print(out.shape)

if __name__ == "__main__":
    import jax
    _d = setup_inputs()
    print(jax.jit(kernel)(*tuple(_d.values())))

</pallas_src>

<mosaic_0001>
#map = affine_map<(d0, d1) -> (0)>
#map1 = affine_map<(d0, d1) -> (0, 0, 0)>
module attributes {stable_mosaic.version = 14 : i64} {
  func.func @k(%arg0: i32, %arg1: i32, %arg2: memref<323584xi32, #tpu.memory_space<hbm>>, %arg3: memref<12288xi32, #tpu.memory_space<hbm>>, %arg4: memref<2x10240x128xf32, #tpu.memory_space<hbm>>, %arg5: memref<2x128x128xf32, #tpu.memory_space<hbm>>, %arg6: memref<128xi32, #tpu.memory_space<vmem>>, %arg7: memref<128x128xf32, #tpu.memory_space<vmem>>, %arg8: memref<128x128xf32, #tpu.memory_space<vmem>>, %arg9: memref<10240x128xf32, #tpu.memory_space<vmem_shared>>, %arg10: memref<128x128xf32, #tpu.memory_space<vmem_shared>>) attributes {dimension_semantics = [#tpu.dimension_semantics<core_parallel>, #tpu.dimension_semantics<subcore_parallel>], iteration_bounds = array<i64: 2, 16>, scalar_prefetch = 0 : i64, scratch_operands = 5 : i64, tpu.core_type = #tpu.core_type<sc_vector_subcore>, window_params = [{transform_indices = #map}, {transform_indices = #map}, {transform_indices = #map1}, {transform_indices = #map1}]} {
    %mul3A = arith.constant 2 : i32
    %mul3A_0 = arith.muli %arg1, %mul3A : i32
    %add3A = arith.addi %mul3A_0, %arg0 : i32
    %scan3A = arith.constant 0 : i32
    %scan3A_1 = arith.constant 0 : i32
    %scan3A_2 = arith.constant 128 : i32
    %scan3A_3 = arith.addi %scan3A_1, %scan3A_2 : i32
    %scan3A_4 = arith.constant 1 : i32
    %scan3A_5 = scf.for %scan3A_43 = %scan3A_1 to %scan3A_3 step %scan3A_4 iter_args(%scan3A_44 = %scan3A) -> (i32)  : i32 {
      %broadcast_in_dim3A = arith.constant 1.000000e+00 : f32
      %broadcast_in_dim3A_45 = vector.broadcast %broadcast_in_dim3A : f32 to vector<16xf32>
      %swap3A = arith.index_cast %scan3A_43 : i32 to index
      %swap3A_46 = arith.constant 0 : index
      %swap3A_47 = tpu.vector_load %arg7[%swap3A, %swap3A_46] {strides = array<i32>} : memref<128x128xf32, #tpu.memory_space<vmem>>, vector<1x16xf32>,
      %swap3A_48 = vector.shape_cast %swap3A_47 : vector<1x16xf32> to vector<16xf32>
      %swap3A_49 = vector.shape_cast %broadcast_in_dim3A_45 : vector<16xf32> to vector<1x16xf32>
      tpu.vector_store %arg7[%swap3A, %swap3A_46], %swap3A_49 {strides = array<i32>} : memref<128x128xf32, #tpu.memory_space<vmem>>, vector<1x16xf32>,
      %broadcast_in_dim3A_50 = arith.constant 0.000000e+00 : f32
      %broadcast_in_dim3A_51 = vector.broadcast %broadcast_in_dim3A_50 : f32 to vector<16xf32>
      %swap3A_52 = arith.index_cast %scan3A_43 : i32 to index
      %swap3A_53 = arith.constant 0 : index
      %swap3A_54 = tpu.vector_load %arg8[%swap3A_52, %swap3A_53] {strides = array<i32>} : memref<128x128xf32, #tpu.memory_space<vmem>>, vector<1x16xf32>,
      %swap3A_55 = vector.shape_cast %swap3A_54 : vector<1x16xf32> to vector<16xf32>
      %swap3A_56 = vector.shape_cast %broadcast_in_dim3A_51 : vector<16xf32> to vector<1x16xf32>
      tpu.vector_store %arg8[%swap3A_52, %swap3A_53], %swap3A_56 {strides = array<i32>} : memref<128x128xf32, #tpu.memory_space<vmem>>, vector<1x16xf32>,
      %broadcast_in_dim3A_57 = arith.constant 1.000000e+00 : f32
      %broadcast_in_dim3A_58 = vector.broadcast %broadcast_in_dim3A_57 : f32 to vector<16xf32>
      %swap3A_59 = arith.index_cast %scan3A_43 : i32 to index
      %swap3A_60 = arith.constant 16 : index
      %swap3A_61 = tpu.vector_load %arg7[%swap3A_59, %swap3A_60] {strides = array<i32>} : memref<128x128xf32, #tpu.memory_space<vmem>>, vector<1x16xf32>,
      %swap3A_62 = vector.shape_cast %swap3A_61 : vector<1x16xf32> to vector<16xf32>
      %swap3A_63 = vector.shape_cast %broadcast_in_dim3A_58 : vector<16xf32> to vector<1x16xf32>
      tpu.vector_store %arg7[%swap3A_59, %swap3A_60], %swap3A_63 {strides = array<i32>} : memref<128x128xf32, #tpu.memory_space<vmem>>, vector<1x16xf32>,
      %broadcast_in_dim3A_64 = arith.constant 0.000000e+00 : f32
      %broadcast_in_dim3A_65 = vector.broadcast %broadcast_in_dim3A_64 : f32 to vector<16xf32>
      %swap3A_66 = arith.index_cast %scan3A_43 : i32 to index
      %swap3A_67 = arith.constant 16 : index
      %swap3A_68 = tpu.vector_load %arg8[%swap3A_66, %swap3A_67] {strides = array<i32>} : memref<128x128xf32, #tpu.memory_space<vmem>>, vector<1x16xf32>,
      %swap3A_69 = vector.shape_cast %swap3A_68 : vector<1x16xf32> to vector<16xf32>
      %swap3A_70 = vector.shape_cast %broadcast_in_dim3A_65 : vector<16xf32> to vector<1x16xf32>
      tpu.vector_store %arg8[%swap3A_66, %swap3A_67], %swap3A_70 {strides = array<i32>} : memref<128x128xf32, #tpu.memory_space<vmem>>, vector<1x16xf32>,
      %broadcast_in_dim3A_71 = arith.constant 1.000000e+00 : f32
      %broadcast_in_dim3A_72 = vector.broadcast %broadcast_in_dim3A_71 : f32 to vector<16xf32>
      %swap3A_73 = arith.index_cast %scan3A_43 : i32 to index
      %swap3A_74 = arith.constant 32 : index
      %swap3A_75 = tpu.vector_load %arg7[%swap3A_73, %swap3A_74] {strides = array<i32>} : memref<128x128xf32, #tpu.memory_space<vmem>>, vector<1x16xf32>,
      %swap3A_76 = vector.shape_cast %swap3A_75 : vector<1x16xf32> to vector<16xf32>
      %swap3A_77 = vector.shape_cast %broadcast_in_dim3A_72 : vector<16xf32> to vector<1x16xf32>
      tpu.vector_store %arg7[%swap3A_73, %swap3A_74], %swap3A_77 {strides = array<i32>} : memref<128x128xf32, #tpu.memory_space<vmem>>, vector<1x16xf32>,
      %broadcast_in_dim3A_78 = arith.constant 0.000000e+00 : f32
      %broadcast_in_dim3A_79 = vector.broadcast %broadcast_in_dim3A_78 : f32 to vector<16xf32>
      %swap3A_80 = arith.index_cast %scan3A_43 : i32 to index
      %swap3A_81 = arith.constant 32 : index
      %swap3A_82 = tpu.vector_load %arg8[%swap3A_80, %swap3A_81] {strides = array<i32>} : memref<128x128xf32, #tpu.memory_space<vmem>>, vector<1x16xf32>,
      %swap3A_83 = vector.shape_cast %swap3A_82 : vector<1x16xf32> to vector<16xf32>
      %swap3A_84 = vector.shape_cast %broadcast_in_dim3A_79 : vector<16xf32> to vector<1x16xf32>
      tpu.vector_store %arg8[%swap3A_80, %swap3A_81], %swap3A_84 {strides = array<i32>} : memref<128x128xf32, #tpu.memory_space<vmem>>, vector<1x16xf32>,
      %broadcast_in_dim3A_85 = arith.constant 1.000000e+00 : f32
      %broadcast_in_dim3A_86 = vector.broadcast %broadcast_in_dim3A_85 : f32 to vector<16xf32>
      %swap3A_87 = arith.index_cast %scan3A_43 : i32 to index
      %swap3A_88 = arith.constant 48 : index
      %swap3A_89 = tpu.vector_load %arg7[%swap3A_87, %swap3A_88] {strides = array<i32>} : memref<128x128xf32, #tpu.memory_space<vmem>>, vector<1x16xf32>,
      %swap3A_90 = vector.shape_cast %swap3A_89 : vector<1x16xf32> to vector<16xf32>
      %swap3A_91 = vector.shape_cast %broadcast_in_dim3A_86 : vector<16xf32> to vector<1x16xf32>
      tpu.vector_store %arg7[%swap3A_87, %swap3A_88], %swap3A_91 {strides = array<i32>} : memref<128x128xf32, #tpu.memory_space<vmem>>, vector<1x16xf32>,
      %broadcast_in_dim3A_92 = arith.constant 0.000000e+00 : f32
      %broadcast_in_dim3A_93 = vector.broadcast %broadcast_in_dim3A_92 : f32 to vector<16xf32>
      %swap3A_94 = arith.index_cast %scan3A_43 : i32 to index
      %swap3A_95 = arith.constant 48 : index
      %swap3A_96 = tpu.vector_load %arg8[%swap3A_94, %swap3A_95] {strides = array<i32>} : memref<128x128xf32, #tpu.memory_space<vmem>>, vector<1x16xf32>,
      %swap3A_97 = vector.shape_cast %swap3A_96 : vector<1x16xf32> to vector<16xf32>
      %swap3A_98 = vector.shape_cast %broadcast_in_dim3A_93 : vector<16xf32> to vector<1x16xf32>
      tpu.vector_store %arg8[%swap3A_94, %swap3A_95], %swap3A_98 {strides = array<i32>} : memref<128x128xf32, #tpu.memory_space<vmem>>, vector<1x16xf32>,
      %broadcast_in_dim3A_99 = arith.constant 1.000000e+00 : f32
      %broadcast_in_dim3A_100 = vector.broadcast %broadcast_in_dim3A_99 : f32 to vector<16xf32>
      %swap3A_101 = arith.index_cast %scan3A_43 : i32 to index
      %swap3A_102 = arith.constant 64 : index
      %swap3A_103 = tpu.vector_load %arg7[%swap3A_101, %swap3A_102] {strides = array<i32>} : memref<128x128xf32, #tpu.memory_space<vmem>>, vector<1x16xf32>,
      %swap3A_104 = vector.shape_cast %swap3A_103 : vector<1x16xf32> to vector<16xf32>
      %swap3A_105 = vector.shape_cast %broadcast_in_dim3A_100 : vector<16xf32> to vector<1x16xf32>
      tpu.vector_store %arg7[%swap3A_101, %swap3A_102], %swap3A_105 {strides = array<i32>} : memref<128x128xf32, #tpu.memory_space<vmem>>, vector<1x16xf32>,
      %broadcast_in_dim3A_106 = arith.constant 0.000000e+00 : f32
      %broadcast_in_dim3A_107 = vector.broadcast %broadcast_in_dim3A_106 : f32 to vector<16xf32>
      %swap3A_108 = arith.index_cast %scan3A_43 : i32 to index
      %swap3A_109 = arith.constant 64 : index
      %swap3A_110 = tpu.vector_load %arg8[%swap3A_108, %swap3A_109] {strides = array<i32>} : memref<128x128xf32, #tpu.memory_space<vmem>>, vector<1x16xf32>,
      %swap3A_111 = vector.shape_cast %swap3A_110 : vector<1x16xf32> to vector<16xf32>
      %swap3A_112 = vector.shape_cast %broadcast_in_dim3A_107 : vector<16xf32> to vector<1x16xf32>
      tpu.vector_store %arg8[%swap3A_108, %swap3A_109], %swap3A_112 {strides = array<i32>} : memref<128x128xf32, #tpu.memory_space<vmem>>, vector<1x16xf32>,
      %broadcast_in_dim3A_113 = arith.constant 1.000000e+00 : f32
      %broadcast_in_dim3A_114 = vector.broadcast %broadcast_in_dim3A_113 : f32 to vector<16xf32>
      %swap3A_115 = arith.index_cast %scan3A_43 : i32 to index
      %swap3A_116 = arith.constant 80 : index
      %swap3A_117 = tpu.vector_load %arg7[%swap3A_115, %swap3A_116] {strides = array<i32>} : memref<128x128xf32, #tpu.memory_space<vmem>>, vector<1x16xf32>,
      %swap3A_118 = vector.shape_cast %swap3A_117 : vector<1x16xf32> to vector<16xf32>
      %swap3A_119 = vector.shape_cast %broadcast_in_dim3A_114 : vector<16xf32> to vector<1x16xf32>
      tpu.vector_store %arg7[%swap3A_115, %swap3A_116], %swap3A_119 {strides = array<i32>} : memref<128x128xf32, #tpu.memory_space<vmem>>, vector<1x16xf32>,
      %broadcast_in_dim3A_120 = arith.constant 0.000000e+00 : f32
      %broadcast_in_dim3A_121 = vector.broadcast %broadcast_in_dim3A_120 : f32 to vector<16xf32>
      %swap3A_122 = arith.index_cast %scan3A_43 : i32 to index
      %swap3A_123 = arith.constant 80 : index
      %swap3A_124 = tpu.vector_load %arg8[%swap3A_122, %swap3A_123] {strides = array<i32>} : memref<128x128xf32, #tpu.memory_space<vmem>>, vector<1x16xf32>,
      %swap3A_125 = vector.shape_cast %swap3A_124 : vector<1x16xf32> to vector<16xf32>
      %swap3A_126 = vector.shape_cast %broadcast_in_dim3A_121 : vector<16xf32> to vector<1x16xf32>
      tpu.vector_store %arg8[%swap3A_122, %swap3A_123], %swap3A_126 {strides = array<i32>} : memref<128x128xf32, #tpu.memory_space<vmem>>, vector<1x16xf32>,
      %broadcast_in_dim3A_127 = arith.constant 1.000000e+00 : f32
      %broadcast_in_dim3A_128 = vector.broadcast %broadcast_in_dim3A_127 : f32 to vector<16xf32>
      %swap3A_129 = arith.index_cast %scan3A_43 : i32 to index
      %swap3A_130 = arith.constant 96 : index
      %swap3A_131 = tpu.vector_load %arg7[%swap3A_129, %swap3A_130] {strides = array<i32>} : memref<128x128xf32, #tpu.memory_space<vmem>>, vector<1x16xf32>,
      %swap3A_132 = vector.shape_cast %swap3A_131 : vector<1x16xf32> to vector<16xf32>
      %swap3A_133 = vector.shape_cast %broadcast_in_dim3A_128 : vector<16xf32> to vector<1x16xf32>
      tpu.vector_store %arg7[%swap3A_129, %swap3A_130], %swap3A_133 {strides = array<i32>} : memref<128x128xf32, #tpu.memory_space<vmem>>, vector<1x16xf32>,
      %broadcast_in_dim3A_134 = arith.constant 0.000000e+00 : f32
      %broadcast_in_dim3A_135 = vector.broadcast %broadcast_in_dim3A_134 : f32 to vector<16xf32>
      %swap3A_136 = arith.index_cast %scan3A_43 : i32 to index
      %swap3A_137 = arith.constant 96 : index
      %swap3A_138 = tpu.vector_load %arg8[%swap3A_136, %swap3A_137] {strides = array<i32>} : memref<128x128xf32, #tpu.memory_space<vmem>>, vector<1x16xf32>,
      %swap3A_139 = vector.shape_cast %swap3A_138 : vector<1x16xf32> to vector<16xf32>
      %swap3A_140 = vector.shape_cast %broadcast_in_dim3A_135 : vector<16xf32> to vector<1x16xf32>
      tpu.vector_store %arg8[%swap3A_136, %swap3A_137], %swap3A_140 {strides = array<i32>} : memref<128x128xf32, #tpu.memory_space<vmem>>, vector<1x16xf32>,
      %broadcast_in_dim3A_141 = arith.constant 1.000000e+00 : f32
      %broadcast_in_dim3A_142 = vector.broadcast %broadcast_in_dim3A_141 : f32 to vector<16xf32>
      %swap3A_143 = arith.index_cast %scan3A_43 : i32 to index
      %swap3A_144 = arith.constant 112 : index
      %swap3A_145 = tpu.vector_load %arg7[%swap3A_143, %swap3A_144] {strides = array<i32>} : memref<128x128xf32, #tpu.memory_space<vmem>>, vector<1x16xf32>,
      %swap3A_146 = vector.shape_cast %swap3A_145 : vector<1x16xf32> to vector<16xf32>
      %swap3A_147 = vector.shape_cast %broadcast_in_dim3A_142 : vector<16xf32> to vector<1x16xf32>
      tpu.vector_store %arg7[%swap3A_143, %swap3A_144], %swap3A_147 {strides = array<i32>} : memref<128x128xf32, #tpu.memory_space<vmem>>, vector<1x16xf32>,
      %broadcast_in_dim3A_148 = arith.constant 0.000000e+00 : f32
      %broadcast_in_dim3A_149 = vector.broadcast %broadcast_in_dim3A_148 : f32 to vector<16xf32>
      %swap3A_150 = arith.index_cast %scan3A_43 : i32 to index
      %swap3A_151 = arith.constant 112 : index
      %swap3A_152 = tpu.vector_load %arg8[%swap3A_150, %swap3A_151] {strides = array<i32>} : memref<128x128xf32, #tpu.memory_space<vmem>>, vector<1x16xf32>,
      %swap3A_153 = vector.shape_cast %swap3A_152 : vector<1x16xf32> to vector<16xf32>
      %swap3A_154 = vector.shape_cast %broadcast_in_dim3A_149 : vector<16xf32> to vector<1x16xf32>
      tpu.vector_store %arg8[%swap3A_150, %swap3A_151], %swap3A_154 {strides = array<i32>} : memref<128x128xf32, #tpu.memory_space<vmem>>, vector<1x16xf32>,
      %scan3A_155 = arith.constant 0 : i32
      scf.yield %scan3A_155 : i32
    }
    %scan3A_6 = arith.constant 128 : i32
    %scan3A_7 = arith.constant 0 : i32
    %scan3A_8 = arith.constant 0 : i32
    %scan3A_9 = arith.constant 5 : i32
    %scan3A_10 = arith.addi %scan3A_8, %scan3A_9 : i32
    %scan3A_11 = arith.constant 1 : i32
    %scan3A_12 = scf.for %scan3A_43 = %scan3A_8 to %scan3A_10 step %scan3A_11 iter_args(%scan3A_44 = %scan3A_7) -> (i32)  : i32 {
      %mul3A_45 = arith.constant 640 : i32
      %mul3A_46 = arith.muli %arg1, %mul3A_45 : i32
      %mul3A_47 = arith.constant 128 : i32
      %mul3A_48 = arith.muli %scan3A_43, %mul3A_47 : i32
      %add3A_49 = arith.addi %mul3A_46, %mul3A_48 : i32
      "tpu.region"() ({
        %run_scoped3A = tpu.sem_alloc : memref<!tpu.dma_semaphore, #tpu.memory_space<semaphore_mem>>
        %dma_start3A = arith.constant 0 : i32
        %dma_start3A_51 = tpu.memref_slice %arg9[%add3A_49, %dma_start3A] : memref<10240x128xf32, #tpu.memory_space<vmem_shared>> -> memref<128x128xf32, #tpu.memory_space<vmem_shared>>
        %dma_start3A_52 = arith.constant 0 : i32
        %dma_start3A_53 = tpu.memref_slice %arg9[%add3A_49, %dma_start3A_52] : memref<10240x128xf32, #tpu.memory_space<vmem_shared>> -> memref<128x128xf32, #tpu.memory_space<vmem_shared>>
        tpu.enqueue_dma source(%arg8 : memref<128x128xf32, #tpu.memory_space<vmem>>) target(%dma_start3A_53 : memref<128x128xf32, #tpu.memory_space<vmem_shared>>) target_semaphore(%run_scoped3A : memref<!tpu.dma_semaphore, #tpu.memory_space<semaphore_mem>>)
        %dma_wait3A = arith.constant 0 : i32
        %dma_wait3A_54 = tpu.memref_slice %arg9[%add3A_49, %dma_wait3A] : memref<10240x128xf32, #tpu.memory_space<vmem_shared>> -> memref<128x128xf32, #tpu.memory_space<vmem_shared>>
        %dma_wait3A_55 = arith.constant 0 : i32
        %dma_wait3A_56 = tpu.memref_slice %arg9[%add3A_49, %dma_wait3A_55] : memref<10240x128xf32, #tpu.memory_space<vmem_shared>> -> memref<128x128xf32, #tpu.memory_space<vmem_shared>>
        tpu.wait_dma2 semaphore(%run_scoped3A : memref<!tpu.dma_semaphore, #tpu.memory_space<semaphore_mem>>) src(%arg8 : memref<128x128xf32, #tpu.memory_space<vmem>>) dst(%dma_wait3A_56 : memref<128x128xf32, #tpu.memory_space<vmem_shared>>)
        tpu.yield
      }) : () -> ()
      %scan3A_50 = arith.constant 0 : i32
      scf.yield %scan3A_50 : i32
    }
    %scan3A_13 = arith.constant 5 : i32
    %eq3A = arith.constant 0 : i32
    %eq3A_14 = arith.cmpi eq, %arg1, %eq3A : i32
    %convert_element_type3A = arith.extui %eq3A_14 : i1 to i32
    %cond3A = arith.constant 0 : i32
    %cond3A_15 = arith.cmpi ne, %convert_element_type3A, %cond3A : i32
    scf.if %cond3A_15 {
      "tpu.region"() ({
        %run_scoped3A = tpu.sem_alloc : memref<!tpu.dma_semaphore, #tpu.memory_space<semaphore_mem>>
        tpu.enqueue_dma source(%arg8 : memref<128x128xf32, #tpu.memory_space<vmem>>) target(%arg10 : memref<128x128xf32, #tpu.memory_space<vmem_shared>>) target_semaphore(%run_scoped3A : memref<!tpu.dma_semaphore, #tpu.memory_space<semaphore_mem>>)
        tpu.wait_dma2 semaphore(%run_scoped3A : memref<!tpu.dma_semaphore, #tpu.memory_space<semaphore_mem>>) src(%arg8 : memref<128x128xf32, #tpu.memory_space<vmem>>) dst(%arg10 : memref<128x128xf32, #tpu.memory_space<vmem_shared>>)
        tpu.yield
      }) : () -> ()
    } else {
    }
    %barrier3A = arith.constant 0 : index
    tpu.barrier barrier_id(%barrier3A)
    %scan3A_16 = arith.constant 0 : i32
    %scan3A_17 = arith.constant 0 : i32
    %scan3A_18 = arith.constant 79 : i32
    %scan3A_19 = arith.addi %scan3A_17, %scan3A_18 : i32
    %scan3A_20 = arith.constant 1 : i32
    %scan3A_21 = scf.for %scan3A_43 = %scan3A_17 to %scan3A_19 step %scan3A_20 iter_args(%scan3A_44 = %scan3A_16) -> (i32)  : i32 {
      %mul3A_45 = arith.constant 10112 : i32
      %mul3A_46 = arith.muli %add3A, %mul3A_45 : i32
      %mul3A_47 = arith.constant 128 : i32
      %mul3A_48 = arith.muli %scan3A_43, %mul3A_47 : i32
      %add3A_49 = arith.addi %mul3A_46, %mul3A_48 : i32
      "tpu.region"() ({
        %run_scoped3A = tpu.sem_alloc : memref<!tpu.dma_semaphore, #tpu.memory_space<semaphore_mem>>
        %dma_start3A = tpu.memref_slice %arg2[%add3A_49] : memref<323584xi32, #tpu.memory_space<hbm>> -> memref<128xi32, #tpu.memory_space<hbm>>
        %dma_start3A_51 = tpu.memref_slice %arg2[%add3A_49] : memref<323584xi32, #tpu.memory_space<hbm>> -> memref<128xi32, #tpu.memory_space<hbm>>
        tpu.enqueue_dma source(%dma_start3A_51 : memref<128xi32, #tpu.memory_space<hbm>>) target(%arg6 : memref<128xi32, #tpu.memory_space<vmem>>) target_semaphore(%run_scoped3A : memref<!tpu.dma_semaphore, #tpu.memory_space<semaphore_mem>>)
        %dma_wait3A = tpu.memref_slice %arg2[%add3A_49] : memref<323584xi32, #tpu.memory_space<hbm>> -> memref<128xi32, #tpu.memory_space<hbm>>
        %dma_wait3A_52 = tpu.memref_slice %arg2[%add3A_49] : memref<323584xi32, #tpu.memory_space<hbm>> -> memref<128xi32, #tpu.memory_space<hbm>>
        tpu.wait_dma2 semaphore(%run_scoped3A : memref<!tpu.dma_semaphore, #tpu.memory_space<semaphore_mem>>) src(%dma_wait3A_52 : memref<128xi32, #tpu.memory_space<hbm>>) dst(%arg6 : memref<128xi32, #tpu.memory_space<vmem>>)
        tpu.yield
      }) : () -> ()
      "tpu.region"() ({
        %run_scoped3A = tpu.sem_alloc : memref<!tpu.dma_semaphore, #tpu.memory_space<semaphore_mem>>
        %dma_start3A = arith.constant 0 : i32
        %dma_start3A_51 = arith.constant 0 : i32
        %dma_start3A_52 = tpu.memref_slice %arg9[%dma_start3A, %dma_start3A_51] : memref<10240x128xf32, #tpu.memory_space<vmem_shared>> -> memref<10240x128xf32, #tpu.memory_space<vmem_shared>>
        tpu.enqueue_indirect_dma source(%arg7 : memref<128x128xf32, #tpu.memory_space<vmem>>) target(%dma_start3A_52 : memref<10240x128xf32, #tpu.memory_space<vmem_shared>>) offsets(%arg6 : memref<128xi32, #tpu.memory_space<vmem>>) semaphore(%run_scoped3A : memref<!tpu.dma_semaphore, #tpu.memory_space<semaphore_mem>>) {add = true}
        %dma_wait3A = arith.constant 0 : i32
        %dma_wait3A_53 = arith.constant 0 : i32
        %dma_wait3A_54 = tpu.memref_slice %arg9[%dma_wait3A, %dma_wait3A_53] : memref<10240x128xf32, #tpu.memory_space<vmem_shared>> -> memref<10240x128xf32, #tpu.memory_space<vmem_shared>>
        tpu.wait_indirect_dma semaphore(%run_scoped3A : memref<!tpu.dma_semaphore, #tpu.memory_space<semaphore_mem>>) src(%arg7 : memref<128x128xf32, #tpu.memory_space<vmem>>) dst(%dma_wait3A_54 : memref<10240x128xf32, #tpu.memory_space<vmem_shared>>)
        tpu.yield
      }) : () -> ()
      %scan3A_50 = arith.constant 0 : i32
      scf.yield %scan3A_50 : i32
    }
    %scan3A_22 = arith.constant 79 : i32
    %scan3A_23 = arith.constant 0 : i32
    %scan3A_24 = arith.constant 0 : i32
    %scan3A_25 = arith.constant 3 : i32
    %scan3A_26 = arith.addi %scan3A_24, %scan3A_25 : i32
    %scan3A_27 = arith.constant 1 : i32
    %scan3A_28 = scf.for %scan3A_43 = %scan3A_24 to %scan3A_26 step %scan3A_27 iter_args(%scan3A_44 = %scan3A_23) -> (i32)  : i32 {
      %mul3A_45 = arith.constant 384 : i32
      %mul3A_46 = arith.muli %add3A, %mul3A_45 : i32
      %mul3A_47 = arith.constant 128 : i32
      %mul3A_48 = arith.muli %scan3A_43, %mul3A_47 : i32
      %add3A_49 = arith.addi %mul3A_46, %mul3A_48 : i32
      "tpu.region"() ({
        %run_scoped3A = tpu.sem_alloc : memref<!tpu.dma_semaphore, #tpu.memory_space<semaphore_mem>>
        %dma_start3A = tpu.memref_slice %arg3[%add3A_49] : memref<12288xi32, #tpu.memory_space<hbm>> -> memref<128xi32, #tpu.memory_space<hbm>>
        %dma_start3A_51 = tpu.memref_slice %arg3[%add3A_49] : memref<12288xi32, #tpu.memory_space<hbm>> -> memref<128xi32, #tpu.memory_space<hbm>>
        tpu.enqueue_dma source(%dma_start3A_51 : memref<128xi32, #tpu.memory_space<hbm>>) target(%arg6 : memref<128xi32, #tpu.memory_space<vmem>>) target_semaphore(%run_scoped3A : memref<!tpu.dma_semaphore, #tpu.memory_space<semaphore_mem>>)
        %dma_wait3A = tpu.memref_slice %arg3[%add3A_49] : memref<12288xi32, #tpu.memory_space<hbm>> -> memref<128xi32, #tpu.memory_space<hbm>>
        %dma_wait3A_52 = tpu.memref_slice %arg3[%add3A_49] : memref<12288xi32, #tpu.memory_space<hbm>> -> memref<128xi32, #tpu.memory_space<hbm>>
        tpu.wait_dma2 semaphore(%run_scoped3A : memref<!tpu.dma_semaphore, #tpu.memory_space<semaphore_mem>>) src(%dma_wait3A_52 : memref<128xi32, #tpu.memory_space<hbm>>) dst(%arg6 : memref<128xi32, #tpu.memory_space<vmem>>)
        tpu.yield
      }) : () -> ()
      "tpu.region"() ({
        %run_scoped3A = tpu.sem_alloc : memref<!tpu.dma_semaphore, #tpu.memory_space<semaphore_mem>>
        %dma_start3A = arith.constant 0 : i32
        %dma_start3A_51 = arith.constant 0 : i32
        %dma_start3A_52 = tpu.memref_slice %arg10[%dma_start3A, %dma_start3A_51] : memref<128x128xf32, #tpu.memory_space<vmem_shared>> -> memref<128x128xf32, #tpu.memory_space<vmem_shared>>
        tpu.enqueue_indirect_dma source(%arg7 : memref<128x128xf32, #tpu.memory_space<vmem>>) target(%dma_start3A_52 : memref<128x128xf32, #tpu.memory_space<vmem_shared>>) offsets(%arg6 : memref<128xi32, #tpu.memory_space<vmem>>) semaphore(%run_scoped3A : memref<!tpu.dma_semaphore, #tpu.memory_space<semaphore_mem>>) {add = true}
        %dma_wait3A = arith.constant 0 : i32
        %dma_wait3A_53 = arith.constant 0 : i32
        %dma_wait3A_54 = tpu.memref_slice %arg10[%dma_wait3A, %dma_wait3A_53] : memref<128x128xf32, #tpu.memory_space<vmem_shared>> -> memref<128x128xf32, #tpu.memory_space<vmem_shared>>
        tpu.wait_indirect_dma semaphore(%run_scoped3A : memref<!tpu.dma_semaphore, #tpu.memory_space<semaphore_mem>>) src(%arg7 : memref<128x128xf32, #tpu.memory_space<vmem>>) dst(%dma_wait3A_54 : memref<128x128xf32, #tpu.memory_space<vmem_shared>>)
        tpu.yield
      }) : () -> ()
      %scan3A_50 = arith.constant 0 : i32
      scf.yield %scan3A_50 : i32
    }
    %scan3A_29 = arith.constant 3 : i32
    %barrier3A_30 = arith.constant 0 : index
    tpu.barrier barrier_id(%barrier3A_30)
    %scan3A_31 = arith.constant 0 : i32
    %scan3A_32 = arith.constant 0 : i32
    %scan3A_33 = arith.constant 5 : i32
    %scan3A_34 = arith.addi %scan3A_32, %scan3A_33 : i32
    %scan3A_35 = arith.constant 1 : i32
    %scan3A_36 = scf.for %scan3A_43 = %scan3A_32 to %scan3A_34 step %scan3A_35 iter_args(%scan3A_44 = %scan3A_31) -> (i32)  : i32 {
      %mul3A_45 = arith.constant 640 : i32
      %mul3A_46 = arith.muli %arg1, %mul3A_45 : i32
      %mul3A_47 = arith.constant 128 : i32
      %mul3A_48 = arith.muli %scan3A_43, %mul3A_47 : i32
      %add3A_49 = arith.addi %mul3A_46, %mul3A_48 : i32
      "tpu.region"() ({
        %run_scoped3A = tpu.sem_alloc : memref<!tpu.dma_semaphore, #tpu.memory_space<semaphore_mem>>
        %dma_start3A = arith.constant 0 : i32
        %dma_start3A_51 = tpu.memref_slice %arg4[%arg0, %add3A_49, %dma_start3A] : memref<2x10240x128xf32, #tpu.memory_space<hbm>> -> memref<1x128x128xf32, #tpu.memory_space<hbm>>
        %dma_start3A_52 = tpu.memref_squeeze %dma_start3A_51 : memref<1x128x128xf32, #tpu.memory_space<hbm>> -> memref<128x128xf32, #tpu.memory_space<hbm>>
        %dma_start3A_53 = arith.constant 0 : i32
        %dma_start3A_54 = tpu.memref_slice %arg9[%add3A_49, %dma_start3A_53] : memref<10240x128xf32, #tpu.memory_space<vmem_shared>> -> memref<128x128xf32, #tpu.memory_space<vmem_shared>>
        tpu.enqueue_dma source(%dma_start3A_54 : memref<128x128xf32, #tpu.memory_space<vmem_shared>>) target(%dma_start3A_52 : memref<128x128xf32, #tpu.memory_space<hbm>>) target_semaphore(%run_scoped3A : memref<!tpu.dma_semaphore, #tpu.memory_space<semaphore_mem>>)
        %dma_wait3A = arith.constant 0 : i32
        %dma_wait3A_55 = tpu.memref_slice %arg4[%arg0, %add3A_49, %dma_wait3A] : memref<2x10240x128xf32, #tpu.memory_space<hbm>> -> memref<1x128x128xf32, #tpu.memory_space<hbm>>
        %dma_wait3A_56 = tpu.memref_squeeze %dma_wait3A_55 : memref<1x128x128xf32, #tpu.memory_space<hbm>> -> memref<128x128xf32, #tpu.memory_space<hbm>>
        %dma_wait3A_57 = arith.constant 0 : i32
        %dma_wait3A_58 = tpu.memref_slice %arg9[%add3A_49, %dma_wait3A_57] : memref<10240x128xf32, #tpu.memory_space<vmem_shared>> -> memref<128x128xf32, #tpu.memory_space<vmem_shared>>
        tpu.wait_dma2 semaphore(%run_scoped3A : memref<!tpu.dma_semaphore, #tpu.memory_space<semaphore_mem>>) src(%dma_wait3A_58 : memref<128x128xf32, #tpu.memory_space<vmem_shared>>) dst(%dma_wait3A_56 : memref<128x128xf32, #tpu.memory_space<hbm>>)
        tpu.yield
      }) : () -> ()
      %scan3A_50 = arith.constant 0 : i32
      scf.yield %scan3A_50 : i32
    }
    %scan3A_37 = arith.constant 5 : i32
    %eq3A_38 = arith.constant 0 : i32
    %eq3A_39 = arith.cmpi eq, %arg1, %eq3A_38 : i32
    %convert_element_type3A_40 = arith.extui %eq3A_39 : i1 to i32
    %cond3A_41 = arith.constant 0 : i32
    %cond3A_42 = arith.cmpi ne, %convert_element_type3A_40, %cond3A_41 : i32
    scf.if %cond3A_42 {
      "tpu.region"() ({
        %run_scoped3A = tpu.sem_alloc : memref<!tpu.dma_semaphore, #tpu.memory_space<semaphore_mem>>
        %dma_start3A = arith.constant 0 : i32
        %dma_start3A_43 = arith.constant 0 : i32
        %dma_start3A_44 = tpu.memref_slice %arg5[%arg0, %dma_start3A, %dma_start3A_43] : memref<2x128x128xf32, #tpu.memory_space<hbm>> -> memref<1x128x128xf32, #tpu.memory_space<hbm>>
        %dma_start3A_45 = tpu.memref_squeeze %dma_start3A_44 : memref<1x128x128xf32, #tpu.memory_space<hbm>> -> memref<128x128xf32, #tpu.memory_space<hbm>>
        tpu.enqueue_dma source(%arg10 : memref<128x128xf32, #tpu.memory_space<vmem_shared>>) target(%dma_start3A_45 : memref<128x128xf32, #tpu.memory_space<hbm>>) target_semaphore(%run_scoped3A : memref<!tpu.dma_semaphore, #tpu.memory_space<semaphore_mem>>)
        %dma_wait3A = arith.constant 0 : i32
        %dma_wait3A_46 = arith.constant 0 : i32
        %dma_wait3A_47 = tpu.memref_slice %arg5[%arg0, %dma_wait3A, %dma_wait3A_46] : memref<2x128x128xf32, #tpu.memory_space<hbm>> -> memref<1x128x128xf32, #tpu.memory_space<hbm>>
        %dma_wait3A_48 = tpu.memref_squeeze %dma_wait3A_47 : memref<1x128x128xf32, #tpu.memory_space<hbm>> -> memref<128x128xf32, #tpu.memory_space<hbm>>
        tpu.wait_dma2 semaphore(%run_scoped3A : memref<!tpu.dma_semaphore, #tpu.memory_space<semaphore_mem>>) src(%arg10 : memref<128x128xf32, #tpu.memory_space<vmem_shared>>) dst(%dma_wait3A_48 : memref<128x128xf32, #tpu.memory_space<hbm>>)
        tpu.yield
      }) : () -> ()
    } else {
    }
    return
  }
}

#map = affine_map<(d0, d1) -> (0, 0)>
#map1 = affine_map<(d0, d1) -> (0)>
#map2 = affine_map<(d0, d1) -> (0, 0, 0)>
module attributes {stable_mosaic.version = 14 : i64} {
  func.func @k(%arg0: i32, %arg1: i32, %arg2: memref<10000x128xf32, #tpu.memory_space<hbm>>, %arg3: memref<10000x128xf32, #tpu.memory_space<hbm>>, %arg4: memref<323584xi32, #tpu.memory_space<hbm>>, %arg5: memref<323584xi32, #tpu.memory_space<hbm>>, %arg6: memref<2x10240x128xf32, #tpu.memory_space<hbm>>, %arg7: memref<128xi32, #tpu.memory_space<vmem>>, %arg8: memref<128xi32, #tpu.memory_space<vmem>>, %arg9: memref<128x128xf32, #tpu.memory_space<vmem>>, %arg10: memref<128x128xf32, #tpu.memory_space<vmem>>, %arg11: memref<10240x128xf32, #tpu.memory_space<vmem_shared>>, %arg12: memref<!tpu.dma_semaphore, #tpu.memory_space<semaphore_mem>>) attributes {dimension_semantics = [#tpu.dimension_semantics<core_parallel>, #tpu.dimension_semantics<subcore_parallel>], iteration_bounds = array<i64: 2, 16>, scalar_prefetch = 0 : i64, scratch_operands = 6 : i64, tpu.core_type = #tpu.core_type<sc_vector_subcore>, window_params = [{transform_indices = #map}, {transform_indices = #map}, {transform_indices = #map1}, {transform_indices = #map1}, {transform_indices = #map2}]} {
    %scan3A = arith.constant 0 : i32
    %scan3A_0 = arith.constant 0 : i32
    %scan3A_1 = arith.constant 128 : i32
    %scan3A_2 = arith.addi %scan3A_0, %scan3A_1 : i32
    %scan3A_3 = arith.constant 1 : i32
    %scan3A_4 = scf.for %scan3A_28 = %scan3A_0 to %scan3A_2 step %scan3A_3 iter_args(%scan3A_29 = %scan3A) -> (i32)  : i32 {
      %broadcast_in_dim3A = arith.constant 0.000000e+00 : f32
      %broadcast_in_dim3A_30 = vector.broadcast %broadcast_in_dim3A : f32 to vector<16xf32>
      %swap3A = arith.index_cast %scan3A_28 : i32 to index
      %swap3A_31 = arith.constant 0 : index
      %swap3A_32 = tpu.vector_load %arg10[%swap3A, %swap3A_31] {strides = array<i32>} : memref<128x128xf32, #tpu.memory_space<vmem>>, vector<1x16xf32>,
      %swap3A_33 = vector.shape_cast %swap3A_32 : vector<1x16xf32> to vector<16xf32>
      %swap3A_34 = vector.shape_cast %broadcast_in_dim3A_30 : vector<16xf32> to vector<1x16xf32>
      tpu.vector_store %arg10[%swap3A, %swap3A_31], %swap3A_34 {strides = array<i32>} : memref<128x128xf32, #tpu.memory_space<vmem>>, vector<1x16xf32>,
      %broadcast_in_dim3A_35 = arith.constant 0.000000e+00 : f32
      %broadcast_in_dim3A_36 = vector.broadcast %broadcast_in_dim3A_35 : f32 to vector<16xf32>
      %swap3A_37 = arith.index_cast %scan3A_28 : i32 to index
      %swap3A_38 = arith.constant 16 : index
      %swap3A_39 = tpu.vector_load %arg10[%swap3A_37, %swap3A_38] {strides = array<i32>} : memref<128x128xf32, #tpu.memory_space<vmem>>, vector<1x16xf32>,
      %swap3A_40 = vector.shape_cast %swap3A_39 : vector<1x16xf32> to vector<16xf32>
      %swap3A_41 = vector.shape_cast %broadcast_in_dim3A_36 : vector<16xf32> to vector<1x16xf32>
      tpu.vector_store %arg10[%swap3A_37, %swap3A_38], %swap3A_41 {strides = array<i32>} : memref<128x128xf32, #tpu.memory_space<vmem>>, vector<1x16xf32>,
      %broadcast_in_dim3A_42 = arith.constant 0.000000e+00 : f32
      %broadcast_in_dim3A_43 = vector.broadcast %broadcast_in_dim3A_42 : f32 to vector<16xf32>
      %swap3A_44 = arith.index_cast %scan3A_28 : i32 to index
      %swap3A_45 = arith.constant 32 : index
      %swap3A_46 = tpu.vector_load %arg10[%swap3A_44, %swap3A_45] {strides = array<i32>} : memref<128x128xf32, #tpu.memory_space<vmem>>, vector<1x16xf32>,
      %swap3A_47 = vector.shape_cast %swap3A_46 : vector<1x16xf32> to vector<16xf32>
      %swap3A_48 = vector.shape_cast %broadcast_in_dim3A_43 : vector<16xf32> to vector<1x16xf32>
      tpu.vector_store %arg10[%swap3A_44, %swap3A_45], %swap3A_48 {strides = array<i32>} : memref<128x128xf32, #tpu.memory_space<vmem>>, vector<1x16xf32>,
      %broadcast_in_dim3A_49 = arith.constant 0.000000e+00 : f32
      %broadcast_in_dim3A_50 = vector.broadcast %broadcast_in_dim3A_49 : f32 to vector<16xf32>
      %swap3A_51 = arith.index_cast %scan3A_28 : i32 to index
      %swap3A_52 = arith.constant 48 : index
      %swap3A_53 = tpu.vector_load %arg10[%swap3A_51, %swap3A_52] {strides = array<i32>} : memref<128x128xf32, #tpu.memory_space<vmem>>, vector<1x16xf32>,
      %swap3A_54 = vector.shape_cast %swap3A_53 : vector<1x16xf32> to vector<16xf32>
      %swap3A_55 = vector.shape_cast %broadcast_in_dim3A_50 : vector<16xf32> to vector<1x16xf32>
      tpu.vector_store %arg10[%swap3A_51, %swap3A_52], %swap3A_55 {strides = array<i32>} : memref<128x128xf32, #tpu.memory_space<vmem>>, vector<1x16xf32>,
      %broadcast_in_dim3A_56 = arith.constant 0.000000e+00 : f32
      %broadcast_in_dim3A_57 = vector.broadcast %broadcast_in_dim3A_56 : f32 to vector<16xf32>
      %swap3A_58 = arith.index_cast %scan3A_28 : i32 to index
      %swap3A_59 = arith.constant 64 : index
      %swap3A_60 = tpu.vector_load %arg10[%swap3A_58, %swap3A_59] {strides = array<i32>} : memref<128x128xf32, #tpu.memory_space<vmem>>, vector<1x16xf32>,
      %swap3A_61 = vector.shape_cast %swap3A_60 : vector<1x16xf32> to vector<16xf32>
      %swap3A_62 = vector.shape_cast %broadcast_in_dim3A_57 : vector<16xf32> to vector<1x16xf32>
      tpu.vector_store %arg10[%swap3A_58, %swap3A_59], %swap3A_62 {strides = array<i32>} : memref<128x128xf32, #tpu.memory_space<vmem>>, vector<1x16xf32>,
      %broadcast_in_dim3A_63 = arith.constant 0.000000e+00 : f32
      %broadcast_in_dim3A_64 = vector.broadcast %broadcast_in_dim3A_63 : f32 to vector<16xf32>
      %swap3A_65 = arith.index_cast %scan3A_28 : i32 to index
      %swap3A_66 = arith.constant 80 : index
      %swap3A_67 = tpu.vector_load %arg10[%swap3A_65, %swap3A_66] {strides = array<i32>} : memref<128x128xf32, #tpu.memory_space<vmem>>, vector<1x16xf32>,
      %swap3A_68 = vector.shape_cast %swap3A_67 : vector<1x16xf32> to vector<16xf32>
      %swap3A_69 = vector.shape_cast %broadcast_in_dim3A_64 : vector<16xf32> to vector<1x16xf32>
      tpu.vector_store %arg10[%swap3A_65, %swap3A_66], %swap3A_69 {strides = array<i32>} : memref<128x128xf32, #tpu.memory_space<vmem>>, vector<1x16xf32>,
      %broadcast_in_dim3A_70 = arith.constant 0.000000e+00 : f32
      %broadcast_in_dim3A_71 = vector.broadcast %broadcast_in_dim3A_70 : f32 to vector<16xf32>
      %swap3A_72 = arith.index_cast %scan3A_28 : i32 to index
      %swap3A_73 = arith.constant 96 : index
      %swap3A_74 = tpu.vector_load %arg10[%swap3A_72, %swap3A_73] {strides = array<i32>} : memref<128x128xf32, #tpu.memory_space<vmem>>, vector<1x16xf32>,
      %swap3A_75 = vector.shape_cast %swap3A_74 : vector<1x16xf32> to vector<16xf32>
      %swap3A_76 = vector.shape_cast %broadcast_in_dim3A_71 : vector<16xf32> to vector<1x16xf32>
      tpu.vector_store %arg10[%swap3A_72, %swap3A_73], %swap3A_76 {strides = array<i32>} : memref<128x128xf32, #tpu.memory_space<vmem>>, vector<1x16xf32>,
      %broadcast_in_dim3A_77 = arith.constant 0.000000e+00 : f32
      %broadcast_in_dim3A_78 = vector.broadcast %broadcast_in_dim3A_77 : f32 to vector<16xf32>
      %swap3A_79 = arith.index_cast %scan3A_28 : i32 to index
      %swap3A_80 = arith.constant 112 : index
      %swap3A_81 = tpu.vector_load %arg10[%swap3A_79, %swap3A_80] {strides = array<i32>} : memref<128x128xf32, #tpu.memory_space<vmem>>, vector<1x16xf32>,
      %swap3A_82 = vector.shape_cast %swap3A_81 : vector<1x16xf32> to vector<16xf32>
      %swap3A_83 = vector.shape_cast %broadcast_in_dim3A_78 : vector<16xf32> to vector<1x16xf32>
      tpu.vector_store %arg10[%swap3A_79, %swap3A_80], %swap3A_83 {strides = array<i32>} : memref<128x128xf32, #tpu.memory_space<vmem>>, vector<1x16xf32>,
      %scan3A_84 = arith.constant 0 : i32
      scf.yield %scan3A_84 : i32
    }
    %scan3A_5 = arith.constant 128 : i32
    %scan3A_6 = arith.constant 0 : i32
    %scan3A_7 = arith.constant 0 : i32
    %scan3A_8 = arith.constant 5 : i32
    %scan3A_9 = arith.addi %scan3A_7, %scan3A_8 : i32
    %scan3A_10 = arith.constant 1 : i32
    %scan3A_11 = scf.for %scan3A_28 = %scan3A_7 to %scan3A_9 step %scan3A_10 iter_args(%scan3A_29 = %scan3A_6) -> (i32)  : i32 {
      %mul3A = arith.constant 640 : i32
      %mul3A_30 = arith.muli %arg1, %mul3A : i32
      %mul3A_31 = arith.constant 128 : i32
      %mul3A_32 = arith.muli %scan3A_28, %mul3A_31 : i32
      %add3A = arith.addi %mul3A_30, %mul3A_32 : i32
      "tpu.region"() ({
        %run_scoped3A = tpu.sem_alloc : memref<!tpu.dma_semaphore, #tpu.memory_space<semaphore_mem>>
        %dma_start3A = arith.constant 0 : i32
        %dma_start3A_34 = tpu.memref_slice %arg11[%add3A, %dma_start3A] : memref<10240x128xf32, #tpu.memory_space<vmem_shared>> -> memref<128x128xf32, #tpu.memory_space<vmem_shared>>
        %dma_start3A_35 = arith.constant 0 : i32
        %dma_start3A_36 = tpu.memref_slice %arg11[%add3A, %dma_start3A_35] : memref<10240x128xf32, #tpu.memory_space<vmem_shared>> -> memref<128x128xf32, #tpu.memory_space<vmem_shared>>
        tpu.enqueue_dma source(%arg10 : memref<128x128xf32, #tpu.memory_space<vmem>>) target(%dma_start3A_36 : memref<128x128xf32, #tpu.memory_space<vmem_shared>>) target_semaphore(%run_scoped3A : memref<!tpu.dma_semaphore, #tpu.memory_space<semaphore_mem>>)
        %dma_wait3A = arith.constant 0 : i32
        %dma_wait3A_37 = tpu.memref_slice %arg11[%add3A, %dma_wait3A] : memref<10240x128xf32, #tpu.memory_space<vmem_shared>> -> memref<128x128xf32, #tpu.memory_space<vmem_shared>>
        %dma_wait3A_38 = arith.constant 0 : i32
        %dma_wait3A_39 = tpu.memref_slice %arg11[%add3A, %dma_wait3A_38] : memref<10240x128xf32, #tpu.memory_space<vmem_shared>> -> memref<128x128xf32, #tpu.memory_space<vmem_shared>>
        tpu.wait_dma2 semaphore(%run_scoped3A : memref<!tpu.dma_semaphore, #tpu.memory_space<semaphore_mem>>) src(%arg10 : memref<128x128xf32, #tpu.memory_space<vmem>>) dst(%dma_wait3A_39 : memref<128x128xf32, #tpu.memory_space<vmem_shared>>)
        tpu.yield
      }) : () -> ()
      %scan3A_33 = arith.constant 0 : i32
      scf.yield %scan3A_33 : i32
    }
    %scan3A_12 = arith.constant 5 : i32
    %barrier3A = arith.constant 0 : index
    tpu.barrier barrier_id(%barrier3A)
    %eq3A = arith.constant 0 : i32
    %eq3A_13 = arith.cmpi eq, %arg0, %eq3A : i32
    %convert_element_type3A = arith.extui %eq3A_13 : i1 to i32
    %cond3A = arith.constant 0 : i32
    %cond3A_14 = arith.cmpi ne, %convert_element_type3A, %cond3A : i32
    scf.if %cond3A_14 {
      %scan3A_28 = arith.constant 0 : i32
      %scan3A_29 = arith.constant 0 : i32
      %scan3A_30 = arith.constant 158 : i32
      %scan3A_31 = arith.addi %scan3A_29, %scan3A_30 : i32
      %scan3A_32 = arith.constant 1 : i32
      %scan3A_33 = scf.for %scan3A_35 = %scan3A_29 to %scan3A_31 step %scan3A_32 iter_args(%scan3A_36 = %scan3A_28) -> (i32)  : i32 {
        %mul3A = arith.constant 20224 : i32
        %mul3A_37 = arith.muli %arg1, %mul3A : i32
        %mul3A_38 = arith.constant 128 : i32
        %mul3A_39 = arith.muli %scan3A_35, %mul3A_38 : i32
        %add3A = arith.addi %mul3A_37, %mul3A_39 : i32
        "tpu.region"() ({
          %run_scoped3A = tpu.sem_alloc : memref<!tpu.dma_semaphore, #tpu.memory_space<semaphore_mem>>
          %dma_start3A_45 = tpu.memref_slice %arg4[%add3A] : memref<323584xi32, #tpu.memory_space<hbm>> -> memref<128xi32, #tpu.memory_space<hbm>>
          %dma_start3A_46 = tpu.memref_slice %arg4[%add3A] : memref<323584xi32, #tpu.memory_space<hbm>> -> memref<128xi32, #tpu.memory_space<hbm>>
          tpu.enqueue_dma source(%dma_start3A_46 : memref<128xi32, #tpu.memory_space<hbm>>) target(%arg7 : memref<128xi32, #tpu.memory_space<vmem>>) target_semaphore(%run_scoped3A : memref<!tpu.dma_semaphore, #tpu.memory_space<semaphore_mem>>)
          %dma_wait3A_47 = tpu.memref_slice %arg4[%add3A] : memref<323584xi32, #tpu.memory_space<hbm>> -> memref<128xi32, #tpu.memory_space<hbm>>
          %dma_wait3A_48 = tpu.memref_slice %arg4[%add3A] : memref<323584xi32, #tpu.memory_space<hbm>> -> memref<128xi32, #tpu.memory_space<hbm>>
          tpu.wait_dma2 semaphore(%run_scoped3A : memref<!tpu.dma_semaphore, #tpu.memory_space<semaphore_mem>>) src(%dma_wait3A_48 : memref<128xi32, #tpu.memory_space<hbm>>) dst(%arg7 : memref<128xi32, #tpu.memory_space<vmem>>)
          tpu.yield
        }) : () -> ()
        "tpu.region"() ({
          %run_scoped3A = tpu.sem_alloc : memref<!tpu.dma_semaphore, #tpu.memory_space<semaphore_mem>>
          %dma_start3A_45 = tpu.memref_slice %arg5[%add3A] : memref<323584xi32, #tpu.memory_space<hbm>> -> memref<128xi32, #tpu.memory_space<hbm>>
          %dma_start3A_46 = tpu.memref_slice %arg5[%add3A] : memref<323584xi32, #tpu.memory_space<hbm>> -> memref<128xi32, #tpu.memory_space<hbm>>
          tpu.enqueue_dma source(%dma_start3A_46 : memref<128xi32, #tpu.memory_space<hbm>>) target(%arg8 : memref<128xi32, #tpu.memory_space<vmem>>) target_semaphore(%run_scoped3A : memref<!tpu.dma_semaphore, #tpu.memory_space<semaphore_mem>>)
          %dma_wait3A_47 = tpu.memref_slice %arg5[%add3A] : memref<323584xi32, #tpu.memory_space<hbm>> -> memref<128xi32, #tpu.memory_space<hbm>>
          %dma_wait3A_48 = tpu.memref_slice %arg5[%add3A] : memref<323584xi32, #tpu.memory_space<hbm>> -> memref<128xi32, #tpu.memory_space<hbm>>
          tpu.wait_dma2 semaphore(%run_scoped3A : memref<!tpu.dma_semaphore, #tpu.memory_space<semaphore_mem>>) src(%dma_wait3A_48 : memref<128xi32, #tpu.memory_space<hbm>>) dst(%arg8 : memref<128xi32, #tpu.memory_space<vmem>>)
          tpu.yield
        }) : () -> ()
        %dma_start3A = arith.constant 0 : i32
        %dma_start3A_40 = arith.constant 0 : i32
        %dma_start3A_41 = tpu.memref_slice %arg2[%dma_start3A, %dma_start3A_40] : memref<10000x128xf32, #tpu.memory_space<hbm>> -> memref<10000x128xf32, #tpu.memory_space<hbm>>
        tpu.enqueue_indirect_dma source(%dma_start3A_41 : memref<10000x128xf32, #tpu.memory_space<hbm>>) target(%arg9 : memref<128x128xf32, #tpu.memory_space<vmem>>) offsets(%arg7 : memref<128xi32, #tpu.memory_space<vmem>>) semaphore(%arg12 : memref<!tpu.dma_semaphore, #tpu.memory_space<semaphore_mem>>)
        %dma_wait3A = arith.constant 0 : i32
        %dma_wait3A_42 = arith.constant 0 : i32
        %dma_wait3A_43 = tpu.memref_slice %arg2[%dma_wait3A, %dma_wait3A_42] : memref<10000x128xf32, #tpu.memory_space<hbm>> -> memref<10000x128xf32, #tpu.memory_space<hbm>>
        tpu.wait_indirect_dma semaphore(%arg12 : memref<!tpu.dma_semaphore, #tpu.memory_space<semaphore_mem>>) src(%dma_wait3A_43 : memref<10000x128xf32, #tpu.memory_space<hbm>>) dst(%arg9 : memref<128x128xf32, #tpu.memory_space<vmem>>)
        "tpu.region"() ({
          %run_scoped3A = tpu.sem_alloc : memref<!tpu.dma_semaphore, #tpu.memory_space<semaphore_mem>>
          %dma_start3A_45 = arith.constant 0 : i32
          %dma_start3A_46 = arith.constant 0 : i32
          %dma_start3A_47 = tpu.memref_slice %arg11[%dma_start3A_45, %dma_start3A_46] : memref<10240x128xf32, #tpu.memory_space<vmem_shared>> -> memref<10240x128xf32, #tpu.memory_space<vmem_shared>>
          tpu.enqueue_indirect_dma source(%arg9 : memref<128x128xf32, #tpu.memory_space<vmem>>) target(%dma_start3A_47 : memref<10240x128xf32, #tpu.memory_space<vmem_shared>>) offsets(%arg8 : memref<128xi32, #tpu.memory_space<vmem>>) semaphore(%run_scoped3A : memref<!tpu.dma_semaphore, #tpu.memory_space<semaphore_mem>>) {add = true}
          %dma_wait3A_48 = arith.constant 0 : i32
          %dma_wait3A_49 = arith.constant 0 : i32
          %dma_wait3A_50 = tpu.memref_slice %arg11[%dma_wait3A_48, %dma_wait3A_49] : memref<10240x128xf32, #tpu.memory_space<vmem_shared>> -> memref<10240x128xf32, #tpu.memory_space<vmem_shared>>
          tpu.wait_indirect_dma semaphore(%run_scoped3A : memref<!tpu.dma_semaphore, #tpu.memory_space<semaphore_mem>>) src(%arg9 : memref<128x128xf32, #tpu.memory_space<vmem>>) dst(%dma_wait3A_50 : memref<10240x128xf32, #tpu.memory_space<vmem_shared>>)
          tpu.yield
        }) : () -> ()
        %scan3A_44 = arith.constant 0 : i32
        scf.yield %scan3A_44 : i32
      }
      %scan3A_34 = arith.constant 158 : i32
    } else {
    }
    %eq3A_15 = arith.constant 1 : i32
    %eq3A_16 = arith.cmpi eq, %arg0, %eq3A_15 : i32
    %convert_element_type3A_17 = arith.extui %eq3A_16 : i1 to i32
    %cond3A_18 = arith.constant 0 : i32
    %cond3A_19 = arith.cmpi ne, %convert_element_type3A_17, %cond3A_18 : i32
    scf.if %cond3A_19 {
      %scan3A_28 = arith.constant 0 : i32
      %scan3A_29 = arith.constant 0 : i32
      %scan3A_30 = arith.constant 158 : i32
      %scan3A_31 = arith.addi %scan3A_29, %scan3A_30 : i32
      %scan3A_32 = arith.constant 1 : i32
      %scan3A_33 = scf.for %scan3A_35 = %scan3A_29 to %scan3A_31 step %scan3A_32 iter_args(%scan3A_36 = %scan3A_28) -> (i32)  : i32 {
        %mul3A = arith.constant 20224 : i32
        %mul3A_37 = arith.muli %arg1, %mul3A : i32
        %mul3A_38 = arith.constant 128 : i32
        %mul3A_39 = arith.muli %scan3A_35, %mul3A_38 : i32
        %add3A = arith.addi %mul3A_37, %mul3A_39 : i32
        "tpu.region"() ({
          %run_scoped3A = tpu.sem_alloc : memref<!tpu.dma_semaphore, #tpu.memory_space<semaphore_mem>>
          %dma_start3A_45 = tpu.memref_slice %arg4[%add3A] : memref<323584xi32, #tpu.memory_space<hbm>> -> memref<128xi32, #tpu.memory_space<hbm>>
          %dma_start3A_46 = tpu.memref_slice %arg4[%add3A] : memref<323584xi32, #tpu.memory_space<hbm>> -> memref<128xi32, #tpu.memory_space<hbm>>
          tpu.enqueue_dma source(%dma_start3A_46 : memref<128xi32, #tpu.memory_space<hbm>>) target(%arg7 : memref<128xi32, #tpu.memory_space<vmem>>) target_semaphore(%run_scoped3A : memref<!tpu.dma_semaphore, #tpu.memory_space<semaphore_mem>>)
          %dma_wait3A_47 = tpu.memref_slice %arg4[%add3A] : memref<323584xi32, #tpu.memory_space<hbm>> -> memref<128xi32, #tpu.memory_space<hbm>>
          %dma_wait3A_48 = tpu.memref_slice %arg4[%add3A] : memref<323584xi32, #tpu.memory_space<hbm>> -> memref<128xi32, #tpu.memory_space<hbm>>
          tpu.wait_dma2 semaphore(%run_scoped3A : memref<!tpu.dma_semaphore, #tpu.memory_space<semaphore_mem>>) src(%dma_wait3A_48 : memref<128xi32, #tpu.memory_space<hbm>>) dst(%arg7 : memref<128xi32, #tpu.memory_space<vmem>>)
          tpu.yield
        }) : () -> ()
        "tpu.region"() ({
          %run_scoped3A = tpu.sem_alloc : memref<!tpu.dma_semaphore, #tpu.memory_space<semaphore_mem>>
          %dma_start3A_45 = tpu.memref_slice %arg5[%add3A] : memref<323584xi32, #tpu.memory_space<hbm>> -> memref<128xi32, #tpu.memory_space<hbm>>
          %dma_start3A_46 = tpu.memref_slice %arg5[%add3A] : memref<323584xi32, #tpu.memory_space<hbm>> -> memref<128xi32, #tpu.memory_space<hbm>>
          tpu.enqueue_dma source(%dma_start3A_46 : memref<128xi32, #tpu.memory_space<hbm>>) target(%arg8 : memref<128xi32, #tpu.memory_space<vmem>>) target_semaphore(%run_scoped3A : memref<!tpu.dma_semaphore, #tpu.memory_space<semaphore_mem>>)
          %dma_wait3A_47 = tpu.memref_slice %arg5[%add3A] : memref<323584xi32, #tpu.memory_space<hbm>> -> memref<128xi32, #tpu.memory_space<hbm>>
          %dma_wait3A_48 = tpu.memref_slice %arg5[%add3A] : memref<323584xi32, #tpu.memory_space<hbm>> -> memref<128xi32, #tpu.memory_space<hbm>>
          tpu.wait_dma2 semaphore(%run_scoped3A : memref<!tpu.dma_semaphore, #tpu.memory_space<semaphore_mem>>) src(%dma_wait3A_48 : memref<128xi32, #tpu.memory_space<hbm>>) dst(%arg8 : memref<128xi32, #tpu.memory_space<vmem>>)
          tpu.yield
        }) : () -> ()
        %dma_start3A = arith.constant 0 : i32
        %dma_start3A_40 = arith.constant 0 : i32
        %dma_start3A_41 = tpu.memref_slice %arg3[%dma_start3A, %dma_start3A_40] : memref<10000x128xf32, #tpu.memory_space<hbm>> -> memref<10000x128xf32, #tpu.memory_space<hbm>>
        tpu.enqueue_indirect_dma source(%dma_start3A_41 : memref<10000x128xf32, #tpu.memory_space<hbm>>) target(%arg9 : memref<128x128xf32, #tpu.memory_space<vmem>>) offsets(%arg7 : memref<128xi32, #tpu.memory_space<vmem>>) semaphore(%arg12 : memref<!tpu.dma_semaphore, #tpu.memory_space<semaphore_mem>>)
        %dma_wait3A = arith.constant 0 : i32
        %dma_wait3A_42 = arith.constant 0 : i32
        %dma_wait3A_43 = tpu.memref_slice %arg3[%dma_wait3A, %dma_wait3A_42] : memref<10000x128xf32, #tpu.memory_space<hbm>> -> memref<10000x128xf32, #tpu.memory_space<hbm>>
        tpu.wait_indirect_dma semaphore(%arg12 : memref<!tpu.dma_semaphore, #tpu.memory_space<semaphore_mem>>) src(%dma_wait3A_43 : memref<10000x128xf32, #tpu.memory_space<hbm>>) dst(%arg9 : memref<128x128xf32, #tpu.memory_space<vmem>>)
        "tpu.region"() ({
          %run_scoped3A = tpu.sem_alloc : memref<!tpu.dma_semaphore, #tpu.memory_space<semaphore_mem>>
          %dma_start3A_45 = arith.constant 0 : i32
          %dma_start3A_46 = arith.constant 0 : i32
          %dma_start3A_47 = tpu.memref_slice %arg11[%dma_start3A_45, %dma_start3A_46] : memref<10240x128xf32, #tpu.memory_space<vmem_shared>> -> memref<10240x128xf32, #tpu.memory_space<vmem_shared>>
          tpu.enqueue_indirect_dma source(%arg9 : memref<128x128xf32, #tpu.memory_space<vmem>>) target(%dma_start3A_47 : memref<10240x128xf32, #tpu.memory_space<vmem_shared>>) offsets(%arg8 : memref<128xi32, #tpu.memory_space<vmem>>) semaphore(%run_scoped3A : memref<!tpu.dma_semaphore, #tpu.memory_space<semaphore_mem>>) {add = true}
          %dma_wait3A_48 = arith.constant 0 : i32
          %dma_wait3A_49 = arith.constant 0 : i32
          %dma_wait3A_50 = tpu.memref_slice %arg11[%dma_wait3A_48, %dma_wait3A_49] : memref<10240x128xf32, #tpu.memory_space<vmem_shared>> -> memref<10240x128xf32, #tpu.memory_space<vmem_shared>>
          tpu.wait_indirect_dma semaphore(%run_scoped3A : memref<!tpu.dma_semaphore, #tpu.memory_space<semaphore_mem>>) src(%arg9 : memref<128x128xf32, #tpu.memory_space<vmem>>) dst(%dma_wait3A_50 : memref<10240x128xf32, #tpu.memory_space<vmem_shared>>)
          tpu.yield
        }) : () -> ()
        %scan3A_44 = arith.constant 0 : i32
        scf.yield %scan3A_44 : i32
      }
      %scan3A_34 = arith.constant 158 : i32
    } else {
    }
    %barrier3A_20 = arith.constant 0 : index
    tpu.barrier barrier_id(%barrier3A_20)
    %scan3A_21 = arith.constant 0 : i32
    %scan3A_22 = arith.constant 0 : i32
    %scan3A_23 = arith.constant 5 : i32
    %scan3A_24 = arith.addi %scan3A_22, %scan3A_23 : i32
    %scan3A_25 = arith.constant 1 : i32
    %scan3A_26 = scf.for %scan3A_28 = %scan3A_22 to %scan3A_24 step %scan3A_25 iter_args(%scan3A_29 = %scan3A_21) -> (i32)  : i32 {
      %mul3A = arith.constant 640 : i32
      %mul3A_30 = arith.muli %arg1, %mul3A : i32
      %mul3A_31 = arith.constant 128 : i32
      %mul3A_32 = arith.muli %scan3A_28, %mul3A_31 : i32
      %add3A = arith.addi %mul3A_30, %mul3A_32 : i32
      "tpu.region"() ({
        %run_scoped3A = tpu.sem_alloc : memref<!tpu.dma_semaphore, #tpu.memory_space<semaphore_mem>>
        %dma_start3A = arith.constant 0 : i32
        %dma_start3A_34 = tpu.memref_slice %arg6[%arg0, %add3A, %dma_start3A] : memref<2x10240x128xf32, #tpu.memory_space<hbm>> -> memref<1x128x128xf32, #tpu.memory_space<hbm>>
        %dma_start3A_35 = tpu.memref_squeeze %dma_start3A_34 : memref<1x128x128xf32, #tpu.memory_space<hbm>> -> memref<128x128xf32, #tpu.memory_space<hbm>>
        %dma_start3A_36 = arith.constant 0 : i32
        %dma_start3A_37 = tpu.memref_slice %arg11[%add3A, %dma_start3A_36] : memref<10240x128xf32, #tpu.memory_space<vmem_shared>> -> memref<128x128xf32, #tpu.memory_space<vmem_shared>>
        tpu.enqueue_dma source(%dma_start3A_37 : memref<128x128xf32, #tpu.memory_space<vmem_shared>>) target(%dma_start3A_35 : memref<128x128xf32, #tpu.memory_space<hbm>>) target_semaphore(%run_scoped3A : memref<!tpu.dma_semaphore, #tpu.memory_space<semaphore_mem>>)
        %dma_wait3A = arith.constant 0 : i32
        %dma_wait3A_38 = tpu.memref_slice %arg6[%arg0, %add3A, %dma_wait3A] : memref<2x10240x128xf32, #tpu.memory_space<hbm>> -> memref<1x128x128xf32, #tpu.memory_space<hbm>>
        %dma_wait3A_39 = tpu.memref_squeeze %dma_wait3A_38 : memref<1x128x128xf32, #tpu.memory_space<hbm>> -> memref<128x128xf32, #tpu.memory_space<hbm>>
        %dma_wait3A_40 = arith.constant 0 : i32
        %dma_wait3A_41 = tpu.memref_slice %arg11[%add3A, %dma_wait3A_40] : memref<10240x128xf32, #tpu.memory_space<vmem_shared>> -> memref<128x128xf32, #tpu.memory_space<vmem_shared>>
        tpu.wait_dma2 semaphore(%run_scoped3A : memref<!tpu.dma_semaphore, #tpu.memory_space<semaphore_mem>>) src(%dma_wait3A_41 : memref<128x128xf32, #tpu.memory_space<vmem_shared>>) dst(%dma_wait3A_39 : memref<128x128xf32, #tpu.memory_space<hbm>>)
        tpu.yield
      }) : () -> ()
      %scan3A_33 = arith.constant 0 : i32
      scf.yield %scan3A_33 : i32
    }
    %scan3A_27 = arith.constant 5 : i32
    return
  }
}

#map = affine_map<(d0, d1) -> (0, 0)>
#map1 = affine_map<(d0, d1) -> (0)>
#map2 = affine_map<(d0, d1) -> (0, 0, 0)>
module attributes {stable_mosaic.version = 14 : i64} {
  func.func @k(%arg0: i32, %arg1: i32, %arg2: memref<10000x128xf32, #tpu.memory_space<hbm>>, %arg3: memref<323584xi32, #tpu.memory_space<hbm>>, %arg4: memref<323584xi32, #tpu.memory_space<hbm>>, %arg5: memref<2x10240x128xf32, #tpu.memory_space<hbm>>, %arg6: memref<128xi32, #tpu.memory_space<vmem>>, %arg7: memref<128xi32, #tpu.memory_space<vmem>>, %arg8: memref<128x128xf32, #tpu.memory_space<vmem>>, %arg9: memref<128x128xf32, #tpu.memory_space<vmem>>, %arg10: memref<10240x128xf32, #tpu.memory_space<vmem_shared>>, %arg11: memref<!tpu.dma_semaphore, #tpu.memory_space<semaphore_mem>>) attributes {dimension_semantics = [#tpu.dimension_semantics<core_parallel>, #tpu.dimension_semantics<subcore_parallel>], iteration_bounds = array<i64: 2, 16>, scalar_prefetch = 0 : i64, scratch_operands = 6 : i64, tpu.core_type = #tpu.core_type<sc_vector_subcore>, window_params = [{transform_indices = #map}, {transform_indices = #map1}, {transform_indices = #map1}, {transform_indices = #map2}]} {
    %mul3A = arith.constant 2 : i32
    %mul3A_0 = arith.muli %arg1, %mul3A : i32
    %add3A = arith.addi %mul3A_0, %arg0 : i32
    %scan3A = arith.constant 0 : i32
    %scan3A_1 = arith.constant 0 : i32
    %scan3A_2 = arith.constant 128 : i32
    %scan3A_3 = arith.addi %scan3A_1, %scan3A_2 : i32
    %scan3A_4 = arith.constant 1 : i32
    %scan3A_5 = scf.for %scan3A_29 = %scan3A_1 to %scan3A_3 step %scan3A_4 iter_args(%scan3A_30 = %scan3A) -> (i32)  : i32 {
      %broadcast_in_dim3A = arith.constant 0.000000e+00 : f32
      %broadcast_in_dim3A_31 = vector.broadcast %broadcast_in_dim3A : f32 to vector<16xf32>
      %swap3A = arith.index_cast %scan3A_29 : i32 to index
      %swap3A_32 = arith.constant 0 : index
      %swap3A_33 = tpu.vector_load %arg9[%swap3A, %swap3A_32] {strides = array<i32>} : memref<128x128xf32, #tpu.memory_space<vmem>>, vector<1x16xf32>,
      %swap3A_34 = vector.shape_cast %swap3A_33 : vector<1x16xf32> to vector<16xf32>
      %swap3A_35 = vector.shape_cast %broadcast_in_dim3A_31 : vector<16xf32> to vector<1x16xf32>
      tpu.vector_store %arg9[%swap3A, %swap3A_32], %swap3A_35 {strides = array<i32>} : memref<128x128xf32, #tpu.memory_space<vmem>>, vector<1x16xf32>,
      %broadcast_in_dim3A_36 = arith.constant 0.000000e+00 : f32
      %broadcast_in_dim3A_37 = vector.broadcast %broadcast_in_dim3A_36 : f32 to vector<16xf32>
      %swap3A_38 = arith.index_cast %scan3A_29 : i32 to index
      %swap3A_39 = arith.constant 16 : index
      %swap3A_40 = tpu.vector_load %arg9[%swap3A_38, %swap3A_39] {strides = array<i32>} : memref<128x128xf32, #tpu.memory_space<vmem>>, vector<1x16xf32>,
      %swap3A_41 = vector.shape_cast %swap3A_40 : vector<1x16xf32> to vector<16xf32>
      %swap3A_42 = vector.shape_cast %broadcast_in_dim3A_37 : vector<16xf32> to vector<1x16xf32>
      tpu.vector_store %arg9[%swap3A_38, %swap3A_39], %swap3A_42 {strides = array<i32>} : memref<128x128xf32, #tpu.memory_space<vmem>>, vector<1x16xf32>,
      %broadcast_in_dim3A_43 = arith.constant 0.000000e+00 : f32
      %broadcast_in_dim3A_44 = vector.broadcast %broadcast_in_dim3A_43 : f32 to vector<16xf32>
      %swap3A_45 = arith.index_cast %scan3A_29 : i32 to index
      %swap3A_46 = arith.constant 32 : index
      %swap3A_47 = tpu.vector_load %arg9[%swap3A_45, %swap3A_46] {strides = array<i32>} : memref<128x128xf32, #tpu.memory_space<vmem>>, vector<1x16xf32>,
      %swap3A_48 = vector.shape_cast %swap3A_47 : vector<1x16xf32> to vector<16xf32>
      %swap3A_49 = vector.shape_cast %broadcast_in_dim3A_44 : vector<16xf32> to vector<1x16xf32>
      tpu.vector_store %arg9[%swap3A_45, %swap3A_46], %swap3A_49 {strides = array<i32>} : memref<128x128xf32, #tpu.memory_space<vmem>>, vector<1x16xf32>,
      %broadcast_in_dim3A_50 = arith.constant 0.000000e+00 : f32
      %broadcast_in_dim3A_51 = vector.broadcast %broadcast_in_dim3A_50 : f32 to vector<16xf32>
      %swap3A_52 = arith.index_cast %scan3A_29 : i32 to index
      %swap3A_53 = arith.constant 48 : index
      %swap3A_54 = tpu.vector_load %arg9[%swap3A_52, %swap3A_53] {strides = array<i32>} : memref<128x128xf32, #tpu.memory_space<vmem>>, vector<1x16xf32>,
      %swap3A_55 = vector.shape_cast %swap3A_54 : vector<1x16xf32> to vector<16xf32>
      %swap3A_56 = vector.shape_cast %broadcast_in_dim3A_51 : vector<16xf32> to vector<1x16xf32>
      tpu.vector_store %arg9[%swap3A_52, %swap3A_53], %swap3A_56 {strides = array<i32>} : memref<128x128xf32, #tpu.memory_space<vmem>>, vector<1x16xf32>,
      %broadcast_in_dim3A_57 = arith.constant 0.000000e+00 : f32
      %broadcast_in_dim3A_58 = vector.broadcast %broadcast_in_dim3A_57 : f32 to vector<16xf32>
      %swap3A_59 = arith.index_cast %scan3A_29 : i32 to index
      %swap3A_60 = arith.constant 64 : index
      %swap3A_61 = tpu.vector_load %arg9[%swap3A_59, %swap3A_60] {strides = array<i32>} : memref<128x128xf32, #tpu.memory_space<vmem>>, vector<1x16xf32>,
      %swap3A_62 = vector.shape_cast %swap3A_61 : vector<1x16xf32> to vector<16xf32>
      %swap3A_63 = vector.shape_cast %broadcast_in_dim3A_58 : vector<16xf32> to vector<1x16xf32>
      tpu.vector_store %arg9[%swap3A_59, %swap3A_60], %swap3A_63 {strides = array<i32>} : memref<128x128xf32, #tpu.memory_space<vmem>>, vector<1x16xf32>,
      %broadcast_in_dim3A_64 = arith.constant 0.000000e+00 : f32
      %broadcast_in_dim3A_65 = vector.broadcast %broadcast_in_dim3A_64 : f32 to vector<16xf32>
      %swap3A_66 = arith.index_cast %scan3A_29 : i32 to index
      %swap3A_67 = arith.constant 80 : index
      %swap3A_68 = tpu.vector_load %arg9[%swap3A_66, %swap3A_67] {strides = array<i32>} : memref<128x128xf32, #tpu.memory_space<vmem>>, vector<1x16xf32>,
      %swap3A_69 = vector.shape_cast %swap3A_68 : vector<1x16xf32> to vector<16xf32>
      %swap3A_70 = vector.shape_cast %broadcast_in_dim3A_65 : vector<16xf32> to vector<1x16xf32>
      tpu.vector_store %arg9[%swap3A_66, %swap3A_67], %swap3A_70 {strides = array<i32>} : memref<128x128xf32, #tpu.memory_space<vmem>>, vector<1x16xf32>,
      %broadcast_in_dim3A_71 = arith.constant 0.000000e+00 : f32
      %broadcast_in_dim3A_72 = vector.broadcast %broadcast_in_dim3A_71 : f32 to vector<16xf32>
      %swap3A_73 = arith.index_cast %scan3A_29 : i32 to index
      %swap3A_74 = arith.constant 96 : index
      %swap3A_75 = tpu.vector_load %arg9[%swap3A_73, %swap3A_74] {strides = array<i32>} : memref<128x128xf32, #tpu.memory_space<vmem>>, vector<1x16xf32>,
      %swap3A_76 = vector.shape_cast %swap3A_75 : vector<1x16xf32> to vector<16xf32>
      %swap3A_77 = vector.shape_cast %broadcast_in_dim3A_72 : vector<16xf32> to vector<1x16xf32>
      tpu.vector_store %arg9[%swap3A_73, %swap3A_74], %swap3A_77 {strides = array<i32>} : memref<128x128xf32, #tpu.memory_space<vmem>>, vector<1x16xf32>,
      %broadcast_in_dim3A_78 = arith.constant 0.000000e+00 : f32
      %broadcast_in_dim3A_79 = vector.broadcast %broadcast_in_dim3A_78 : f32 to vector<16xf32>
      %swap3A_80 = arith.index_cast %scan3A_29 : i32 to index
      %swap3A_81 = arith.constant 112 : index
      %swap3A_82 = tpu.vector_load %arg9[%swap3A_80, %swap3A_81] {strides = array<i32>} : memref<128x128xf32, #tpu.memory_space<vmem>>, vector<1x16xf32>,
      %swap3A_83 = vector.shape_cast %swap3A_82 : vector<1x16xf32> to vector<16xf32>
      %swap3A_84 = vector.shape_cast %broadcast_in_dim3A_79 : vector<16xf32> to vector<1x16xf32>
      tpu.vector_store %arg9[%swap3A_80, %swap3A_81], %swap3A_84 {strides = array<i32>} : memref<128x128xf32, #tpu.memory_space<vmem>>, vector<1x16xf32>,
      %scan3A_85 = arith.constant 0 : i32
      scf.yield %scan3A_85 : i32
    }
    %scan3A_6 = arith.constant 128 : i32
    %scan3A_7 = arith.constant 0 : i32
    %scan3A_8 = arith.constant 0 : i32
    %scan3A_9 = arith.constant 5 : i32
    %scan3A_10 = arith.addi %scan3A_8, %scan3A_9 : i32
    %scan3A_11 = arith.constant 1 : i32
    %scan3A_12 = scf.for %scan3A_29 = %scan3A_8 to %scan3A_10 step %scan3A_11 iter_args(%scan3A_30 = %scan3A_7) -> (i32)  : i32 {
      %mul3A_31 = arith.constant 640 : i32
      %mul3A_32 = arith.muli %arg1, %mul3A_31 : i32
      %mul3A_33 = arith.constant 128 : i32
      %mul3A_34 = arith.muli %scan3A_29, %mul3A_33 : i32
      %add3A_35 = arith.addi %mul3A_32, %mul3A_34 : i32
      "tpu.region"() ({
        %run_scoped3A = tpu.sem_alloc : memref<!tpu.dma_semaphore, #tpu.memory_space<semaphore_mem>>
        %dma_start3A = arith.constant 0 : i32
        %dma_start3A_37 = tpu.memref_slice %arg10[%add3A_35, %dma_start3A] : memref<10240x128xf32, #tpu.memory_space<vmem_shared>> -> memref<128x128xf32, #tpu.memory_space<vmem_shared>>
        %dma_start3A_38 = arith.constant 0 : i32
        %dma_start3A_39 = tpu.memref_slice %arg10[%add3A_35, %dma_start3A_38] : memref<10240x128xf32, #tpu.memory_space<vmem_shared>> -> memref<128x128xf32, #tpu.memory_space<vmem_shared>>
        tpu.enqueue_dma source(%arg9 : memref<128x128xf32, #tpu.memory_space<vmem>>) target(%dma_start3A_39 : memref<128x128xf32, #tpu.memory_space<vmem_shared>>) target_semaphore(%run_scoped3A : memref<!tpu.dma_semaphore, #tpu.memory_space<semaphore_mem>>)
        %dma_wait3A = arith.constant 0 : i32
        %dma_wait3A_40 = tpu.memref_slice %arg10[%add3A_35, %dma_wait3A] : memref<10240x128xf32, #tpu.memory_space<vmem_shared>> -> memref<128x128xf32, #tpu.memory_space<vmem_shared>>
        %dma_wait3A_41 = arith.constant 0 : i32
        %dma_wait3A_42 = tpu.memref_slice %arg10[%add3A_35, %dma_wait3A_41] : memref<10240x128xf32, #tpu.memory_space<vmem_shared>> -> memref<128x128xf32, #tpu.memory_space<vmem_shared>>
        tpu.wait_dma2 semaphore(%run_scoped3A : memref<!tpu.dma_semaphore, #tpu.memory_space<semaphore_mem>>) src(%arg9 : memref<128x128xf32, #tpu.memory_space<vmem>>) dst(%dma_wait3A_42 : memref<128x128xf32, #tpu.memory_space<vmem_shared>>)
        tpu.yield
      }) : () -> ()
      %scan3A_36 = arith.constant 0 : i32
      scf.yield %scan3A_36 : i32
    }
    %scan3A_13 = arith.constant 5 : i32
    %barrier3A = arith.constant 0 : index
    tpu.barrier barrier_id(%barrier3A)
    %scan3A_14 = arith.constant 0 : i32
    %scan3A_15 = arith.constant 0 : i32
    %scan3A_16 = arith.constant 79 : i32
    %scan3A_17 = arith.addi %scan3A_15, %scan3A_16 : i32
    %scan3A_18 = arith.constant 1 : i32
    %scan3A_19 = scf.for %scan3A_29 = %scan3A_15 to %scan3A_17 step %scan3A_18 iter_args(%scan3A_30 = %scan3A_14) -> (i32)  : i32 {
      %mul3A_31 = arith.constant 10112 : i32
      %mul3A_32 = arith.muli %add3A, %mul3A_31 : i32
      %mul3A_33 = arith.constant 128 : i32
      %mul3A_34 = arith.muli %scan3A_29, %mul3A_33 : i32
      %add3A_35 = arith.addi %mul3A_32, %mul3A_34 : i32
      "tpu.region"() ({
        %run_scoped3A = tpu.sem_alloc : memref<!tpu.dma_semaphore, #tpu.memory_space<semaphore_mem>>
        %dma_start3A_41 = tpu.memref_slice %arg3[%add3A_35] : memref<323584xi32, #tpu.memory_space<hbm>> -> memref<128xi32, #tpu.memory_space<hbm>>
        %dma_start3A_42 = tpu.memref_slice %arg3[%add3A_35] : memref<323584xi32, #tpu.memory_space<hbm>> -> memref<128xi32, #tpu.memory_space<hbm>>
        tpu.enqueue_dma source(%dma_start3A_42 : memref<128xi32, #tpu.memory_space<hbm>>) target(%arg6 : memref<128xi32, #tpu.memory_space<vmem>>) target_semaphore(%run_scoped3A : memref<!tpu.dma_semaphore, #tpu.memory_space<semaphore_mem>>)
        %dma_wait3A_43 = tpu.memref_slice %arg3[%add3A_35] : memref<323584xi32, #tpu.memory_space<hbm>> -> memref<128xi32, #tpu.memory_space<hbm>>
        %dma_wait3A_44 = tpu.memref_slice %arg3[%add3A_35] : memref<323584xi32, #tpu.memory_space<hbm>> -> memref<128xi32, #tpu.memory_space<hbm>>
        tpu.wait_dma2 semaphore(%run_scoped3A : memref<!tpu.dma_semaphore, #tpu.memory_space<semaphore_mem>>) src(%dma_wait3A_44 : memref<128xi32, #tpu.memory_space<hbm>>) dst(%arg6 : memref<128xi32, #tpu.memory_space<vmem>>)
        tpu.yield
      }) : () -> ()
      "tpu.region"() ({
        %run_scoped3A = tpu.sem_alloc : memref<!tpu.dma_semaphore, #tpu.memory_space<semaphore_mem>>
        %dma_start3A_41 = tpu.memref_slice %arg4[%add3A_35] : memref<323584xi32, #tpu.memory_space<hbm>> -> memref<128xi32, #tpu.memory_space<hbm>>
        %dma_start3A_42 = tpu.memref_slice %arg4[%add3A_35] : memref<323584xi32, #tpu.memory_space<hbm>> -> memref<128xi32, #tpu.memory_space<hbm>>
        tpu.enqueue_dma source(%dma_start3A_42 : memref<128xi32, #tpu.memory_space<hbm>>) target(%arg7 : memref<128xi32, #tpu.memory_space<vmem>>) target_semaphore(%run_scoped3A : memref<!tpu.dma_semaphore, #tpu.memory_space<semaphore_mem>>)
        %dma_wait3A_43 = tpu.memref_slice %arg4[%add3A_35] : memref<323584xi32, #tpu.memory_space<hbm>> -> memref<128xi32, #tpu.memory_space<hbm>>
        %dma_wait3A_44 = tpu.memref_slice %arg4[%add3A_35] : memref<323584xi32, #tpu.memory_space<hbm>> -> memref<128xi32, #tpu.memory_space<hbm>>
        tpu.wait_dma2 semaphore(%run_scoped3A : memref<!tpu.dma_semaphore, #tpu.memory_space<semaphore_mem>>) src(%dma_wait3A_44 : memref<128xi32, #tpu.memory_space<hbm>>) dst(%arg7 : memref<128xi32, #tpu.memory_space<vmem>>)
        tpu.yield
      }) : () -> ()
      %dma_start3A = arith.constant 0 : i32
      %dma_start3A_36 = arith.constant 0 : i32
      %dma_start3A_37 = tpu.memref_slice %arg2[%dma_start3A, %dma_start3A_36] : memref<10000x128xf32, #tpu.memory_space<hbm>> -> memref<10000x128xf32, #tpu.memory_space<hbm>>
      tpu.enqueue_indirect_dma source(%dma_start3A_37 : memref<10000x128xf32, #tpu.memory_space<hbm>>) target(%arg8 : memref<128x128xf32, #tpu.memory_space<vmem>>) offsets(%arg6 : memref<128xi32, #tpu.memory_space<vmem>>) semaphore(%arg11 : memref<!tpu.dma_semaphore, #tpu.memory_space<semaphore_mem>>)
      %dma_wait3A = arith.constant 0 : i32
      %dma_wait3A_38 = arith.constant 0 : i32
      %dma_wait3A_39 = tpu.memref_slice %arg2[%dma_wait3A, %dma_wait3A_38] : memref<10000x128xf32, #tpu.memory_space<hbm>> -> memref<10000x128xf32, #tpu.memory_space<hbm>>
      tpu.wait_indirect_dma semaphore(%arg11 : memref<!tpu.dma_semaphore, #tpu.memory_space<semaphore_mem>>) src(%dma_wait3A_39 : memref<10000x128xf32, #tpu.memory_space<hbm>>) dst(%arg8 : memref<128x128xf32, #tpu.memory_space<vmem>>)
      "tpu.region"() ({
        %run_scoped3A = tpu.sem_alloc : memref<!tpu.dma_semaphore, #tpu.memory_space<semaphore_mem>>
        %dma_start3A_41 = arith.constant 0 : i32
        %dma_start3A_42 = arith.constant 0 : i32
        %dma_start3A_43 = tpu.memref_slice %arg10[%dma_start3A_41, %dma_start3A_42] : memref<10240x128xf32, #tpu.memory_space<vmem_shared>> -> memref<10240x128xf32, #tpu.memory_space<vmem_shared>>
        tpu.enqueue_indirect_dma source(%arg8 : memref<128x128xf32, #tpu.memory_space<vmem>>) target(%dma_start3A_43 : memref<10240x128xf32, #tpu.memory_space<vmem_shared>>) offsets(%arg7 : memref<128xi32, #tpu.memory_space<vmem>>) semaphore(%run_scoped3A : memref<!tpu.dma_semaphore, #tpu.memory_space<semaphore_mem>>) {add = true}
        %dma_wait3A_44 = arith.constant 0 : i32
        %dma_wait3A_45 = arith.constant 0 : i32
        %dma_wait3A_46 = tpu.memref_slice %arg10[%dma_wait3A_44, %dma_wait3A_45] : memref<10240x128xf32, #tpu.memory_space<vmem_shared>> -> memref<10240x128xf32, #tpu.memory_space<vmem_shared>>
        tpu.wait_indirect_dma semaphore(%run_scoped3A : memref<!tpu.dma_semaphore, #tpu.memory_space<semaphore_mem>>) src(%arg8 : memref<128x128xf32, #tpu.memory_space<vmem>>) dst(%dma_wait3A_46 : memref<10240x128xf32, #tpu.memory_space<vmem_shared>>)
        tpu.yield
      }) : () -> ()
      %scan3A_40 = arith.constant 0 : i32
      scf.yield %scan3A_40 : i32
    }
    %scan3A_20 = arith.constant 79 : i32
    %barrier3A_21 = arith.constant 0 : index
    tpu.barrier barrier_id(%barrier3A_21)
    %scan3A_22 = arith.constant 0 : i32
    %scan3A_23 = arith.constant 0 : i32
    %scan3A_24 = arith.constant 5 : i32
    %scan3A_25 = arith.addi %scan3A_23, %scan3A_24 : i32
    %scan3A_26 = arith.constant 1 : i32
    %scan3A_27 = scf.for %scan3A_29 = %scan3A_23 to %scan3A_25 step %scan3A_26 iter_args(%scan3A_30 = %scan3A_22) -> (i32)  : i32 {
      %mul3A_31 = arith.constant 640 : i32
      %mul3A_32 = arith.muli %arg1, %mul3A_31 : i32
      %mul3A_33 = arith.constant 128 : i32
      %mul3A_34 = arith.muli %scan3A_29, %mul3A_33 : i32
      %add3A_35 = arith.addi %mul3A_32, %mul3A_34 : i32
      "tpu.region"() ({
        %run_scoped3A = tpu.sem_alloc : memref<!tpu.dma_semaphore, #tpu.memory_space<semaphore_mem>>
        %dma_start3A = arith.constant 0 : i32
        %dma_start3A_37 = tpu.memref_slice %arg5[%arg0, %add3A_35, %dma_start3A] : memref<2x10240x128xf32, #tpu.memory_space<hbm>> -> memref<1x128x128xf32, #tpu.memory_space<hbm>>
        %dma_start3A_38 = tpu.memref_squeeze %dma_start3A_37 : memref<1x128x128xf32, #tpu.memory_space<hbm>> -> memref<128x128xf32, #tpu.memory_space<hbm>>
        %dma_start3A_39 = arith.constant 0 : i32
        %dma_start3A_40 = tpu.memref_slice %arg10[%add3A_35, %dma_start3A_39] : memref<10240x128xf32, #tpu.memory_space<vmem_shared>> -> memref<128x128xf32, #tpu.memory_space<vmem_shared>>
        tpu.enqueue_dma source(%dma_start3A_40 : memref<128x128xf32, #tpu.memory_space<vmem_shared>>) target(%dma_start3A_38 : memref<128x128xf32, #tpu.memory_space<hbm>>) target_semaphore(%run_scoped3A : memref<!tpu.dma_semaphore, #tpu.memory_space<semaphore_mem>>)
        %dma_wait3A = arith.constant 0 : i32
        %dma_wait3A_41 = tpu.memref_slice %arg5[%arg0, %add3A_35, %dma_wait3A] : memref<2x10240x128xf32, #tpu.memory_space<hbm>> -> memref<1x128x128xf32, #tpu.memory_space<hbm>>
        %dma_wait3A_42 = tpu.memref_squeeze %dma_wait3A_41 : memref<1x128x128xf32, #tpu.memory_space<hbm>> -> memref<128x128xf32, #tpu.memory_space<hbm>>
        %dma_wait3A_43 = arith.constant 0 : i32
        %dma_wait3A_44 = tpu.memref_slice %arg10[%add3A_35, %dma_wait3A_43] : memref<10240x128xf32, #tpu.memory_space<vmem_shared>> -> memref<128x128xf32, #tpu.memory_space<vmem_shared>>
        tpu.wait_dma2 semaphore(%run_scoped3A : memref<!tpu.dma_semaphore, #tpu.memory_space<semaphore_mem>>) src(%dma_wait3A_44 : memref<128x128xf32, #tpu.memory_space<vmem_shared>>) dst(%dma_wait3A_42 : memref<128x128xf32, #tpu.memory_space<hbm>>)
        tpu.yield
      }) : () -> ()
      %scan3A_36 = arith.constant 0 : i32
      scf.yield %scan3A_36 : i32
    }
    %scan3A_28 = arith.constant 5 : i32
    return
  }
}

#map = affine_map<(d0, d1) -> (0, 0)>
#map1 = affine_map<(d0, d1) -> (0)>
#map2 = affine_map<(d0, d1) -> (0, 0, 0)>
module attributes {stable_mosaic.version = 14 : i64} {
  func.func @k(%arg0: i32, %arg1: i32, %arg2: memref<10000x128xf32, #tpu.memory_space<hbm>>, %arg3: memref<323584xi32, #tpu.memory_space<hbm>>, %arg4: memref<323584xi32, #tpu.memory_space<hbm>>, %arg5: memref<2x10240x128xf32, #tpu.memory_space<hbm>>, %arg6: memref<128xi32, #tpu.memory_space<vmem>>, %arg7: memref<128xi32, #tpu.memory_space<vmem>>, %arg8: memref<128x128xf32, #tpu.memory_space<vmem>>, %arg9: memref<128x128xf32, #tpu.memory_space<vmem>>, %arg10: memref<10240x128xf32, #tpu.memory_space<vmem_shared>>, %arg11: memref<!tpu.dma_semaphore, #tpu.memory_space<semaphore_mem>>) attributes {dimension_semantics = [#tpu.dimension_semantics<core_parallel>, #tpu.dimension_semantics<subcore_parallel>], iteration_bounds = array<i64: 2, 16>, scalar_prefetch = 0 : i64, scratch_operands = 6 : i64, tpu.core_type = #tpu.core_type<sc_vector_subcore>, window_params = [{transform_indices = #map}, {transform_indices = #map1}, {transform_indices = #map1}, {transform_indices = #map2}]} {
    %mul3A = arith.constant 2 : i32
    %mul3A_0 = arith.muli %arg1, %mul3A : i32
    %add3A = arith.addi %mul3A_0, %arg0 : i32
    %scan3A = arith.constant 0 : i32
    %scan3A_1 = arith.constant 0 : i32
    %scan3A_2 = arith.constant 128 : i32
    %scan3A_3 = arith.addi %scan3A_1, %scan3A_2 : i32
    %scan3A_4 = arith.constant 1 : i32
    %scan3A_5 = scf.for %scan3A_29 = %scan3A_1 to %scan3A_3 step %scan3A_4 iter_args(%scan3A_30 = %scan3A) -> (i32)  : i32 {
      %broadcast_in_dim3A = arith.constant 0.000000e+00 : f32
      %broadcast_in_dim3A_31 = vector.broadcast %broadcast_in_dim3A : f32 to vector<16xf32>
      %swap3A = arith.index_cast %scan3A_29 : i32 to index
      %swap3A_32 = arith.constant 0 : index
      %swap3A_33 = tpu.vector_load %arg9[%swap3A, %swap3A_32] {strides = array<i32>} : memref<128x128xf32, #tpu.memory_space<vmem>>, vector<1x16xf32>,
      %swap3A_34 = vector.shape_cast %swap3A_33 : vector<1x16xf32> to vector<16xf32>
      %swap3A_35 = vector.shape_cast %broadcast_in_dim3A_31 : vector<16xf32> to vector<1x16xf32>
      tpu.vector_store %arg9[%swap3A, %swap3A_32], %swap3A_35 {strides = array<i32>} : memref<128x128xf32, #tpu.memory_space<vmem>>, vector<1x16xf32>,
      %broadcast_in_dim3A_36 = arith.constant 0.000000e+00 : f32
      %broadcast_in_dim3A_37 = vector.broadcast %broadcast_in_dim3A_36 : f32 to vector<16xf32>
      %swap3A_38 = arith.index_cast %scan3A_29 : i32 to index
      %swap3A_39 = arith.constant 16 : index
      %swap3A_40 = tpu.vector_load %arg9[%swap3A_38, %swap3A_39] {strides = array<i32>} : memref<128x128xf32, #tpu.memory_space<vmem>>, vector<1x16xf32>,
      %swap3A_41 = vector.shape_cast %swap3A_40 : vector<1x16xf32> to vector<16xf32>
      %swap3A_42 = vector.shape_cast %broadcast_in_dim3A_37 : vector<16xf32> to vector<1x16xf32>
      tpu.vector_store %arg9[%swap3A_38, %swap3A_39], %swap3A_42 {strides = array<i32>} : memref<128x128xf32, #tpu.memory_space<vmem>>, vector<1x16xf32>,
      %broadcast_in_dim3A_43 = arith.constant 0.000000e+00 : f32
      %broadcast_in_dim3A_44 = vector.broadcast %broadcast_in_dim3A_43 : f32 to vector<16xf32>
      %swap3A_45 = arith.index_cast %scan3A_29 : i32 to index
      %swap3A_46 = arith.constant 32 : index
      %swap3A_47 = tpu.vector_load %arg9[%swap3A_45, %swap3A_46] {strides = array<i32>} : memref<128x128xf32, #tpu.memory_space<vmem>>, vector<1x16xf32>,
      %swap3A_48 = vector.shape_cast %swap3A_47 : vector<1x16xf32> to vector<16xf32>
      %swap3A_49 = vector.shape_cast %broadcast_in_dim3A_44 : vector<16xf32> to vector<1x16xf32>
      tpu.vector_store %arg9[%swap3A_45, %swap3A_46], %swap3A_49 {strides = array<i32>} : memref<128x128xf32, #tpu.memory_space<vmem>>, vector<1x16xf32>,
      %broadcast_in_dim3A_50 = arith.constant 0.000000e+00 : f32
      %broadcast_in_dim3A_51 = vector.broadcast %broadcast_in_dim3A_50 : f32 to vector<16xf32>
      %swap3A_52 = arith.index_cast %scan3A_29 : i32 to index
      %swap3A_53 = arith.constant 48 : index
      %swap3A_54 = tpu.vector_load %arg9[%swap3A_52, %swap3A_53] {strides = array<i32>} : memref<128x128xf32, #tpu.memory_space<vmem>>, vector<1x16xf32>,
      %swap3A_55 = vector.shape_cast %swap3A_54 : vector<1x16xf32> to vector<16xf32>
      %swap3A_56 = vector.shape_cast %broadcast_in_dim3A_51 : vector<16xf32> to vector<1x16xf32>
      tpu.vector_store %arg9[%swap3A_52, %swap3A_53], %swap3A_56 {strides = array<i32>} : memref<128x128xf32, #tpu.memory_space<vmem>>, vector<1x16xf32>,
      %broadcast_in_dim3A_57 = arith.constant 0.000000e+00 : f32
      %broadcast_in_dim3A_58 = vector.broadcast %broadcast_in_dim3A_57 : f32 to vector<16xf32>
      %swap3A_59 = arith.index_cast %scan3A_29 : i32 to index
      %swap3A_60 = arith.constant 64 : index
      %swap3A_61 = tpu.vector_load %arg9[%swap3A_59, %swap3A_60] {strides = array<i32>} : memref<128x128xf32, #tpu.memory_space<vmem>>, vector<1x16xf32>,
      %swap3A_62 = vector.shape_cast %swap3A_61 : vector<1x16xf32> to vector<16xf32>
      %swap3A_63 = vector.shape_cast %broadcast_in_dim3A_58 : vector<16xf32> to vector<1x16xf32>
      tpu.vector_store %arg9[%swap3A_59, %swap3A_60], %swap3A_63 {strides = array<i32>} : memref<128x128xf32, #tpu.memory_space<vmem>>, vector<1x16xf32>,
      %broadcast_in_dim3A_64 = arith.constant 0.000000e+00 : f32
      %broadcast_in_dim3A_65 = vector.broadcast %broadcast_in_dim3A_64 : f32 to vector<16xf32>
      %swap3A_66 = arith.index_cast %scan3A_29 : i32 to index
      %swap3A_67 = arith.constant 80 : index
      %swap3A_68 = tpu.vector_load %arg9[%swap3A_66, %swap3A_67] {strides = array<i32>} : memref<128x128xf32, #tpu.memory_space<vmem>>, vector<1x16xf32>,
      %swap3A_69 = vector.shape_cast %swap3A_68 : vector<1x16xf32> to vector<16xf32>
      %swap3A_70 = vector.shape_cast %broadcast_in_dim3A_65 : vector<16xf32> to vector<1x16xf32>
      tpu.vector_store %arg9[%swap3A_66, %swap3A_67], %swap3A_70 {strides = array<i32>} : memref<128x128xf32, #tpu.memory_space<vmem>>, vector<1x16xf32>,
      %broadcast_in_dim3A_71 = arith.constant 0.000000e+00 : f32
      %broadcast_in_dim3A_72 = vector.broadcast %broadcast_in_dim3A_71 : f32 to vector<16xf32>
      %swap3A_73 = arith.index_cast %scan3A_29 : i32 to index
      %swap3A_74 = arith.constant 96 : index
      %swap3A_75 = tpu.vector_load %arg9[%swap3A_73, %swap3A_74] {strides = array<i32>} : memref<128x128xf32, #tpu.memory_space<vmem>>, vector<1x16xf32>,
      %swap3A_76 = vector.shape_cast %swap3A_75 : vector<1x16xf32> to vector<16xf32>
      %swap3A_77 = vector.shape_cast %broadcast_in_dim3A_72 : vector<16xf32> to vector<1x16xf32>
      tpu.vector_store %arg9[%swap3A_73, %swap3A_74], %swap3A_77 {strides = array<i32>} : memref<128x128xf32, #tpu.memory_space<vmem>>, vector<1x16xf32>,
      %broadcast_in_dim3A_78 = arith.constant 0.000000e+00 : f32
      %broadcast_in_dim3A_79 = vector.broadcast %broadcast_in_dim3A_78 : f32 to vector<16xf32>
      %swap3A_80 = arith.index_cast %scan3A_29 : i32 to index
      %swap3A_81 = arith.constant 112 : index
      %swap3A_82 = tpu.vector_load %arg9[%swap3A_80, %swap3A_81] {strides = array<i32>} : memref<128x128xf32, #tpu.memory_space<vmem>>, vector<1x16xf32>,
      %swap3A_83 = vector.shape_cast %swap3A_82 : vector<1x16xf32> to vector<16xf32>
      %swap3A_84 = vector.shape_cast %broadcast_in_dim3A_79 : vector<16xf32> to vector<1x16xf32>
      tpu.vector_store %arg9[%swap3A_80, %swap3A_81], %swap3A_84 {strides = array<i32>} : memref<128x128xf32, #tpu.memory_space<vmem>>, vector<1x16xf32>,
      %scan3A_85 = arith.constant 0 : i32
      scf.yield %scan3A_85 : i32
    }
    %scan3A_6 = arith.constant 128 : i32
    %scan3A_7 = arith.constant 0 : i32
    %scan3A_8 = arith.constant 0 : i32
    %scan3A_9 = arith.constant 5 : i32
    %scan3A_10 = arith.addi %scan3A_8, %scan3A_9 : i32
    %scan3A_11 = arith.constant 1 : i32
    %scan3A_12 = scf.for %scan3A_29 = %scan3A_8 to %scan3A_10 step %scan3A_11 iter_args(%scan3A_30 = %scan3A_7) -> (i32)  : i32 {
      %mul3A_31 = arith.constant 640 : i32
      %mul3A_32 = arith.muli %arg1, %mul3A_31 : i32
      %mul3A_33 = arith.constant 128 : i32
      %mul3A_34 = arith.muli %scan3A_29, %mul3A_33 : i32
      %add3A_35 = arith.addi %mul3A_32, %mul3A_34 : i32
      "tpu.region"() ({
        %run_scoped3A = tpu.sem_alloc : memref<!tpu.dma_semaphore, #tpu.memory_space<semaphore_mem>>
        %dma_start3A = arith.constant 0 : i32
        %dma_start3A_37 = tpu.memref_slice %arg10[%add3A_35, %dma_start3A] : memref<10240x128xf32, #tpu.memory_space<vmem_shared>> -> memref<128x128xf32, #tpu.memory_space<vmem_shared>>
        %dma_start3A_38 = arith.constant 0 : i32
        %dma_start3A_39 = tpu.memref_slice %arg10[%add3A_35, %dma_start3A_38] : memref<10240x128xf32, #tpu.memory_space<vmem_shared>> -> memref<128x128xf32, #tpu.memory_space<vmem_shared>>
        tpu.enqueue_dma source(%arg9 : memref<128x128xf32, #tpu.memory_space<vmem>>) target(%dma_start3A_39 : memref<128x128xf32, #tpu.memory_space<vmem_shared>>) target_semaphore(%run_scoped3A : memref<!tpu.dma_semaphore, #tpu.memory_space<semaphore_mem>>)
        %dma_wait3A = arith.constant 0 : i32
        %dma_wait3A_40 = tpu.memref_slice %arg10[%add3A_35, %dma_wait3A] : memref<10240x128xf32, #tpu.memory_space<vmem_shared>> -> memref<128x128xf32, #tpu.memory_space<vmem_shared>>
        %dma_wait3A_41 = arith.constant 0 : i32
        %dma_wait3A_42 = tpu.memref_slice %arg10[%add3A_35, %dma_wait3A_41] : memref<10240x128xf32, #tpu.memory_space<vmem_shared>> -> memref<128x128xf32, #tpu.memory_space<vmem_shared>>
        tpu.wait_dma2 semaphore(%run_scoped3A : memref<!tpu.dma_semaphore, #tpu.memory_space<semaphore_mem>>) src(%arg9 : memref<128x128xf32, #tpu.memory_space<vmem>>) dst(%dma_wait3A_42 : memref<128x128xf32, #tpu.memory_space<vmem_shared>>)
        tpu.yield
      }) : () -> ()
      %scan3A_36 = arith.constant 0 : i32
      scf.yield %scan3A_36 : i32
    }
    %scan3A_13 = arith.constant 5 : i32
    %barrier3A = arith.constant 0 : index
    tpu.barrier barrier_id(%barrier3A)
    %scan3A_14 = arith.constant 0 : i32
    %scan3A_15 = arith.constant 0 : i32
    %scan3A_16 = arith.constant 79 : i32
    %scan3A_17 = arith.addi %scan3A_15, %scan3A_16 : i32
    %scan3A_18 = arith.constant 1 : i32
    %scan3A_19 = scf.for %scan3A_29 = %scan3A_15 to %scan3A_17 step %scan3A_18 iter_args(%scan3A_30 = %scan3A_14) -> (i32)  : i32 {
      %mul3A_31 = arith.constant 10112 : i32
      %mul3A_32 = arith.muli %add3A, %mul3A_31 : i32
      %mul3A_33 = arith.constant 128 : i32
      %mul3A_34 = arith.muli %scan3A_29, %mul3A_33 : i32
      %add3A_35 = arith.addi %mul3A_32, %mul3A_34 : i32
      "tpu.region"() ({
        %run_scoped3A = tpu.sem_alloc : memref<!tpu.dma_semaphore, #tpu.memory_space<semaphore_mem>>
        %dma_start3A_41 = tpu.memref_slice %arg3[%add3A_35] : memref<323584xi32, #tpu.memory_space<hbm>> -> memref<128xi32, #tpu.memory_space<hbm>>
        %dma_start3A_42 = tpu.memref_slice %arg3[%add3A_35] : memref<323584xi32, #tpu.memory_space<hbm>> -> memref<128xi32, #tpu.memory_space<hbm>>
        tpu.enqueue_dma source(%dma_start3A_42 : memref<128xi32, #tpu.memory_space<hbm>>) target(%arg6 : memref<128xi32, #tpu.memory_space<vmem>>) target_semaphore(%run_scoped3A : memref<!tpu.dma_semaphore, #tpu.memory_space<semaphore_mem>>)
        %dma_wait3A_43 = tpu.memref_slice %arg3[%add3A_35] : memref<323584xi32, #tpu.memory_space<hbm>> -> memref<128xi32, #tpu.memory_space<hbm>>
        %dma_wait3A_44 = tpu.memref_slice %arg3[%add3A_35] : memref<323584xi32, #tpu.memory_space<hbm>> -> memref<128xi32, #tpu.memory_space<hbm>>
        tpu.wait_dma2 semaphore(%run_scoped3A : memref<!tpu.dma_semaphore, #tpu.memory_space<semaphore_mem>>) src(%dma_wait3A_44 : memref<128xi32, #tpu.memory_space<hbm>>) dst(%arg6 : memref<128xi32, #tpu.memory_space<vmem>>)
        tpu.yield
      }) : () -> ()
      "tpu.region"() ({
        %run_scoped3A = tpu.sem_alloc : memref<!tpu.dma_semaphore, #tpu.memory_space<semaphore_mem>>
        %dma_start3A_41 = tpu.memref_slice %arg4[%add3A_35] : memref<323584xi32, #tpu.memory_space<hbm>> -> memref<128xi32, #tpu.memory_space<hbm>>
        %dma_start3A_42 = tpu.memref_slice %arg4[%add3A_35] : memref<323584xi32, #tpu.memory_space<hbm>> -> memref<128xi32, #tpu.memory_space<hbm>>
        tpu.enqueue_dma source(%dma_start3A_42 : memref<128xi32, #tpu.memory_space<hbm>>) target(%arg7 : memref<128xi32, #tpu.memory_space<vmem>>) target_semaphore(%run_scoped3A : memref<!tpu.dma_semaphore, #tpu.memory_space<semaphore_mem>>)
        %dma_wait3A_43 = tpu.memref_slice %arg4[%add3A_35] : memref<323584xi32, #tpu.memory_space<hbm>> -> memref<128xi32, #tpu.memory_space<hbm>>
        %dma_wait3A_44 = tpu.memref_slice %arg4[%add3A_35] : memref<323584xi32, #tpu.memory_space<hbm>> -> memref<128xi32, #tpu.memory_space<hbm>>
        tpu.wait_dma2 semaphore(%run_scoped3A : memref<!tpu.dma_semaphore, #tpu.memory_space<semaphore_mem>>) src(%dma_wait3A_44 : memref<128xi32, #tpu.memory_space<hbm>>) dst(%arg7 : memref<128xi32, #tpu.memory_space<vmem>>)
        tpu.yield
      }) : () -> ()
      %dma_start3A = arith.constant 0 : i32
      %dma_start3A_36 = arith.constant 0 : i32
      %dma_start3A_37 = tpu.memref_slice %arg2[%dma_start3A, %dma_start3A_36] : memref<10000x128xf32, #tpu.memory_space<hbm>> -> memref<10000x128xf32, #tpu.memory_space<hbm>>
      tpu.enqueue_indirect_dma source(%dma_start3A_37 : memref<10000x128xf32, #tpu.memory_space<hbm>>) target(%arg8 : memref<128x128xf32, #tpu.memory_space<vmem>>) offsets(%arg6 : memref<128xi32, #tpu.memory_space<vmem>>) semaphore(%arg11 : memref<!tpu.dma_semaphore, #tpu.memory_space<semaphore_mem>>)
      %dma_wait3A = arith.constant 0 : i32
      %dma_wait3A_38 = arith.constant 0 : i32
      %dma_wait3A_39 = tpu.memref_slice %arg2[%dma_wait3A, %dma_wait3A_38] : memref<10000x128xf32, #tpu.memory_space<hbm>> -> memref<10000x128xf32, #tpu.memory_space<hbm>>
      tpu.wait_indirect_dma semaphore(%arg11 : memref<!tpu.dma_semaphore, #tpu.memory_space<semaphore_mem>>) src(%dma_wait3A_39 : memref<10000x128xf32, #tpu.memory_space<hbm>>) dst(%arg8 : memref<128x128xf32, #tpu.memory_space<vmem>>)
      "tpu.region"() ({
        %run_scoped3A = tpu.sem_alloc : memref<!tpu.dma_semaphore, #tpu.memory_space<semaphore_mem>>
        %dma_start3A_41 = arith.constant 0 : i32
        %dma_start3A_42 = arith.constant 0 : i32
        %dma_start3A_43 = tpu.memref_slice %arg10[%dma_start3A_41, %dma_start3A_42] : memref<10240x128xf32, #tpu.memory_space<vmem_shared>> -> memref<10240x128xf32, #tpu.memory_space<vmem_shared>>
        tpu.enqueue_indirect_dma source(%arg8 : memref<128x128xf32, #tpu.memory_space<vmem>>) target(%dma_start3A_43 : memref<10240x128xf32, #tpu.memory_space<vmem_shared>>) offsets(%arg7 : memref<128xi32, #tpu.memory_space<vmem>>) semaphore(%run_scoped3A : memref<!tpu.dma_semaphore, #tpu.memory_space<semaphore_mem>>) {add = true}
        %dma_wait3A_44 = arith.constant 0 : i32
        %dma_wait3A_45 = arith.constant 0 : i32
        %dma_wait3A_46 = tpu.memref_slice %arg10[%dma_wait3A_44, %dma_wait3A_45] : memref<10240x128xf32, #tpu.memory_space<vmem_shared>> -> memref<10240x128xf32, #tpu.memory_space<vmem_shared>>
        tpu.wait_indirect_dma semaphore(%run_scoped3A : memref<!tpu.dma_semaphore, #tpu.memory_space<semaphore_mem>>) src(%arg8 : memref<128x128xf32, #tpu.memory_space<vmem>>) dst(%dma_wait3A_46 : memref<10240x128xf32, #tpu.memory_space<vmem_shared>>)
        tpu.yield
      }) : () -> ()
      %scan3A_40 = arith.constant 0 : i32
      scf.yield %scan3A_40 : i32
    }
    %scan3A_20 = arith.constant 79 : i32
    %barrier3A_21 = arith.constant 0 : index
    tpu.barrier barrier_id(%barrier3A_21)
    %scan3A_22 = arith.constant 0 : i32
    %scan3A_23 = arith.constant 0 : i32
    %scan3A_24 = arith.constant 5 : i32
    %scan3A_25 = arith.addi %scan3A_23, %scan3A_24 : i32
    %scan3A_26 = arith.constant 1 : i32
    %scan3A_27 = scf.for %scan3A_29 = %scan3A_23 to %scan3A_25 step %scan3A_26 iter_args(%scan3A_30 = %scan3A_22) -> (i32)  : i32 {
      %mul3A_31 = arith.constant 640 : i32
      %mul3A_32 = arith.muli %arg1, %mul3A_31 : i32
      %mul3A_33 = arith.constant 128 : i32
      %mul3A_34 = arith.muli %scan3A_29, %mul3A_33 : i32
      %add3A_35 = arith.addi %mul3A_32, %mul3A_34 : i32
      "tpu.region"() ({
        %run_scoped3A = tpu.sem_alloc : memref<!tpu.dma_semaphore, #tpu.memory_space<semaphore_mem>>
        %dma_start3A = arith.constant 0 : i32
        %dma_start3A_37 = tpu.memref_slice %arg5[%arg0, %add3A_35, %dma_start3A] : memref<2x10240x128xf32, #tpu.memory_space<hbm>> -> memref<1x128x128xf32, #tpu.memory_space<hbm>>
        %dma_start3A_38 = tpu.memref_squeeze %dma_start3A_37 : memref<1x128x128xf32, #tpu.memory_space<hbm>> -> memref<128x128xf32, #tpu.memory_space<hbm>>
        %dma_start3A_39 = arith.constant 0 : i32
        %dma_start3A_40 = tpu.memref_slice %arg10[%add3A_35, %dma_start3A_39] : memref<10240x128xf32, #tpu.memory_space<vmem_shared>> -> memref<128x128xf32, #tpu.memory_space<vmem_shared>>
        tpu.enqueue_dma source(%dma_start3A_40 : memref<128x128xf32, #tpu.memory_space<vmem_shared>>) target(%dma_start3A_38 : memref<128x128xf32, #tpu.memory_space<hbm>>) target_semaphore(%run_scoped3A : memref<!tpu.dma_semaphore, #tpu.memory_space<semaphore_mem>>)
        %dma_wait3A = arith.constant 0 : i32
        %dma_wait3A_41 = tpu.memref_slice %arg5[%arg0, %add3A_35, %dma_wait3A] : memref<2x10240x128xf32, #tpu.memory_space<hbm>> -> memref<1x128x128xf32, #tpu.memory_space<hbm>>
        %dma_wait3A_42 = tpu.memref_squeeze %dma_wait3A_41 : memref<1x128x128xf32, #tpu.memory_space<hbm>> -> memref<128x128xf32, #tpu.memory_space<hbm>>
        %dma_wait3A_43 = arith.constant 0 : i32
        %dma_wait3A_44 = tpu.memref_slice %arg10[%add3A_35, %dma_wait3A_43] : memref<10240x128xf32, #tpu.memory_space<vmem_shared>> -> memref<128x128xf32, #tpu.memory_space<vmem_shared>>
        tpu.wait_dma2 semaphore(%run_scoped3A : memref<!tpu.dma_semaphore, #tpu.memory_space<semaphore_mem>>) src(%dma_wait3A_44 : memref<128x128xf32, #tpu.memory_space<vmem_shared>>) dst(%dma_wait3A_42 : memref<128x128xf32, #tpu.memory_space<hbm>>)
        tpu.yield
      }) : () -> ()
      %scan3A_36 = arith.constant 0 : i32
      scf.yield %scan3A_36 : i32
    }
    %scan3A_28 = arith.constant 5 : i32
    return
  }
}

#map = affine_map<(d0, d1) -> (0)>
#map1 = affine_map<(d0, d1) -> (0, 0)>
module attributes {stable_mosaic.version = 14 : i64} {
  func.func @k(%arg0: i32, %arg1: i32, %arg2: memref<64xi32, #tpu.memory_space<hbm>>, %arg3: memref<10240x128xf32, #tpu.memory_space<hbm>>, %arg4: memref<10240x128xf32, #tpu.memory_space<hbm>>, %arg5: memref<10000x128xf32, #tpu.memory_space<hbm>>, %arg6: memref<10000x128xf32, #tpu.memory_space<hbm>>, %arg7: memref<128xf32, #tpu.memory_space<hbm>>, %arg8: memref<64x128xf32, #tpu.memory_space<hbm>>, %arg9: memref<64xi32, #tpu.memory_space<vmem>>, %arg10: memref<64x128xf32, #tpu.memory_space<vmem>>, %arg11: memref<64x128xf32, #tpu.memory_space<vmem>>, %arg12: memref<64x128xf32, #tpu.memory_space<vmem>>, %arg13: memref<64x128xf32, #tpu.memory_space<vmem>>, %arg14: memref<128xf32, #tpu.memory_space<vmem>>, %arg15: memref<64x128xf32, #tpu.memory_space<vmem>>, %arg16: memref<!tpu.dma_semaphore, #tpu.memory_space<semaphore_mem>>) attributes {dimension_semantics = [#tpu.dimension_semantics<core_parallel>, #tpu.dimension_semantics<subcore_parallel>], iteration_bounds = array<i64: 2, 16>, scalar_prefetch = 0 : i64, scratch_operands = 8 : i64, tpu.core_type = #tpu.core_type<sc_vector_subcore>, window_params = [{transform_indices = #map}, {transform_indices = #map1}, {transform_indices = #map1}, {transform_indices = #map1}, {transform_indices = #map1}, {transform_indices = #map}, {transform_indices = #map1}]} {
    %eq3A = arith.constant 0 : i32
    %eq3A_0 = arith.cmpi eq, %arg0, %eq3A : i32
    %eq3A_1 = arith.constant 0 : i32
    %eq3A_2 = arith.cmpi eq, %arg1, %eq3A_1 : i32
    %and3A = arith.andi %eq3A_0, %eq3A_2 : i1
    %convert_element_type3A = arith.extui %and3A : i1 to i32
    %cond3A = arith.constant 0 : i32
    %cond3A_3 = arith.cmpi ne, %convert_element_type3A, %cond3A : i32
    scf.if %cond3A_3 {
      "tpu.region"() ({
        %run_scoped3A = tpu.sem_alloc : memref<!tpu.dma_semaphore, #tpu.memory_space<semaphore_mem>>
        tpu.enqueue_dma source(%arg2 : memref<64xi32, #tpu.memory_space<hbm>>) target(%arg9 : memref<64xi32, #tpu.memory_space<vmem>>) target_semaphore(%run_scoped3A : memref<!tpu.dma_semaphore, #tpu.memory_space<semaphore_mem>>)
        tpu.wait_dma2 semaphore(%run_scoped3A : memref<!tpu.dma_semaphore, #tpu.memory_space<semaphore_mem>>) src(%arg2 : memref<64xi32, #tpu.memory_space<hbm>>) dst(%arg9 : memref<64xi32, #tpu.memory_space<vmem>>)
        tpu.yield
      }) : () -> ()
      "tpu.region"() ({
        %run_scoped3A = tpu.sem_alloc : memref<!tpu.dma_semaphore, #tpu.memory_space<semaphore_mem>>
        tpu.enqueue_dma source(%arg7 : memref<128xf32, #tpu.memory_space<hbm>>) target(%arg14 : memref<128xf32, #tpu.memory_space<vmem>>) target_semaphore(%run_scoped3A : memref<!tpu.dma_semaphore, #tpu.memory_space<semaphore_mem>>)
        tpu.wait_dma2 semaphore(%run_scoped3A : memref<!tpu.dma_semaphore, #tpu.memory_space<semaphore_mem>>) src(%arg7 : memref<128xf32, #tpu.memory_space<hbm>>) dst(%arg14 : memref<128xf32, #tpu.memory_space<vmem>>)
        tpu.yield
      }) : () -> ()
      %dma_start3A = arith.constant 0 : i32
      %dma_start3A_4 = arith.constant 0 : i32
      %dma_start3A_5 = tpu.memref_slice %arg3[%dma_start3A, %dma_start3A_4] : memref<10240x128xf32, #tpu.memory_space<hbm>> -> memref<10240x128xf32, #tpu.memory_space<hbm>>
      tpu.enqueue_indirect_dma source(%dma_start3A_5 : memref<10240x128xf32, #tpu.memory_space<hbm>>) target(%arg10 : memref<64x128xf32, #tpu.memory_space<vmem>>) offsets(%arg9 : memref<64xi32, #tpu.memory_space<vmem>>) semaphore(%arg16 : memref<!tpu.dma_semaphore, #tpu.memory_space<semaphore_mem>>)
      %dma_wait3A = arith.constant 0 : i32
      %dma_wait3A_6 = arith.constant 0 : i32
      %dma_wait3A_7 = tpu.memref_slice %arg3[%dma_wait3A, %dma_wait3A_6] : memref<10240x128xf32, #tpu.memory_space<hbm>> -> memref<10240x128xf32, #tpu.memory_space<hbm>>
      tpu.wait_indirect_dma semaphore(%arg16 : memref<!tpu.dma_semaphore, #tpu.memory_space<semaphore_mem>>) src(%dma_wait3A_7 : memref<10240x128xf32, #tpu.memory_space<hbm>>) dst(%arg10 : memref<64x128xf32, #tpu.memory_space<vmem>>)
      %dma_start3A_8 = arith.constant 0 : i32
      %dma_start3A_9 = arith.constant 0 : i32
      %dma_start3A_10 = tpu.memref_slice %arg4[%dma_start3A_8, %dma_start3A_9] : memref<10240x128xf32, #tpu.memory_space<hbm>> -> memref<10240x128xf32, #tpu.memory_space<hbm>>
      tpu.enqueue_indirect_dma source(%dma_start3A_10 : memref<10240x128xf32, #tpu.memory_space<hbm>>) target(%arg11 : memref<64x128xf32, #tpu.memory_space<vmem>>) offsets(%arg9 : memref<64xi32, #tpu.memory_space<vmem>>) semaphore(%arg16 : memref<!tpu.dma_semaphore, #tpu.memory_space<semaphore_mem>>)
      %dma_wait3A_11 = arith.constant 0 : i32
      %dma_wait3A_12 = arith.constant 0 : i32
      %dma_wait3A_13 = tpu.memref_slice %arg4[%dma_wait3A_11, %dma_wait3A_12] : memref<10240x128xf32, #tpu.memory_space<hbm>> -> memref<10240x128xf32, #tpu.memory_space<hbm>>
      tpu.wait_indirect_dma semaphore(%arg16 : memref<!tpu.dma_semaphore, #tpu.memory_space<semaphore_mem>>) src(%dma_wait3A_13 : memref<10240x128xf32, #tpu.memory_space<hbm>>) dst(%arg11 : memref<64x128xf32, #tpu.memory_space<vmem>>)
      %dma_start3A_14 = arith.constant 0 : i32
      %dma_start3A_15 = arith.constant 0 : i32
      %dma_start3A_16 = tpu.memref_slice %arg5[%dma_start3A_14, %dma_start3A_15] : memref<10000x128xf32, #tpu.memory_space<hbm>> -> memref<10000x128xf32, #tpu.memory_space<hbm>>
      tpu.enqueue_indirect_dma source(%dma_start3A_16 : memref<10000x128xf32, #tpu.memory_space<hbm>>) target(%arg12 : memref<64x128xf32, #tpu.memory_space<vmem>>) offsets(%arg9 : memref<64xi32, #tpu.memory_space<vmem>>) semaphore(%arg16 : memref<!tpu.dma_semaphore, #tpu.memory_space<semaphore_mem>>)
      %dma_wait3A_17 = arith.constant 0 : i32
      %dma_wait3A_18 = arith.constant 0 : i32
      %dma_wait3A_19 = tpu.memref_slice %arg5[%dma_wait3A_17, %dma_wait3A_18] : memref<10000x128xf32, #tpu.memory_space<hbm>> -> memref<10000x128xf32, #tpu.memory_space<hbm>>
      tpu.wait_indirect_dma semaphore(%arg16 : memref<!tpu.dma_semaphore, #tpu.memory_space<semaphore_mem>>) src(%dma_wait3A_19 : memref<10000x128xf32, #tpu.memory_space<hbm>>) dst(%arg12 : memref<64x128xf32, #tpu.memory_space<vmem>>)
      %dma_start3A_20 = arith.constant 0 : i32
      %dma_start3A_21 = arith.constant 0 : i32
      %dma_start3A_22 = tpu.memref_slice %arg6[%dma_start3A_20, %dma_start3A_21] : memref<10000x128xf32, #tpu.memory_space<hbm>> -> memref<10000x128xf32, #tpu.memory_space<hbm>>
      tpu.enqueue_indirect_dma source(%dma_start3A_22 : memref<10000x128xf32, #tpu.memory_space<hbm>>) target(%arg13 : memref<64x128xf32, #tpu.memory_space<vmem>>) offsets(%arg9 : memref<64xi32, #tpu.memory_space<vmem>>) semaphore(%arg16 : memref<!tpu.dma_semaphore, #tpu.memory_space<semaphore_mem>>)
      %dma_wait3A_23 = arith.constant 0 : i32
      %dma_wait3A_24 = arith.constant 0 : i32
      %dma_wait3A_25 = tpu.memref_slice %arg6[%dma_wait3A_23, %dma_wait3A_24] : memref<10000x128xf32, #tpu.memory_space<hbm>> -> memref<10000x128xf32, #tpu.memory_space<hbm>>
      tpu.wait_indirect_dma semaphore(%arg16 : memref<!tpu.dma_semaphore, #tpu.memory_space<semaphore_mem>>) src(%dma_wait3A_25 : memref<10000x128xf32, #tpu.memory_space<hbm>>) dst(%arg13 : memref<64x128xf32, #tpu.memory_space<vmem>>)
      %scan3A = arith.constant 0 : i32
      %scan3A_26 = arith.constant 0 : i32
      %scan3A_27 = arith.constant 64 : i32
      %scan3A_28 = arith.addi %scan3A_26, %scan3A_27 : i32
      %scan3A_29 = arith.constant 1 : i32
      %scan3A_30 = scf.for %scan3A_32 = %scan3A_26 to %scan3A_28 step %scan3A_29 iter_args(%scan3A_33 = %scan3A) -> (i32)  : i32 {
        %get3A = arith.index_cast %scan3A_32 : i32 to index
        %get3A_34 = arith.constant 0 : index
        %get3A_35 = tpu.vector_load %arg10[%get3A, %get3A_34] {strides = array<i32>} : memref<64x128xf32, #tpu.memory_space<vmem>>, vector<1x16xf32>,
        %get3A_36 = vector.shape_cast %get3A_35 : vector<1x16xf32> to vector<16xf32>
        %get3A_37 = arith.index_cast %scan3A_32 : i32 to index
        %get3A_38 = arith.constant 0 : index
        %get3A_39 = tpu.vector_load %arg11[%get3A_37, %get3A_38] {strides = array<i32>} : memref<64x128xf32, #tpu.memory_space<vmem>>, vector<1x16xf32>,
        %get3A_40 = vector.shape_cast %get3A_39 : vector<1x16xf32> to vector<16xf32>
        %add3A = arith.addf %get3A_36, %get3A_40 : vector<16xf32>
        %get3A_41 = arith.index_cast %scan3A_32 : i32 to index
        %get3A_42 = arith.constant 0 : index
        %get3A_43 = tpu.vector_load %arg12[%get3A_41, %get3A_42] {strides = array<i32>} : memref<64x128xf32, #tpu.memory_space<vmem>>, vector<1x16xf32>,
        %get3A_44 = vector.shape_cast %get3A_43 : vector<1x16xf32> to vector<16xf32>
        %add3A_45 = arith.addf %add3A, %get3A_44 : vector<16xf32>
        %get3A_46 = arith.index_cast %scan3A_32 : i32 to index
        %get3A_47 = arith.constant 0 : index
        %get3A_48 = tpu.vector_load %arg13[%get3A_46, %get3A_47] {strides = array<i32>} : memref<64x128xf32, #tpu.memory_space<vmem>>, vector<1x16xf32>,
        %get3A_49 = vector.shape_cast %get3A_48 : vector<1x16xf32> to vector<16xf32>
        %mul3A = arith.mulf %add3A_45, %get3A_49 : vector<16xf32>
        %get3A_50 = arith.constant 0 : index
        %get3A_51 = tpu.vector_load %arg14[%get3A_50] {strides = array<i32>} : memref<128xf32, #tpu.memory_space<vmem>>, vector<16xf32>,
        %get3A_52 = vector.shape_cast %get3A_51 : vector<16xf32> to vector<16xf32>
        %add3A_53 = arith.addf %mul3A, %get3A_52 : vector<16xf32>
        %swap3A = arith.index_cast %scan3A_32 : i32 to index
        %swap3A_54 = arith.constant 0 : index
        %swap3A_55 = tpu.vector_load %arg15[%swap3A, %swap3A_54] {strides = array<i32>} : memref<64x128xf32, #tpu.memory_space<vmem>>, vector<1x16xf32>,
        %swap3A_56 = vector.shape_cast %swap3A_55 : vector<1x16xf32> to vector<16xf32>
        %swap3A_57 = vector.shape_cast %add3A_53 : vector<16xf32> to vector<1x16xf32>
        tpu.vector_store %arg15[%swap3A, %swap3A_54], %swap3A_57 {strides = array<i32>} : memref<64x128xf32, #tpu.memory_space<vmem>>, vector<1x16xf32>,
        %get3A_58 = arith.index_cast %scan3A_32 : i32 to index
        %get3A_59 = arith.constant 16 : index
        %get3A_60 = tpu.vector_load %arg10[%get3A_58, %get3A_59] {strides = array<i32>} : memref<64x128xf32, #tpu.memory_space<vmem>>, vector<1x16xf32>,
        %get3A_61 = vector.shape_cast %get3A_60 : vector<1x16xf32> to vector<16xf32>
        %get3A_62 = arith.index_cast %scan3A_32 : i32 to index
        %get3A_63 = arith.constant 16 : index
        %get3A_64 = tpu.vector_load %arg11[%get3A_62, %get3A_63] {strides = array<i32>} : memref<64x128xf32, #tpu.memory_space<vmem>>, vector<1x16xf32>,
        %get3A_65 = vector.shape_cast %get3A_64 : vector<1x16xf32> to vector<16xf32>
        %add3A_66 = arith.addf %get3A_61, %get3A_65 : vector<16xf32>
        %get3A_67 = arith.index_cast %scan3A_32 : i32 to index
        %get3A_68 = arith.constant 16 : index
        %get3A_69 = tpu.vector_load %arg12[%get3A_67, %get3A_68] {strides = array<i32>} : memref<64x128xf32, #tpu.memory_space<vmem>>, vector<1x16xf32>,
        %get3A_70 = vector.shape_cast %get3A_69 : vector<1x16xf32> to vector<16xf32>
        %add3A_71 = arith.addf %add3A_66, %get3A_70 : vector<16xf32>
        %get3A_72 = arith.index_cast %scan3A_32 : i32 to index
        %get3A_73 = arith.constant 16 : index
        %get3A_74 = tpu.vector_load %arg13[%get3A_72, %get3A_73] {strides = array<i32>} : memref<64x128xf32, #tpu.memory_space<vmem>>, vector<1x16xf32>,
        %get3A_75 = vector.shape_cast %get3A_74 : vector<1x16xf32> to vector<16xf32>
        %mul3A_76 = arith.mulf %add3A_71, %get3A_75 : vector<16xf32>
        %get3A_77 = arith.constant 16 : index
        %get3A_78 = tpu.vector_load %arg14[%get3A_77] {strides = array<i32>} : memref<128xf32, #tpu.memory_space<vmem>>, vector<16xf32>,
        %get3A_79 = vector.shape_cast %get3A_78 : vector<16xf32> to vector<16xf32>
        %add3A_80 = arith.addf %mul3A_76, %get3A_79 : vector<16xf32>
        %swap3A_81 = arith.index_cast %scan3A_32 : i32 to index
        %swap3A_82 = arith.constant 16 : index
        %swap3A_83 = tpu.vector_load %arg15[%swap3A_81, %swap3A_82] {strides = array<i32>} : memref<64x128xf32, #tpu.memory_space<vmem>>, vector<1x16xf32>,
        %swap3A_84 = vector.shape_cast %swap3A_83 : vector<1x16xf32> to vector<16xf32>
        %swap3A_85 = vector.shape_cast %add3A_80 : vector<16xf32> to vector<1x16xf32>
        tpu.vector_store %arg15[%swap3A_81, %swap3A_82], %swap3A_85 {strides = array<i32>} : memref<64x128xf32, #tpu.memory_space<vmem>>, vector<1x16xf32>,
        %get3A_86 = arith.index_cast %scan3A_32 : i32 to index
        %get3A_87 = arith.constant 32 : index
        %get3A_88 = tpu.vector_load %arg10[%get3A_86, %get3A_87] {strides = array<i32>} : memref<64x128xf32, #tpu.memory_space<vmem>>, vector<1x16xf32>,
        %get3A_89 = vector.shape_cast %get3A_88 : vector<1x16xf32> to vector<16xf32>
        %get3A_90 = arith.index_cast %scan3A_32 : i32 to index
        %get3A_91 = arith.constant 32 : index
        %get3A_92 = tpu.vector_load %arg11[%get3A_90, %get3A_91] {strides = array<i32>} : memref<64x128xf32, #tpu.memory_space<vmem>>, vector<1x16xf32>,
        %get3A_93 = vector.shape_cast %get3A_92 : vector<1x16xf32> to vector<16xf32>
        %add3A_94 = arith.addf %get3A_89, %get3A_93 : vector<16xf32>
        %get3A_95 = arith.index_cast %scan3A_32 : i32 to index
        %get3A_96 = arith.constant 32 : index
        %get3A_97 = tpu.vector_load %arg12[%get3A_95, %get3A_96] {strides = array<i32>} : memref<64x128xf32, #tpu.memory_space<vmem>>, vector<1x16xf32>,
        %get3A_98 = vector.shape_cast %get3A_97 : vector<1x16xf32> to vector<16xf32>
        %add3A_99 = arith.addf %add3A_94, %get3A_98 : vector<16xf32>
        %get3A_100 = arith.index_cast %scan3A_32 : i32 to index
        %get3A_101 = arith.constant 32 : index
        %get3A_102 = tpu.vector_load %arg13[%get3A_100, %get3A_101] {strides = array<i32>} : memref<64x128xf32, #tpu.memory_space<vmem>>, vector<1x16xf32>,
        %get3A_103 = vector.shape_cast %get3A_102 : vector<1x16xf32> to vector<16xf32>
        %mul3A_104 = arith.mulf %add3A_99, %get3A_103 : vector<16xf32>
        %get3A_105 = arith.constant 32 : index
        %get3A_106 = tpu.vector_load %arg14[%get3A_105] {strides = array<i32>} : memref<128xf32, #tpu.memory_space<vmem>>, vector<16xf32>,
        %get3A_107 = vector.shape_cast %get3A_106 : vector<16xf32> to vector<16xf32>
        %add3A_108 = arith.addf %mul3A_104, %get3A_107 : vector<16xf32>
        %swap3A_109 = arith.index_cast %scan3A_32 : i32 to index
        %swap3A_110 = arith.constant 32 : index
        %swap3A_111 = tpu.vector_load %arg15[%swap3A_109, %swap3A_110] {strides = array<i32>} : memref<64x128xf32, #tpu.memory_space<vmem>>, vector<1x16xf32>,
        %swap3A_112 = vector.shape_cast %swap3A_111 : vector<1x16xf32> to vector<16xf32>
        %swap3A_113 = vector.shape_cast %add3A_108 : vector<16xf32> to vector<1x16xf32>
        tpu.vector_store %arg15[%swap3A_109, %swap3A_110], %swap3A_113 {strides = array<i32>} : memref<64x128xf32, #tpu.memory_space<vmem>>, vector<1x16xf32>,
        %get3A_114 = arith.index_cast %scan3A_32 : i32 to index
        %get3A_115 = arith.constant 48 : index
        %get3A_116 = tpu.vector_load %arg10[%get3A_114, %get3A_115] {strides = array<i32>} : memref<64x128xf32, #tpu.memory_space<vmem>>, vector<1x16xf32>,
        %get3A_117 = vector.shape_cast %get3A_116 : vector<1x16xf32> to vector<16xf32>
        %get3A_118 = arith.index_cast %scan3A_32 : i32 to index
        %get3A_119 = arith.constant 48 : index
        %get3A_120 = tpu.vector_load %arg11[%get3A_118, %get3A_119] {strides = array<i32>} : memref<64x128xf32, #tpu.memory_space<vmem>>, vector<1x16xf32>,
        %get3A_121 = vector.shape_cast %get3A_120 : vector<1x16xf32> to vector<16xf32>
        %add3A_122 = arith.addf %get3A_117, %get3A_121 : vector<16xf32>
        %get3A_123 = arith.index_cast %scan3A_32 : i32 to index
        %get3A_124 = arith.constant 48 : index
        %get3A_125 = tpu.vector_load %arg12[%get3A_123, %get3A_124] {strides = array<i32>} : memref<64x128xf32, #tpu.memory_space<vmem>>, vector<1x16xf32>,
        %get3A_126 = vector.shape_cast %get3A_125 : vector<1x16xf32> to vector<16xf32>
        %add3A_127 = arith.addf %add3A_122, %get3A_126 : vector<16xf32>
        %get3A_128 = arith.index_cast %scan3A_32 : i32 to index
        %get3A_129 = arith.constant 48 : index
        %get3A_130 = tpu.vector_load %arg13[%get3A_128, %get3A_129] {strides = array<i32>} : memref<64x128xf32, #tpu.memory_space<vmem>>, vector<1x16xf32>,
        %get3A_131 = vector.shape_cast %get3A_130 : vector<1x16xf32> to vector<16xf32>
        %mul3A_132 = arith.mulf %add3A_127, %get3A_131 : vector<16xf32>
        %get3A_133 = arith.constant 48 : index
        %get3A_134 = tpu.vector_load %arg14[%get3A_133] {strides = array<i32>} : memref<128xf32, #tpu.memory_space<vmem>>, vector<16xf32>,
        %get3A_135 = vector.shape_cast %get3A_134 : vector<16xf32> to vector<16xf32>
        %add3A_136 = arith.addf %mul3A_132, %get3A_135 : vector<16xf32>
        %swap3A_137 = arith.index_cast %scan3A_32 : i32 to index
        %swap3A_138 = arith.constant 48 : index
        %swap3A_139 = tpu.vector_load %arg15[%swap3A_137, %swap3A_138] {strides = array<i32>} : memref<64x128xf32, #tpu.memory_space<vmem>>, vector<1x16xf32>,
        %swap3A_140 = vector.shape_cast %swap3A_139 : vector<1x16xf32> to vector<16xf32>
        %swap3A_141 = vector.shape_cast %add3A_136 : vector<16xf32> to vector<1x16xf32>
        tpu.vector_store %arg15[%swap3A_137, %swap3A_138], %swap3A_141 {strides = array<i32>} : memref<64x128xf32, #tpu.memory_space<vmem>>, vector<1x16xf32>,
        %get3A_142 = arith.index_cast %scan3A_32 : i32 to index
        %get3A_143 = arith.constant 64 : index
        %get3A_144 = tpu.vector_load %arg10[%get3A_142, %get3A_143] {strides = array<i32>} : memref<64x128xf32, #tpu.memory_space<vmem>>, vector<1x16xf32>,
        %get3A_145 = vector.shape_cast %get3A_144 : vector<1x16xf32> to vector<16xf32>
        %get3A_146 = arith.index_cast %scan3A_32 : i32 to index
        %get3A_147 = arith.constant 64 : index
        %get3A_148 = tpu.vector_load %arg11[%get3A_146, %get3A_147] {strides = array<i32>} : memref<64x128xf32, #tpu.memory_space<vmem>>, vector<1x16xf32>,
        %get3A_149 = vector.shape_cast %get3A_148 : vector<1x16xf32> to vector<16xf32>
        %add3A_150 = arith.addf %get3A_145, %get3A_149 : vector<16xf32>
        %get3A_151 = arith.index_cast %scan3A_32 : i32 to index
        %get3A_152 = arith.constant 64 : index
        %get3A_153 = tpu.vector_load %arg12[%get3A_151, %get3A_152] {strides = array<i32>} : memref<64x128xf32, #tpu.memory_space<vmem>>, vector<1x16xf32>,
        %get3A_154 = vector.shape_cast %get3A_153 : vector<1x16xf32> to vector<16xf32>
        %add3A_155 = arith.addf %add3A_150, %get3A_154 : vector<16xf32>
        %get3A_156 = arith.index_cast %scan3A_32 : i32 to index
        %get3A_157 = arith.constant 64 : index
        %get3A_158 = tpu.vector_load %arg13[%get3A_156, %get3A_157] {strides = array<i32>} : memref<64x128xf32, #tpu.memory_space<vmem>>, vector<1x16xf32>,
        %get3A_159 = vector.shape_cast %get3A_158 : vector<1x16xf32> to vector<16xf32>
        %mul3A_160 = arith.mulf %add3A_155, %get3A_159 : vector<16xf32>
        %get3A_161 = arith.constant 64 : index
        %get3A_162 = tpu.vector_load %arg14[%get3A_161] {strides = array<i32>} : memref<128xf32, #tpu.memory_space<vmem>>, vector<16xf32>,
        %get3A_163 = vector.shape_cast %get3A_162 : vector<16xf32> to vector<16xf32>
        %add3A_164 = arith.addf %mul3A_160, %get3A_163 : vector<16xf32>
        %swap3A_165 = arith.index_cast %scan3A_32 : i32 to index
        %swap3A_166 = arith.constant 64 : index
        %swap3A_167 = tpu.vector_load %arg15[%swap3A_165, %swap3A_166] {strides = array<i32>} : memref<64x128xf32, #tpu.memory_space<vmem>>, vector<1x16xf32>,
        %swap3A_168 = vector.shape_cast %swap3A_167 : vector<1x16xf32> to vector<16xf32>
        %swap3A_169 = vector.shape_cast %add3A_164 : vector<16xf32> to vector<1x16xf32>
        tpu.vector_store %arg15[%swap3A_165, %swap3A_166], %swap3A_169 {strides = array<i32>} : memref<64x128xf32, #tpu.memory_space<vmem>>, vector<1x16xf32>,
        %get3A_170 = arith.index_cast %scan3A_32 : i32 to index
        %get3A_171 = arith.constant 80 : index
        %get3A_172 = tpu.vector_load %arg10[%get3A_170, %get3A_171] {strides = array<i32>} : memref<64x128xf32, #tpu.memory_space<vmem>>, vector<1x16xf32>,
        %get3A_173 = vector.shape_cast %get3A_172 : vector<1x16xf32> to vector<16xf32>
        %get3A_174 = arith.index_cast %scan3A_32 : i32 to index
        %get3A_175 = arith.constant 80 : index
        %get3A_176 = tpu.vector_load %arg11[%get3A_174, %get3A_175] {strides = array<i32>} : memref<64x128xf32, #tpu.memory_space<vmem>>, vector<1x16xf32>,
        %get3A_177 = vector.shape_cast %get3A_176 : vector<1x16xf32> to vector<16xf32>
        %add3A_178 = arith.addf %get3A_173, %get3A_177 : vector<16xf32>
        %get3A_179 = arith.index_cast %scan3A_32 : i32 to index
        %get3A_180 = arith.constant 80 : index
        %get3A_181 = tpu.vector_load %arg12[%get3A_179, %get3A_180] {strides = array<i32>} : memref<64x128xf32, #tpu.memory_space<vmem>>, vector<1x16xf32>,
        %get3A_182 = vector.shape_cast %get3A_181 : vector<1x16xf32> to vector<16xf32>
        %add3A_183 = arith.addf %add3A_178, %get3A_182 : vector<16xf32>
        %get3A_184 = arith.index_cast %scan3A_32 : i32 to index
        %get3A_185 = arith.constant 80 : index
        %get3A_186 = tpu.vector_load %arg13[%get3A_184, %get3A_185] {strides = array<i32>} : memref<64x128xf32, #tpu.memory_space<vmem>>, vector<1x16xf32>,
        %get3A_187 = vector.shape_cast %get3A_186 : vector<1x16xf32> to vector<16xf32>
        %mul3A_188 = arith.mulf %add3A_183, %get3A_187 : vector<16xf32>
        %get3A_189 = arith.constant 80 : index
        %get3A_190 = tpu.vector_load %arg14[%get3A_189] {strides = array<i32>} : memref<128xf32, #tpu.memory_space<vmem>>, vector<16xf32>,
        %get3A_191 = vector.shape_cast %get3A_190 : vector<16xf32> to vector<16xf32>
        %add3A_192 = arith.addf %mul3A_188, %get3A_191 : vector<16xf32>
        %swap3A_193 = arith.index_cast %scan3A_32 : i32 to index
        %swap3A_194 = arith.constant 80 : index
        %swap3A_195 = tpu.vector_load %arg15[%swap3A_193, %swap3A_194] {strides = array<i32>} : memref<64x128xf32, #tpu.memory_space<vmem>>, vector<1x16xf32>,
        %swap3A_196 = vector.shape_cast %swap3A_195 : vector<1x16xf32> to vector<16xf32>
        %swap3A_197 = vector.shape_cast %add3A_192 : vector<16xf32> to vector<1x16xf32>
        tpu.vector_store %arg15[%swap3A_193, %swap3A_194], %swap3A_197 {strides = array<i32>} : memref<64x128xf32, #tpu.memory_space<vmem>>, vector<1x16xf32>,
        %get3A_198 = arith.index_cast %scan3A_32 : i32 to index
        %get3A_199 = arith.constant 96 : index
        %get3A_200 = tpu.vector_load %arg10[%get3A_198, %get3A_199] {strides = array<i32>} : memref<64x128xf32, #tpu.memory_space<vmem>>, vector<1x16xf32>,
        %get3A_201 = vector.shape_cast %get3A_200 : vector<1x16xf32> to vector<16xf32>
        %get3A_202 = arith.index_cast %scan3A_32 : i32 to index
        %get3A_203 = arith.constant 96 : index
        %get3A_204 = tpu.vector_load %arg11[%get3A_202, %get3A_203] {strides = array<i32>} : memref<64x128xf32, #tpu.memory_space<vmem>>, vector<1x16xf32>,
        %get3A_205 = vector.shape_cast %get3A_204 : vector<1x16xf32> to vector<16xf32>
        %add3A_206 = arith.addf %get3A_201, %get3A_205 : vector<16xf32>
        %get3A_207 = arith.index_cast %scan3A_32 : i32 to index
        %get3A_208 = arith.constant 96 : index
        %get3A_209 = tpu.vector_load %arg12[%get3A_207, %get3A_208] {strides = array<i32>} : memref<64x128xf32, #tpu.memory_space<vmem>>, vector<1x16xf32>,
        %get3A_210 = vector.shape_cast %get3A_209 : vector<1x16xf32> to vector<16xf32>
        %add3A_211 = arith.addf %add3A_206, %get3A_210 : vector<16xf32>
        %get3A_212 = arith.index_cast %scan3A_32 : i32 to index
        %get3A_213 = arith.constant 96 : index
        %get3A_214 = tpu.vector_load %arg13[%get3A_212, %get3A_213] {strides = array<i32>} : memref<64x128xf32, #tpu.memory_space<vmem>>, vector<1x16xf32>,
        %get3A_215 = vector.shape_cast %get3A_214 : vector<1x16xf32> to vector<16xf32>
        %mul3A_216 = arith.mulf %add3A_211, %get3A_215 : vector<16xf32>
        %get3A_217 = arith.constant 96 : index
        %get3A_218 = tpu.vector_load %arg14[%get3A_217] {strides = array<i32>} : memref<128xf32, #tpu.memory_space<vmem>>, vector<16xf32>,
        %get3A_219 = vector.shape_cast %get3A_218 : vector<16xf32> to vector<16xf32>
        %add3A_220 = arith.addf %mul3A_216, %get3A_219 : vector<16xf32>
        %swap3A_221 = arith.index_cast %scan3A_32 : i32 to index
        %swap3A_222 = arith.constant 96 : index
        %swap3A_223 = tpu.vector_load %arg15[%swap3A_221, %swap3A_222] {strides = array<i32>} : memref<64x128xf32, #tpu.memory_space<vmem>>, vector<1x16xf32>,
        %swap3A_224 = vector.shape_cast %swap3A_223 : vector<1x16xf32> to vector<16xf32>
        %swap3A_225 = vector.shape_cast %add3A_220 : vector<16xf32> to vector<1x16xf32>
        tpu.vector_store %arg15[%swap3A_221, %swap3A_222], %swap3A_225 {strides = array<i32>} : memref<64x128xf32, #tpu.memory_space<vmem>>, vector<1x16xf32>,
        %get3A_226 = arith.index_cast %scan3A_32 : i32 to index
        %get3A_227 = arith.constant 112 : index
        %get3A_228 = tpu.vector_load %arg10[%get3A_226, %get3A_227] {strides = array<i32>} : memref<64x128xf32, #tpu.memory_space<vmem>>, vector<1x16xf32>,
        %get3A_229 = vector.shape_cast %get3A_228 : vector<1x16xf32> to vector<16xf32>
        %get3A_230 = arith.index_cast %scan3A_32 : i32 to index
        %get3A_231 = arith.constant 112 : index
        %get3A_232 = tpu.vector_load %arg11[%get3A_230, %get3A_231] {strides = array<i32>} : memref<64x128xf32, #tpu.memory_space<vmem>>, vector<1x16xf32>,
        %get3A_233 = vector.shape_cast %get3A_232 : vector<1x16xf32> to vector<16xf32>
        %add3A_234 = arith.addf %get3A_229, %get3A_233 : vector<16xf32>
        %get3A_235 = arith.index_cast %scan3A_32 : i32 to index
        %get3A_236 = arith.constant 112 : index
        %get3A_237 = tpu.vector_load %arg12[%get3A_235, %get3A_236] {strides = array<i32>} : memref<64x128xf32, #tpu.memory_space<vmem>>, vector<1x16xf32>,
        %get3A_238 = vector.shape_cast %get3A_237 : vector<1x16xf32> to vector<16xf32>
        %add3A_239 = arith.addf %add3A_234, %get3A_238 : vector<16xf32>
        %get3A_240 = arith.index_cast %scan3A_32 : i32 to index
        %get3A_241 = arith.constant 112 : index
        %get3A_242 = tpu.vector_load %arg13[%get3A_240, %get3A_241] {strides = array<i32>} : memref<64x128xf32, #tpu.memory_space<vmem>>, vector<1x16xf32>,
        %get3A_243 = vector.shape_cast %get3A_242 : vector<1x16xf32> to vector<16xf32>
        %mul3A_244 = arith.mulf %add3A_239, %get3A_243 : vector<16xf32>
        %get3A_245 = arith.constant 112 : index
        %get3A_246 = tpu.vector_load %arg14[%get3A_245] {strides = array<i32>} : memref<128xf32, #tpu.memory_space<vmem>>, vector<16xf32>,
        %get3A_247 = vector.shape_cast %get3A_246 : vector<16xf32> to vector<16xf32>
        %add3A_248 = arith.addf %mul3A_244, %get3A_247 : vector<16xf32>
        %swap3A_249 = arith.index_cast %scan3A_32 : i32 to index
        %swap3A_250 = arith.constant 112 : index
        %swap3A_251 = tpu.vector_load %arg15[%swap3A_249, %swap3A_250] {strides = array<i32>} : memref<64x128xf32, #tpu.memory_space<vmem>>, vector<1x16xf32>,
        %swap3A_252 = vector.shape_cast %swap3A_251 : vector<1x16xf32> to vector<16xf32>
        %swap3A_253 = vector.shape_cast %add3A_248 : vector<16xf32> to vector<1x16xf32>
        tpu.vector_store %arg15[%swap3A_249, %swap3A_250], %swap3A_253 {strides = array<i32>} : memref<64x128xf32, #tpu.memory_space<vmem>>, vector<1x16xf32>,
        %scan3A_254 = arith.constant 0 : i32
        scf.yield %scan3A_254 : i32
      }
      %scan3A_31 = arith.constant 64 : i32
      "tpu.region"() ({
        %run_scoped3A = tpu.sem_alloc : memref<!tpu.dma_semaphore, #tpu.memory_space<semaphore_mem>>
        tpu.enqueue_dma source(%arg15 : memref<64x128xf32, #tpu.memory_space<vmem>>) target(%arg8 : memref<64x128xf32, #tpu.memory_space<hbm>>) target_semaphore(%run_scoped3A : memref<!tpu.dma_semaphore, #tpu.memory_space<semaphore_mem>>)
        tpu.wait_dma2 semaphore(%run_scoped3A : memref<!tpu.dma_semaphore, #tpu.memory_space<semaphore_mem>>) src(%arg15 : memref<64x128xf32, #tpu.memory_space<vmem>>) dst(%arg8 : memref<64x128xf32, #tpu.memory_space<hbm>>)
        tpu.yield
      }) : () -> ()
    } else {
    }
    return
  }
}

module attributes {stable_mosaic.version = 14 : i64} {
  func.func @body(%arg0: i32, %arg1: memref<2x1000x128xf32, #tpu.memory_space<vmem>>, %arg2: memref<2x128x128xf32, #tpu.memory_space<vmem>>, %arg3: memref<1000x128xf32, #tpu.memory_space<vmem>>, %arg4: memref<1000x128xf32, #tpu.memory_space<vmem>>, %arg5: memref<1000x128xf32, #tpu.memory_space<vmem>>, %arg6: memref<64x1xi32, #tpu.memory_space<vmem>>) attributes {dimension_semantics = [#tpu.dimension_semantics<arbitrary>], iteration_bounds = array<i64: 10>, scalar_prefetch = 0 : i64, scratch_operands = 0 : i64, tpu.core_type = #tpu.core_type<tc>, window_params = [{transform_indices = @transform_0, window_bounds = array<i64: 2, 1000, 128>}, {pipeline_mode = #tpu.pipeline_mode<synchronous>, transform_indices = @transform_1, window_bounds = array<i64: 2, 128, 128>}, {transform_indices = @transform_2, window_bounds = array<i64: 1000, 128>}, {transform_indices = @transform_3, window_bounds = array<i64: 1000, 128>}, {transform_indices = @transform_4, window_bounds = array<i64: 1000, 128>}, {pipeline_mode = #tpu.pipeline_mode<synchronous>, transform_indices = @transform_5, window_bounds = array<i64: 64, 1>}]} {
    %get3A = arith.constant 0 : index
    %get3A_0 = arith.constant 0 : index
    %get3A_1 = arith.constant 0 : index
    %get3A_2 = vector.load %arg1[%get3A, %get3A_0, %get3A_1] : memref<2x1000x128xf32, #tpu.memory_space<vmem>>, vector<1x1000x128xf32>
    %get3A_3 = vector.shape_cast %get3A_2 : vector<1x1000x128xf32> to vector<1000x128xf32>
    %get3A_4 = arith.constant 1 : index
    %get3A_5 = arith.constant 0 : index
    %get3A_6 = arith.constant 0 : index
    %get3A_7 = vector.load %arg1[%get3A_4, %get3A_5, %get3A_6] : memref<2x1000x128xf32, #tpu.memory_space<vmem>>, vector<1x1000x128xf32>
    %get3A_8 = vector.shape_cast %get3A_7 : vector<1x1000x128xf32> to vector<1000x128xf32>
    %add3A = arith.addf %get3A_3, %get3A_8 : vector<1000x128xf32>
    %slice3A = vector.extract_strided_slice %add3A {offsets = [0, 0], sizes = [1000, 1], strides = [1, 1]} : vector<1000x128xf32> to vector<1000x1xf32>
    %add3A_9 = arith.constant 1.000000e+00 : f32
    %add3A_10 = vector.broadcast %add3A_9 : f32 to vector<1000x1xf32>
    %add3A_11 = arith.addf %slice3A, %add3A_10 : vector<1000x1xf32>
    %rsqrt3A = math.rsqrt %add3A_11 : vector<1000x1xf32>
    %broadcast_in_dim3A = vector.shape_cast %rsqrt3A : vector<1000x1xf32> to vector<1000x1xf32>
    %broadcast_in_dim3A_12 = vector.broadcast %broadcast_in_dim3A : vector<1000x1xf32> to vector<1000x128xf32>
    %swap3A = arith.constant 0 : index
    %swap3A_13 = arith.constant 0 : index
    %swap3A_14 = vector.load %arg4[%swap3A, %swap3A_13] : memref<1000x128xf32, #tpu.memory_space<vmem>>, vector<1000x128xf32>
    tpu.vector_store %arg4[%swap3A, %swap3A_13], %broadcast_in_dim3A_12 {strides = array<i32>} : memref<1000x128xf32, #tpu.memory_space<vmem>>, vector<1000x128xf32>,
    %get3A_15 = arith.constant 0 : index
    %get3A_16 = arith.constant 0 : index
    %get3A_17 = vector.load %arg3[%get3A_15, %get3A_16] : memref<1000x128xf32, #tpu.memory_space<vmem>>, vector<1000x128xf32>
    %mul3A = arith.mulf %get3A_17, %broadcast_in_dim3A_12 : vector<1000x128xf32>
    %swap3A_18 = arith.constant 0 : index
    %swap3A_19 = arith.constant 0 : index
    %swap3A_20 = vector.load %arg5[%swap3A_18, %swap3A_19] : memref<1000x128xf32, #tpu.memory_space<vmem>>, vector<1000x128xf32>
    tpu.vector_store %arg5[%swap3A_18, %swap3A_19], %mul3A {strides = array<i32>} : memref<1000x128xf32, #tpu.memory_space<vmem>>, vector<1000x128xf32>,
    %get3A_21 = arith.constant 0 : index
    %get3A_22 = arith.constant 0 : index
    %get3A_23 = arith.constant 0 : index
    %get3A_24 = vector.load %arg2[%get3A_21, %get3A_22, %get3A_23] : memref<2x128x128xf32, #tpu.memory_space<vmem>>, vector<1x128x128xf32>
    %get3A_25 = vector.shape_cast %get3A_24 : vector<1x128x128xf32> to vector<128x128xf32>
    %get3A_26 = arith.constant 1 : index
    %get3A_27 = arith.constant 0 : index
    %get3A_28 = arith.constant 0 : index
    %get3A_29 = vector.load %arg2[%get3A_26, %get3A_27, %get3A_28] : memref<2x128x128xf32, #tpu.memory_space<vmem>>, vector<1x128x128xf32>
    %get3A_30 = vector.shape_cast %get3A_29 : vector<1x128x128xf32> to vector<128x128xf32>
    %add3A_31 = arith.addf %get3A_25, %get3A_30 : vector<128x128xf32>
    %slice3A_32 = vector.extract_strided_slice %add3A_31 {offsets = [0, 0], sizes = [64, 1], strides = [1, 1]} : vector<128x128xf32> to vector<64x1xf32>
    %iota3A = tpu.iota {dimensions = array<i32: 0>} : vector<64x64xi32>
    %iota3A_33 = tpu.iota {dimensions = array<i32: 1>} : vector<64x64xi32>
    %le3A = arith.cmpi sle, %iota3A_33, %iota3A : vector<64x64xi32>
    %convert_element_type3A = arith.extui %le3A : vector<64x64xi1> to vector<64x64xi32>
    %convert_element_type3A_34 = arith.sitofp %convert_element_type3A : vector<64x64xi32> to vector<64x64xf32>
    %dot_general3A = arith.constant dense<0.000000e+00> : vector<64x1xf32>
    %dot_general3A_35 = tpu.matmul %convert_element_type3A_34, %slice3A_32, %dot_general3A {dimension_numbers = #tpu.dot_dimension_numbers<[1], [0], [0], [1], [0, 0, 1, 1], [], []>, transpose_lhs_hint = false} : vector<64x64xf32>, vector<64x1xf32>, vector<64x1xf32> -> vector<64x1xf32>
    %gt3A = arith.constant 0.000000e+00 : f32
    %gt3A_36 = vector.broadcast %gt3A : f32 to vector<64x1xf32>
    %gt3A_37 = arith.cmpf ogt, %slice3A_32, %gt3A_36 : vector<64x1xf32>
    %sub3A = arith.constant 1.000000e+00 : f32
    %sub3A_38 = vector.broadcast %sub3A : f32 to vector<64x1xf32>
    %sub3A_39 = arith.subf %dot_general3A_35, %sub3A_38 : vector<64x1xf32>
    %jit3A = arith.constant 0.000000e+00 : f32
    %broadcast_in_dim3A_40 = vector.broadcast %jit3A : f32 to vector<64x1xf32>
    %select_n3A = arith.select %gt3A_37, %sub3A_39, %broadcast_in_dim3A_40 : vector<64x1xi1>, vector<64x1xf32>
    %convert_element_type3A_41 = arith.fptosi %select_n3A : vector<64x1xf32> to vector<64x1xi32>
    %swap3A_42 = arith.constant 0 : index
    %swap3A_43 = arith.constant 0 : index
    %swap3A_44 = vector.load %arg6[%swap3A_42, %swap3A_43] : memref<64x1xi32, #tpu.memory_space<vmem>>, vector<64x1xi32>
    tpu.vector_store %arg6[%swap3A_42, %swap3A_43], %convert_element_type3A_41 {strides = array<i32>} : memref<64x1xi32, #tpu.memory_space<vmem>>, vector<64x1xi32>,
    return
  }
  func.func @transform_0(%arg0: i32) -> (i32, i32, i32) {
    %c0_i32 = arith.constant 0 : i32
    %c0_i32_0 = arith.constant 0 : i32
    %c0_i32_1 = arith.constant 0 : i32
    return %c0_i32, %arg0, %c0_i32_0 : i32, i32, i32
  }
  func.func @transform_1(%arg0: i32) -> (i32, i32, i32) {
    %c0_i32 = arith.constant 0 : i32
    %c0_i32_0 = arith.constant 0 : i32
    %c0_i32_1 = arith.constant 0 : i32
    %c0_i32_2 = arith.constant 0 : i32
    return %c0_i32, %c0_i32_0, %c0_i32_1 : i32, i32, i32
  }
  func.func @transform_2(%arg0: i32) -> (i32, i32) {
    %c0_i32 = arith.constant 0 : i32
    %c0_i32_0 = arith.constant 0 : i32
    return %arg0, %c0_i32 : i32, i32
  }
  func.func @transform_3(%arg0: i32) -> (i32, i32) {
    %c0_i32 = arith.constant 0 : i32
    %c0_i32_0 = arith.constant 0 : i32
    return %arg0, %c0_i32 : i32, i32
  }
  func.func @transform_4(%arg0: i32) -> (i32, i32) {
    %c0_i32 = arith.constant 0 : i32
    %c0_i32_0 = arith.constant 0 : i32
    return %arg0, %c0_i32 : i32, i32
  }
  func.func @transform_5(%arg0: i32) -> (i32, i32) {
    %c0_i32 = arith.constant 0 : i32
    %c0_i32_0 = arith.constant 0 : i32
    %c0_i32_1 = arith.constant 0 : i32
    return %c0_i32, %c0_i32_0 : i32, i32
  }
}

module attributes {stable_mosaic.version = 14 : i64} {
  func.func @body(%arg0: i32, %arg1: memref<2x1000x128xf32, #tpu.memory_space<vmem>>, %arg2: memref<1000x128xf32, #tpu.memory_space<vmem>>, %arg3: memref<1000x128xf32, #tpu.memory_space<vmem>>, %arg4: memref<128x256xf32, #tpu.memory_space<vmem>>, %arg5: memref<1x256xf32, #tpu.memory_space<vmem>>, %arg6: memref<1000x128xf32, #tpu.memory_space<vmem>>, %arg7: memref<1000x128xf32, #tpu.memory_space<vmem>>) attributes {dimension_semantics = [#tpu.dimension_semantics<arbitrary>], iteration_bounds = array<i64: 10>, scalar_prefetch = 0 : i64, scratch_operands = 0 : i64, tpu.core_type = #tpu.core_type<tc>, window_params = [{transform_indices = @transform_0, window_bounds = array<i64: 2, 1000, 128>}, {transform_indices = @transform_1, window_bounds = array<i64: 1000, 128>}, {transform_indices = @transform_2, window_bounds = array<i64: 1000, 128>}, {pipeline_mode = #tpu.pipeline_mode<synchronous>, transform_indices = @transform_3, window_bounds = array<i64: 128, 256>}, {pipeline_mode = #tpu.pipeline_mode<synchronous>, transform_indices = @transform_4, window_bounds = array<i64: 1, 256>}, {transform_indices = @transform_5, window_bounds = array<i64: 1000, 128>}, {transform_indices = @transform_6, window_bounds = array<i64: 1000, 128>}]} {
    %get3A = arith.constant 0 : index
    %get3A_0 = arith.constant 0 : index
    %get3A_1 = arith.constant 0 : index
    %get3A_2 = vector.load %arg1[%get3A, %get3A_0, %get3A_1] : memref<2x1000x128xf32, #tpu.memory_space<vmem>>, vector<1x1000x128xf32>
    %get3A_3 = vector.shape_cast %get3A_2 : vector<1x1000x128xf32> to vector<1000x128xf32>
    %get3A_4 = arith.constant 1 : index
    %get3A_5 = arith.constant 0 : index
    %get3A_6 = arith.constant 0 : index
    %get3A_7 = vector.load %arg1[%get3A_4, %get3A_5, %get3A_6] : memref<2x1000x128xf32, #tpu.memory_space<vmem>>, vector<1x1000x128xf32>
    %get3A_8 = vector.shape_cast %get3A_7 : vector<1x1000x128xf32> to vector<1000x128xf32>
    %add3A = arith.addf %get3A_3, %get3A_8 : vector<1000x128xf32>
    %get3A_9 = arith.constant 0 : index
    %get3A_10 = arith.constant 0 : index
    %get3A_11 = vector.load %arg2[%get3A_9, %get3A_10] : memref<1000x128xf32, #tpu.memory_space<vmem>>, vector<1000x128xf32>
    %add3A_12 = arith.addf %add3A, %get3A_11 : vector<1000x128xf32>
    %get3A_13 = arith.constant 0 : index
    %get3A_14 = arith.constant 0 : index
    %get3A_15 = vector.load %arg3[%get3A_13, %get3A_14] : memref<1000x128xf32, #tpu.memory_space<vmem>>, vector<1000x128xf32>
    %mul3A = arith.mulf %add3A_12, %get3A_15 : vector<1000x128xf32>
    %get3A_16 = arith.constant 0 : index
    %get3A_17 = arith.constant 0 : index
    %get3A_18 = vector.load %arg4[%get3A_16, %get3A_17] : memref<128x256xf32, #tpu.memory_space<vmem>>, vector<128x256xf32>
    %dot_general3A = arith.constant dense<0.000000e+00> : vector<1000x256xf32>
    %dot_general3A_19 = tpu.matmul %mul3A, %get3A_18, %dot_general3A {dimension_numbers = #tpu.dot_dimension_numbers<[1], [0], [0], [1], [0, 0, 1, 1], [], []>, transpose_lhs_hint = false} : vector<1000x128xf32>, vector<128x256xf32>, vector<1000x256xf32> -> vector<1000x256xf32>
    %get3A_20 = arith.constant 0 : index
    %get3A_21 = arith.constant 0 : index
    %get3A_22 = vector.load %arg5[%get3A_20, %get3A_21] : memref<1x256xf32, #tpu.memory_space<vmem>>, vector<1x256xf32>
    %add3A_23 = vector.broadcast %get3A_22 : vector<1x256xf32> to vector<1000x256xf32>
    %add3A_24 = arith.addf %dot_general3A_19, %add3A_23 : vector<1000x256xf32>
    %max3A = arith.constant 0.000000e+00 : f32
    %max3A_25 = vector.broadcast %max3A : f32 to vector<1000x256xf32>
    %max3A_26 = arith.maximumf %add3A_24, %max3A_25 : vector<1000x256xf32>
    %get3A_27 = arith.constant 0 : index
    %get3A_28 = arith.constant 0 : index
    %get3A_29 = vector.load %arg3[%get3A_27, %get3A_28] : memref<1000x128xf32, #tpu.memory_space<vmem>>, vector<1000x1xf32>
    %mul3A_30 = vector.broadcast %get3A_29 : vector<1000x1xf32> to vector<1000x256xf32>
    %mul3A_31 = arith.mulf %max3A_26, %mul3A_30 : vector<1000x256xf32>
    %slice3A = vector.extract_strided_slice %mul3A_31 {offsets = [0, 0], sizes = [1000, 128], strides = [1, 1]} : vector<1000x256xf32> to vector<1000x128xf32>
    %swap3A = arith.constant 0 : index
    %swap3A_32 = arith.constant 0 : index
    %swap3A_33 = vector.load %arg6[%swap3A, %swap3A_32] : memref<1000x128xf32, #tpu.memory_space<vmem>>, vector<1000x128xf32>
    tpu.vector_store %arg6[%swap3A, %swap3A_32], %slice3A {strides = array<i32>} : memref<1000x128xf32, #tpu.memory_space<vmem>>, vector<1000x128xf32>,
    %slice3A_34 = vector.extract_strided_slice %mul3A_31 {offsets = [0, 128], sizes = [1000, 128], strides = [1, 1]} : vector<1000x256xf32> to vector<1000x128xf32>
    %swap3A_35 = arith.constant 0 : index
    %swap3A_36 = arith.constant 0 : index
    %swap3A_37 = vector.load %arg7[%swap3A_35, %swap3A_36] : memref<1000x128xf32, #tpu.memory_space<vmem>>, vector<1000x128xf32>
    tpu.vector_store %arg7[%swap3A_35, %swap3A_36], %slice3A_34 {strides = array<i32>} : memref<1000x128xf32, #tpu.memory_space<vmem>>, vector<1000x128xf32>,
    return
  }
  func.func @transform_0(%arg0: i32) -> (i32, i32, i32) {
    %c0_i32 = arith.constant 0 : i32
    %c0_i32_0 = arith.constant 0 : i32
    %c0_i32_1 = arith.constant 0 : i32
    return %c0_i32, %arg0, %c0_i32_0 : i32, i32, i32
  }
  func.func @transform_1(%arg0: i32) -> (i32, i32) {
    %c0_i32 = arith.constant 0 : i32
    %c0_i32_0 = arith.constant 0 : i32
    return %arg0, %c0_i32 : i32, i32
  }
  func.func @transform_2(%arg0: i32) -> (i32, i32) {
    %c0_i32 = arith.constant 0 : i32
    %c0_i32_0 = arith.constant 0 : i32
    return %arg0, %c0_i32 : i32, i32
  }
  func.func @transform_3(%arg0: i32) -> (i32, i32) {
    %c0_i32 = arith.constant 0 : i32
    %c0_i32_0 = arith.constant 0 : i32
    %c0_i32_1 = arith.constant 0 : i32
    return %c0_i32, %c0_i32_0 : i32, i32
  }
  func.func @transform_4(%arg0: i32) -> (i32, i32) {
    %c0_i32 = arith.constant 0 : i32
    %c0_i32_0 = arith.constant 0 : i32
    %c0_i32_1 = arith.constant 0 : i32
    return %c0_i32, %c0_i32_0 : i32, i32
  }
  func.func @transform_5(%arg0: i32) -> (i32, i32) {
    %c0_i32 = arith.constant 0 : i32
    %c0_i32_0 = arith.constant 0 : i32
    return %arg0, %c0_i32 : i32, i32
  }
  func.func @transform_6(%arg0: i32) -> (i32, i32) {
    %c0_i32 = arith.constant 0 : i32
    %c0_i32_0 = arith.constant 0 : i32
    return %arg0, %c0_i32 : i32, i32
  }
}

module attributes {stable_mosaic.version = 14 : i64} {
  func.func @body(%arg0: i32, %arg1: memref<2x1000x128xf32, #tpu.memory_space<vmem>>, %arg2: memref<1000x128xf32, #tpu.memory_space<vmem>>, %arg3: memref<1000x128xf32, #tpu.memory_space<vmem>>, %arg4: memref<1000x128xf32, #tpu.memory_space<vmem>>, %arg5: memref<256x256xf32, #tpu.memory_space<vmem>>, %arg6: memref<1x256xf32, #tpu.memory_space<vmem>>, %arg7: memref<256x128xf32, #tpu.memory_space<vmem>>, %arg8: memref<1000x128xf32, #tpu.memory_space<vmem>>) attributes {dimension_semantics = [#tpu.dimension_semantics<arbitrary>], iteration_bounds = array<i64: 10>, scalar_prefetch = 0 : i64, scratch_operands = 0 : i64, tpu.core_type = #tpu.core_type<tc>, window_params = [{transform_indices = @transform_0, window_bounds = array<i64: 2, 1000, 128>}, {transform_indices = @transform_1, window_bounds = array<i64: 1000, 128>}, {transform_indices = @transform_2, window_bounds = array<i64: 1000, 128>}, {transform_indices = @transform_3, window_bounds = array<i64: 1000, 128>}, {pipeline_mode = #tpu.pipeline_mode<synchronous>, transform_indices = @transform_4, window_bounds = array<i64: 256, 256>}, {pipeline_mode = #tpu.pipeline_mode<synchronous>, transform_indices = @transform_5, window_bounds = array<i64: 1, 256>}, {pipeline_mode = #tpu.pipeline_mode<synchronous>, transform_indices = @transform_6, window_bounds = array<i64: 256, 128>}, {transform_indices = @transform_7, window_bounds = array<i64: 1000, 128>}]} {
    %get3A = arith.constant 0 : index
    %get3A_0 = arith.constant 0 : index
    %get3A_1 = vector.load %arg4[%get3A, %get3A_0] : memref<1000x128xf32, #tpu.memory_space<vmem>>, vector<1000x128xf32>
    %get3A_2 = arith.constant 0 : index
    %get3A_3 = arith.constant 0 : index
    %get3A_4 = arith.constant 0 : index
    %get3A_5 = vector.load %arg1[%get3A_2, %get3A_3, %get3A_4] : memref<2x1000x128xf32, #tpu.memory_space<vmem>>, vector<1x1000x128xf32>
    %get3A_6 = vector.shape_cast %get3A_5 : vector<1x1000x128xf32> to vector<1000x128xf32>
    %get3A_7 = arith.constant 0 : index
    %get3A_8 = arith.constant 0 : index
    %get3A_9 = vector.load %arg2[%get3A_7, %get3A_8] : memref<1000x128xf32, #tpu.memory_space<vmem>>, vector<1000x128xf32>
    %add3A = arith.addf %get3A_6, %get3A_9 : vector<1000x128xf32>
    %mul3A = arith.mulf %add3A, %get3A_1 : vector<1000x128xf32>
    %get3A_10 = arith.constant 1 : index
    %get3A_11 = arith.constant 0 : index
    %get3A_12 = arith.constant 0 : index
    %get3A_13 = vector.load %arg1[%get3A_10, %get3A_11, %get3A_12] : memref<2x1000x128xf32, #tpu.memory_space<vmem>>, vector<1x1000x128xf32>
    %get3A_14 = vector.shape_cast %get3A_13 : vector<1x1000x128xf32> to vector<1000x128xf32>
    %get3A_15 = arith.constant 0 : index
    %get3A_16 = arith.constant 0 : index
    %get3A_17 = vector.load %arg3[%get3A_15, %get3A_16] : memref<1000x128xf32, #tpu.memory_space<vmem>>, vector<1000x128xf32>
    %add3A_18 = arith.addf %get3A_14, %get3A_17 : vector<1000x128xf32>
    %mul3A_19 = arith.mulf %add3A_18, %get3A_1 : vector<1000x128xf32>
    %concatenate3A = tpu.concatenate %mul3A, %mul3A_19 in 1 : vector<1000x128xf32>, vector<1000x128xf32> -> vector<1000x256xf32>
    %get3A_20 = arith.constant 0 : index
    %get3A_21 = arith.constant 0 : index
    %get3A_22 = vector.load %arg5[%get3A_20, %get3A_21] : memref<256x256xf32, #tpu.memory_space<vmem>>, vector<256x256xf32>
    %dot_general3A = arith.constant dense<0.000000e+00> : vector<1000x256xf32>
    %dot_general3A_23 = tpu.matmul %concatenate3A, %get3A_22, %dot_general3A {dimension_numbers = #tpu.dot_dimension_numbers<[1], [0], [0], [1], [0, 0, 1, 1], [], []>, transpose_lhs_hint = false} : vector<1000x256xf32>, vector<256x256xf32>, vector<1000x256xf32> -> vector<1000x256xf32>
    %get3A_24 = arith.constant 0 : index
    %get3A_25 = arith.constant 0 : index
    %get3A_26 = vector.load %arg6[%get3A_24, %get3A_25] : memref<1x256xf32, #tpu.memory_space<vmem>>, vector<1x256xf32>
    %add3A_27 = vector.broadcast %get3A_26 : vector<1x256xf32> to vector<1000x256xf32>
    %add3A_28 = arith.addf %dot_general3A_23, %add3A_27 : vector<1000x256xf32>
    %max3A = arith.constant 0.000000e+00 : f32
    %max3A_29 = vector.broadcast %max3A : f32 to vector<1000x256xf32>
    %max3A_30 = arith.maximumf %add3A_28, %max3A_29 : vector<1000x256xf32>
    %get3A_31 = arith.constant 0 : index
    %get3A_32 = arith.constant 0 : index
    %get3A_33 = vector.load %arg7[%get3A_31, %get3A_32] : memref<256x128xf32, #tpu.memory_space<vmem>>, vector<256x128xf32>
    %dot_general3A_34 = arith.constant dense<0.000000e+00> : vector<1000x128xf32>
    %dot_general3A_35 = tpu.matmul %max3A_30, %get3A_33, %dot_general3A_34 {dimension_numbers = #tpu.dot_dimension_numbers<[1], [0], [0], [1], [0, 0, 1, 1], [], []>, transpose_lhs_hint = false} : vector<1000x256xf32>, vector<256x128xf32>, vector<1000x128xf32> -> vector<1000x128xf32>
    %mul3A_36 = arith.mulf %dot_general3A_35, %get3A_1 : vector<1000x128xf32>
    %swap3A = arith.constant 0 : index
    %swap3A_37 = arith.constant 0 : index
    %swap3A_38 = vector.load %arg8[%swap3A, %swap3A_37] : memref<1000x128xf32, #tpu.memory_space<vmem>>, vector<1000x128xf32>
    tpu.vector_store %arg8[%swap3A, %swap3A_37], %mul3A_36 {strides = array<i32>} : memref<1000x128xf32, #tpu.memory_space<vmem>>, vector<1000x128xf32>,
    return
  }
  func.func @transform_0(%arg0: i32) -> (i32, i32, i32) {
    %c0_i32 = arith.constant 0 : i32
    %c0_i32_0 = arith.constant 0 : i32
    %c0_i32_1 = arith.constant 0 : i32
    return %c0_i32, %arg0, %c0_i32_0 : i32, i32, i32
  }
  func.func @transform_1(%arg0: i32) -> (i32, i32) {
    %c0_i32 = arith.constant 0 : i32
    %c0_i32_0 = arith.constant 0 : i32
    return %arg0, %c0_i32 : i32, i32
  }
  func.func @transform_2(%arg0: i32) -> (i32, i32) {
    %c0_i32 = arith.constant 0 : i32
    %c0_i32_0 = arith.constant 0 : i32
    return %arg0, %c0_i32 : i32, i32
  }
  func.func @transform_3(%arg0: i32) -> (i32, i32) {
    %c0_i32 = arith.constant 0 : i32
    %c0_i32_0 = arith.constant 0 : i32
    return %arg0, %c0_i32 : i32, i32
  }
  func.func @transform_4(%arg0: i32) -> (i32, i32) {
    %c0_i32 = arith.constant 0 : i32
    %c0_i32_0 = arith.constant 0 : i32
    %c0_i32_1 = arith.constant 0 : i32
    return %c0_i32, %c0_i32_0 : i32, i32
  }
  func.func @transform_5(%arg0: i32) -> (i32, i32) {
    %c0_i32 = arith.constant 0 : i32
    %c0_i32_0 = arith.constant 0 : i32
    %c0_i32_1 = arith.constant 0 : i32
    return %c0_i32, %c0_i32_0 : i32, i32
  }
  func.func @transform_6(%arg0: i32) -> (i32, i32) {
    %c0_i32 = arith.constant 0 : i32
    %c0_i32_0 = arith.constant 0 : i32
    %c0_i32_1 = arith.constant 0 : i32
    return %c0_i32, %c0_i32_0 : i32, i32
  }
  func.func @transform_7(%arg0: i32) -> (i32, i32) {
    %c0_i32 = arith.constant 0 : i32
    %c0_i32_0 = arith.constant 0 : i32
    return %arg0, %c0_i32 : i32, i32
  }
}

module attributes {stable_mosaic.version = 14 : i64} {
  func.func @body(%arg0: memref<64x128xf32, #tpu.memory_space<vmem>>, %arg1: memref<128x128xf32, #tpu.memory_space<vmem>>, %arg2: memref<1x128xf32, #tpu.memory_space<vmem>>, %arg3: memref<64x128xf32, #tpu.memory_space<vmem>>) attributes {dimension_semantics = [], scalar_prefetch = 0 : i64, scratch_operands = 0 : i64, tpu.core_type = #tpu.core_type<tc>} {
    %get3A = arith.constant 0 : index
    %get3A_0 = arith.constant 0 : index
    %get3A_1 = vector.load %arg0[%get3A, %get3A_0] : memref<64x128xf32, #tpu.memory_space<vmem>>, vector<64x128xf32>
    %get3A_2 = arith.constant 0 : index
    %get3A_3 = arith.constant 0 : index
    %get3A_4 = vector.load %arg1[%get3A_2, %get3A_3] : memref<128x128xf32, #tpu.memory_space<vmem>>, vector<128x128xf32>
    %dot_general3A = arith.constant dense<0.000000e+00> : vector<64x128xf32>
    %dot_general3A_5 = tpu.matmul %get3A_1, %get3A_4, %dot_general3A {dimension_numbers = #tpu.dot_dimension_numbers<[1], [0], [0], [1], [0, 0, 1, 1], [], []>, transpose_lhs_hint = false} : vector<64x128xf32>, vector<128x128xf32>, vector<64x128xf32> -> vector<64x128xf32>
    %get3A_6 = arith.constant 0 : index
    %get3A_7 = arith.constant 0 : index
    %get3A_8 = vector.load %arg2[%get3A_6, %get3A_7] : memref<1x128xf32, #tpu.memory_space<vmem>>, vector<1x128xf32>
    %add3A = vector.broadcast %get3A_8 : vector<1x128xf32> to vector<64x128xf32>
    %add3A_9 = arith.addf %dot_general3A_5, %add3A : vector<64x128xf32>
    %swap3A = arith.constant 0 : index
    %swap3A_10 = arith.constant 0 : index
    %swap3A_11 = vector.load %arg3[%swap3A, %swap3A_10] : memref<64x128xf32, #tpu.memory_space<vmem>>, vector<64x128xf32>
    tpu.vector_store %arg3[%swap3A, %swap3A_10], %add3A_9 {strides = array<i32>} : memref<64x128xf32, #tpu.memory_space<vmem>>, vector<64x128xf32>,
    return
  }
}

</mosaic_0001>

<sc_bundles>
// kernel: kernel.11.cloned.1.call-start
scs
__scs_entry_jumppad:
0x0: {  	(pc) =	sbr.rel $0x88, $3  }
0x1: {  	(tag) =	ssettag $0x0;
	lr =	simm.s32 $0x1  }
0x2: {  	[smem:$0x3F96] =	sst lr;
	_ =	strace $0xD0000000  }
0x3: {  	_ = 	snop  }
0x4: {  	_ = 	snop  }
0x5: {  	_ = 	snop  }
0x6: {  	_ = 	snop  }
0x7: {  	_ = 	snop  }
__scs_overlays_trampoline_lowered:
0x8: {  	[smem:$0x3FA5] =	sst s0  }
0x9: {  	[smem:$0x3FA6] =	sst s1  }
0xa: {  	[smem:$0x3FA7] =	sst s2  }
0xb: {  	[smem:$0x3FA8] =	sst s3  }
0xc: {  	[smem:$0x3FA9] =	sst s4  }
0xd: {  	[smem:$0x3FAA] =	sst s5  }
0xe: {  	[smem:$0x3FAB] =	sst s6  }
0xf: {  	[smem:$0x3FAC] =	sst s7  }
0x10: {  	[smem:$0x3FAD] =	sst s8  }
0x11: {  	[smem:$0x3FAE] =	sst s9;
	s0 =	simm.s32 @!p0 $0x0  }
0x12: {  	s1 =	sld [smem:$0x3F94];
	s0 =	simm.s32 @p0 $0x1  }
0x13: {  	[smem:$0x3FAF] =	sst s0;
	s0 =	simm.s32 @!p1 $0x0  }
0x14: {  	s2 =	sld [smem:$0x3F93];
	s0 =	simm.s32 @p1 $0x1  }
0x15: {  	[smem:$0x3FB0] =	sst s0;
	s0 =	simm.s32 @!p2 $0x0  }
0x16: {  	s3 =	sld [smem:$0x3FDB];
	s0 =	simm.s32 @p2 $0x1  }
0x17: {  	s4 =	simm.s32 $0x1BF5;
	[smem:$0x3FB2] =	sst s0  }
0x18: {  	s0 =	sld [smem:$0x3F95];
	_ =	swait.ge [sflag:s4], $0x0  }
0x19: {  	s7 =	sld [smem:$0x3F96]  }
0x1a: {  	s8 =	sadd.s32 $0xFFFFE003, lr  }
0x1b: {  	s9 =	sadd.s32 $0xFFFFFEF7, lr;
	s5 =	simm.s32 $0xFFFFFFFF;
	p2 =	slt.u32 s8, $0xFFFFF086  }
0x1c: {  	p1 =	slt.u32 s9, $0xF7A;
	s5 =	simm.s32 @!p2 $0x0  }
0x1d: {  	s5 =	simm.s32 @p1 $0x1;
	p0 =	seq.s32 s7, s2  }
0x1e: {  	s7 =	smul.u32 @!p0 $0xF7A, s2;
	p2 =	seq.s32 @!p0 s5, $0x0  }
0x1f: {  	s9 =	smul.u32 $0xF7A, s1;
	s8 =	simm.s32 @!p0 $0x1BF5;
	p2 =	por !p2, p0  }
0x20: {  	[sflag:s8] =	ssyncset.s32 @!p0 $0xFFFFF086;
	s6 =	sadd.s32 @!p0 s3, s7;
	s7 =	simm.s32 @!p0 $0x108  }
0x21: {  	s3 =	sadd.s32 s3, s9;
	s6 =	sadd.s32 @!p0 $0x88, s6;
	s7 =	simm.s32 @p2 $0x1082  }
0x22: {  	[simem:s7], [sflag:s8] =	dma.local @!p0 [hbm:s6], $0xF7A  }
0x23: {  	s9 =	sor.u32 $0xD0000000, s2;
	s6 =	simm.s32 $0x108;
	_ =	swait.ge @!p0 [sflag:s8], $0x0  }
0x24: {  	s3 =	sadd.s32 $0x88, s3;
	s6 =	simm.s32 @!p1 $0x1082;
	[sflag:s4] =	ssyncset.s32 $0xFFFFF086  }
0x25: {  	[simem:s6], [sflag:s4] =	dma.local [hbm:s3], $0xF7A  }
0x26: {  	[smem:$0x3F96] =	sst s1;
	(tag) =	ssettag s2;
	_ =	strace s9  }
0x27: {  	s1 =	sld [smem:$0x3FA6]  }
0x28: {  	s2 =	sld [smem:$0x3FA7]  }
0x29: {  	s4 =	sld [smem:$0x3FA9]  }
0x2a: {  	p0 =	seq.s32 s5, $0x0;
	s5 =	sld [smem:$0x3FAA]  }
0x2b: {  	s6 =	sld [smem:$0x3FAB]  }
0x2c: {  	s7 =	sld [smem:$0x3FAC]  }
0x2d: {  	s3 =	simm.s32 $0x108;
	s8 =	sld [smem:$0x3FAD]  }
0x2e: {  	s3 =	simm.s32 @!p0 $0x1082;
	s9 =	sld [smem:$0x3FAE]  }
0x2f: {  	lr =	sadd.s32 s0, s3;
	s0 =	sld [smem:$0x3FA5]  }
0x30: {  	s3 =	sld [smem:$0x3FA8]  }
0x31: {  	[smem:$0x3FB1] =	sst s10  }
0x32: {  	s10 =	sld [smem:$0x3FAF];
	_ =	sdelay $0x3  }
0x33: {  	p0 =	seq.s32 s10, $0x1;
	s10 =	sld [smem:$0x3FB1];
	_ =	sdelay $0x3  }
0x34: {  	[smem:$0x3FB1] =	sst s10  }
0x35: {  	s10 =	sld [smem:$0x3FB0];
	_ =	sdelay $0x3  }
0x36: {  	p1 =	seq.s32 s10, $0x1;
	s10 =	sld [smem:$0x3FB1];
	_ =	sdelay $0x3  }
0x37: {  	[smem:$0x3FB1] =	sst s10  }
0x38: {  	s10 =	sld [smem:$0x3FB2]  }
0x39: {  	_ = 	snop;
	(pc) =	sbr.ind lr, $3  }
0x3a: {  	_ = 	snop  }
0x3b: {  	_ = 	snop  }
0x3c: {  	p2 =	seq.s32 s10, $0x1;
	s10 =	sld [smem:$0x3FB1]  }
0x3d: {  	_ =	shalt  }
0x3e: {  	_ =	shalt  }
0x3f: {  	_ =	shalt  }
0x40: {  	_ =	shalt  }
0x41: {  	_ =	shalt  }
0x42: {  	_ =	shalt  }
0x43: {  	_ =	shalt  }
0x44: {  	_ =	shalt  }
0x45: {  	_ =	shalt  }
0x46: {  	_ =	shalt  }
0x47: {  	_ =	shalt  }
0x48: {  	_ =	shalt  }
0x49: {  	_ =	shalt  }
0x4a: {  	_ =	shalt  }
0x4b: {  	_ =	shalt  }
0x4c: {  	_ =	shalt  }
0x4d: {  	_ =	shalt  }
0x4e: {  	_ =	shalt  }
0x4f: {  	_ =	shalt  }
0x50: {  	_ =	shalt  }
0x51: {  	_ =	shalt  }
0x52: {  	_ =	shalt  }
0x53: {  	_ =	shalt  }
0x54: {  	_ =	shalt  }
0x55: {  	_ =	shalt  }
0x56: {  	_ =	shalt  }
0x57: {  	_ =	shalt  }
0x58: {  	_ =	shalt  }
0x59: {  	_ =	shalt  }
0x5a: {  	_ =	shalt  }
0x5b: {  	_ =	shalt  }
0x5c: {  	_ =	shalt  }
0x5d: {  	_ =	shalt  }
0x5e: {  	_ =	shalt  }
0x5f: {  	_ =	shalt  }
0x60: {  	_ =	shalt  }
0x61: {  	_ =	shalt  }
0x62: {  	_ =	shalt  }
0x63: {  	_ =	shalt  }
0x64: {  	_ =	shalt  }
0x65: {  	_ =	shalt  }
0x66: {  	_ =	shalt  }
0x67: {  	_ =	shalt  }
0x68: {  	_ =	shalt  }
0x69: {  	_ =	shalt  }
0x6a: {  	_ =	shalt  }
0x6b: {  	_ =	shalt  }
0x6c: {  	_ =	shalt  }
0x6d: {  	_ =	shalt  }
0x6e: {  	_ =	shalt  }
0x6f: {  	_ =	shalt  }
0x70: {  	_ =	shalt  }
0x71: {  	_ =	shalt  }
0x72: {  	_ =	shalt  }
0x73: {  	_ =	shalt  }
0x74: {  	_ =	shalt  }
0x75: {  	_ =	shalt  }
0x76: {  	_ =	shalt  }
0x77: {  	_ =	shalt  }
0x78: {  	_ =	shalt  }
0x79: {  	_ =	shalt  }
0x7a: {  	_ =	shalt  }
0x7b: {  	_ =	shalt  }
0x7c: {  	_ =	shalt  }
0x7d: {  	_ =	shalt  }
0x7e: {  	_ =	shalt  }
0x7f: {  	_ =	shalt  }
0x80: {  	_ =	shalt  }
0x81: {  	_ =	shalt  }
0x82: {  	_ =	shalt  }
0x83: {  	_ =	shalt  }
0x84: {  	_ =	shalt  }
0x85: {  	_ =	shalt  }
0x86: {  	_ =	shalt  }
0x87: {  	_ =	shalt  }
.Lfunc_end0:
.L_simem_size_0:
called_computation_lowered:
.L_overlay_start_0:
0x88: {  	s2 =	sld [smem:$0x3FD9]  }
0x89: {  	s3 =	sld [smem:$0x3FFE];
	_ =	sdelay $0x1  }
0x8a: {  	s1 =	srdreg.scid  }
0x8b: {  	s0 =	sand.u32 $0x1, s1  }
0x8c: {  	s16 =	sshll.u32 s0, $0xA;
	s2 =	sadd.s32 s3, s2  }
0x8d: {  	s2 =	sadd.s32 s2, s16  }
0x8e: {  	[smem:$0x3FBD] =	sst s2  }
0x8f: {  	_ = 	snop  }
0x90: {  	(tm) =	ssettm $0x1  }
0x91: {  	s17 =	sld [smem:$0x3FFB];
	_ =	sdelay $0x3  }
0x92: {  	_ =	strace s17  }
0x93: {  	s2 =	sld [smem:$0x3FFC];
	_ =	sdelay $0x3  }
0x94: {  	_ =	strace s2  }
0x95: {  	s2 =	sld [smem:$0x3FFD];
	_ =	sdelay $0x3  }
0x96: {  	_ =	strace s2  }
0x97: {  	_ =	strace $0x8FFFFFFF  }
0x98: {  	s18 =	sld [smem:$0x3FDB];
	_ =	sdelay $0x1  }
0x99: {  	s19 =	simm.s32 $_scs_section_size  }
0x9a: {  	s4 =	simm.s32 $_size__tile_overlayer_lowered;
	s5 =	simm.s32 $_tile_overlayer_lowered  }
0x9b: {  	s22 =	simm.s32 $0x1BFF;
	s21 =	sshll.u32 s5, $0x1;
	s2 =	sadd.s32 s19, s18  }
0x9c: {  	s6 =	simm.s32 $0x0;
	s20 =	sshll.u32 s4, $0x1;
	s4 =	sadd.s32 s21, s2  }
0x9d: {  	[timem:s6], [sflag:s22] =	dma.local [hbm:s4], s20  }
0x9e: {  	_ =	swait.ge [sflag:s22], s20  }
0x9f: {  	s3 =	ssub.s32 $0x0, s20;
	[sflag:s22] =	ssyncset.done $0x0  }
0xa0: {  	[sflag:s22] =	ssyncadd.s32 s3;
	_ =	sdelay $0x1  }
0xa1: {  	s23 =	simm.s32 $0x1B8B  }
0xa2: {  	_ =	swait.ge [sflag:s23], $0x1  }
0xa3: {  	[sflag:s23] =	ssyncset.done $0x0  }
0xa4: {  	s25 =	simm.s32 $0x1B8E;
	s24 =	sld [smem:$0x3FFE];
	[sflag:s23] =	ssyncadd.s32 $0xFFFFFFFF  }
0xa5: {  	s26 =	simm.s32 $execute0_lowered;
	[smem:$0x3FD2] =	sst s25  }
0xa6: {  	s4 =	sshll.u32 s26, $0x1;
	_ =	strace $0x80000046;
	[dreg:$0x1] =	wrdreg $0xFFFFFFFF  }
0xa7: {  	s28 =	simm.s32 $_size_execute0_lowered;
	s2 =	sadd.s32 s2, s4;
	[dreg:$0x0] =	wrdreg $0x0  }
0xa8: {  	s4 =	sshll.u32 s28, $0x1;
	[dreg:$0x2] =	wrdreg s2  }
0xa9: {  	[dreg:$0x3] =	wrdreg s4  }
0xaa: {  	[dreg:$0x4] =	wrdreg $0xC0  }
0xab: {  	_ =	task [dreg:s6], $0x5FFFF  }
0xac: {  	[dreg:$0x1] =	wrdreg $0xFFFFFFFF  }
0xad: {  	[dreg:$0x0] =	wrdreg $0x60  }
0xae: {  	[dreg:$0x2] =	wrdreg s24  }
0xaf: {  	[dreg:$0x3] =	wrdreg $0x80800  }
0xb0: {  	[dreg:$0x4] =	wrdreg $0x1C0800  }
0xb1: {  	[dreg:$0x5] =	wrdreg $0x9  }
0xb2: {  	_ =	task.clear_ibuf [dreg:s6], $0x6FFFF;
	_ =	strace $0x90000046  }
0xb3: {  	s29 =	simm.s32 $0x9;
	_ =	strace $0x80000048  }
0xb4: {  	_ =	swait.ge [sflag:s29], $0x1  }
0xb5: {  	[sflag:s29] =	ssyncadd.s32 $0xFFFFFFFF  }
0xb6: {  	_ =	strace $0x90000048  }
0xb7: {  	_ =	sfence  }
0xb8: {  	s30 =	sld [smem:$0x0];
	_ =	sdelay $0x2  }
0xb9: {  	s31 =	sshll.u32 s1, $0xD;
	s1 =	sshrl.u32 s1, $0x2  }
0xba: {  	s3 =	sand.u32 $0x4000, s31;
	s1 =	sadd.s32 s1, s30  }
0xbb: {  	s0 =	sor.u32 s3, s0;
	s1 =	sshll.u32 s1, $0x11  }
0xbc: {  	s0 =	sor.u32 s1, s0  }
0xbd: {  	s0 =	sadd.s32 $0x8F2B, s0  }
0xbe: {  	[sflag:s0] =	ssyncadd.remote.s32 $0x1  }
0xbf: {  	_ =	sfence.sel $0xFFFF  }
0xc0: {  	[dreg:$0x0] =	wrdreg $0xFFFFFFFF;
	(pc) =	sbr.abs _section_cstart, $3  }
0xc1: {  	[dreg:$0x1] =	wrdreg $0xFFFFFFFF  }
0xc2: {  	_ =	task.clear_ibuf [dreg:s6], $0x2FFFF;
	_ =	strace $0x9FFFFFFF  }
0xc3: {  	(tm) =	ssettm $0x7FFFFFFF  }
tec
execute0_lowered:
.L_overlay_start_1:
0x0: {  	(tag) =	ssettag $0x1  }
0x1: {  	s5 =	rddreg [dreg:$0x0]  }
0x2: {  	s1 =	rddreg [dreg:$0x1]  }
0x3: {  	s2 =	rddreg [dreg:$0x2]  }
0x4: {  	s0 =	stileid.u32;
	s4 =	srdreg.scid  }
0x5: {  	s29 =	simm.s32 $0x0;
	s18 =	sand.u32 $0x1, s4;
	s7 =	smul.u32 $0x9E0, s0  }
0x6: {  	s6 =	sshll.u32 s0, $0x1;
	s4 =	simm.s32 $0x0;
	s26 =	smul.u32 $0x50000, s0  }
0x7: {  	s17 =	sadd.s32 $0xF000, s5;
	s16 =	smul.u32 $0x14000, s0;
	p0 =	sne.s32 s0, $0x0  }
0x8: {  	p1 =	seq.s32 s0, $0x0;
	s6 =	sor.u32 s18, s6;
	[smem:$0x7FF] =	sst s4  }
0x9: {  	s25 =	sshll.u32 s18, $0xB;
	s30 =	ssub.s32 $0x2, s18;
	s15 =	smul.u32 $0x140000, s18  }
0xa: {  	s6 =	smul.u32 $0x30, s6;
	_ =	strace $0x80000047;
	s20 =	sadd.s32 s7, s5  }
0xb: {  	s8 =	sshrl.u32 s30, $0x1;
	s7 =	sshrl.u32 s26, $0x2;
	s21 =	sadd.s32 $0x4000, s16  }
0xc: {  	s22 =	sadd.s32 $0x8000, s16;
	s24 =	sadd.s32 $0xC000, s16;
	s8 =	ssub.s32 s30, s8  }
0xd: {  	s13 =	sadd.s32 s15, s16;
	s14 =	sadd.s32 s15, s21;
	s23 =	sadd.s32 s15, s22  }
0xe: {  	s3 =	sadd.s32 s15, s24;
	s30 =	smul.u32 $0x4F0, s18;
	s28 =	sadd.s32 s22, s1  }
0xf: {  	s24 =	sadd.s32 s24, s1;
	s19 =	sadd.s32 s6, s5;
	s6 =	sadd.s32 s25, s5  }
0x10: {  	s5 =	sadd.s32 s7, s1;
	s7 =	smax.u32 s8, $0x1;
	s13 =	sshrl.u32 s13, $0x3  }
0x11: {  	s14 =	sshrl.u32 s14, $0x3;
	s25 =	sadd.s32 $0x10000, s16;
	s31 =	sshrl.u32 s23, $0x3  }
0x12: {  	s23 =	sshrl.u32 s3, $0x3;
	s24 =	sshrl.u32 s24, $0x3;
	s6 =	sadd.s32 $0xE000, s6  }
0x13: {  	s8 =	sadd.s32 $0x4000, s5;
	s9 =	sadd.s32 $0x8000, s5;
	s10 =	sadd.s32 $0xC000, s5  }
0x14: {  	s11 =	sadd.s32 $0x10000, s5;
	s12 =	sadd.s32 $0xDA00, s19;
	s13 =	sadd.s32 s17, s13  }
0x15: {  	s14 =	sadd.s32 s17, s14;
	s26 =	sadd.s32 s15, s25;
	s15 =	sadd.s32 s17, s31  }
0x16: {  	s16 =	sadd.s32 s17, s23;
	s18 =	sadd.s32 $0xDA10, s19;
	s19 =	sadd.s32 $0xDA20, s19  }
0x17: {  	s31 =	sadd.s32 s21, s1;
	s20 =	sadd.s32 s30, s20;
	s25 =	sadd.s32 s25, s1  }
0x18: {  	s21 =	simm.s32 $0x4080;
	s23 =	sshrl.u32 s28, $0x3;
	s28 =	simm.s32 $0x80  }
0x19: {  	s26 =	sshrl.u32 s26, $0x3;
	s20 =	sadd.s32 $0x3C00, s20;
	s22 =	sshrl.u32 s31, $0x3  }
0x1a: {  	v0 =	vimm.f32 $1.000000000e+00;
	v1 =	vimm.f32 $0.0e+00;
	s25 =	sshrl.u32 s25, $0x3;
	s17 =	sadd.s32 s17, s26;
	s26 =	simm.s32 $0x1  }
.LBB2_1:
0x1b: {  	s30 =	simm.s32 $0x0;
	s31 =	simm.s32 $0x200  }
.LBB2_2:
0x1c: {  	p2 =	sne.s32 s31, $0xFE00;
	[tilespmem:s30+$0x40F0] =	vst v1  }
0x1d: {  	[tilespmem:s30+$0x80] =	vst v0  }
0x1e: {  	[tilespmem:s30+$0x4080] =	vst v1  }
0x1f: {  	[tilespmem:s30+$0x90] =	vst v0  }
0x20: {  	[tilespmem:s30+$0x4090] =	vst v1  }
0x21: {  	[tilespmem:s30+$0xA0] =	vst v0  }
0x22: {  	[tilespmem:s30+$0x40A0] =	vst v1  }
0x23: {  	[tilespmem:s30+$0xB0] =	vst v0  }
0x24: {  	[tilespmem:s30+$0x40B0] =	vst v1  }
0x25: {  	[tilespmem:s30+$0xC0] =	vst v0  }
0x26: {  	[tilespmem:s30+$0x40C0] =	vst v1  }
.Ltmp0:
0x27: {  	[tilespmem:s30+$0xD0] =	vst v0;
	(pc) =	sbr.rel @p2 .LBB2_2-.Ltmp0, $4  }
0x28: {  	[tilespmem:s30+$0x40D0] =	vst v1  }
0x29: {  	[tilespmem:s30+$0xE0] =	vst v0  }
0x2a: {  	[tilespmem:s30+$0x40E0] =	vst v1  }
0x2b: {  	[tilespmem:s30+$0xF0] =	vst v0;
	s30 =	sshra.s32 s31, $0x2;
	s31 =	sadd.s32 $0x200, s31  }
0x2c: {  	[tilespmem:s30+$0x40F0] =	vst v1  }
0x2d: {  	[tilespmem:s30+$0x80] =	vst v0  }
0x2e: {  	[tilespmem:s30+$0x4080] =	vst v1  }
0x2f: {  	[tilespmem:s30+$0x90] =	vst v0  }
0x30: {  	[tilespmem:s30+$0x4090] =	vst v1  }
0x31: {  	[tilespmem:s30+$0xA0] =	vst v0  }
0x32: {  	[tilespmem:s30+$0x40A0] =	vst v1  }
0x33: {  	[tilespmem:s30+$0xB0] =	vst v0  }
0x34: {  	[tilespmem:s30+$0x40B0] =	vst v1  }
0x35: {  	[tilespmem:s30+$0xC0] =	vst v0  }
0x36: {  	[tilespmem:s30+$0x40C0] =	vst v1  }
0x37: {  	[tilespmem:s30+$0xD0] =	vst v0  }
0x38: {  	[tilespmem:s30+$0x40D0] =	vst v1  }
0x39: {  	[tilespmem:s30+$0xE0] =	vst v0  }
0x3a: {  	[tilespmem:s30+$0x40E0] =	vst v1  }
0x3b: {  	[tilespmem:s30+$0xF0] =	vst v0  }
0x3c: {  	[spmem:s5] =	stream.linear.scatter [tilespmem:s21], [sflag:$0x1], $0x4000, $0x38;
	[tilespmem:$0x1C480] =	vst v63  }
0x3d: {  	_ =	swait.ge [sflag:s26], $0x4000  }
0x3e: {  	[sflag:s26] =	ssyncset.done $0x0  }
0x3f: {  	[sflag:s26] =	ssyncadd.s32 $0xFFFFC000  }
0x40: {  	[spmem:s8] =	stream.linear.scatter [tilespmem:s21], [sflag:$0x1], $0x4000, $0x38;
	[tilespmem:$0x1C480] =	vst v63  }
0x41: {  	_ =	swait.ge [sflag:s26], $0x4000  }
0x42: {  	[sflag:s26] =	ssyncset.done $0x0  }
0x43: {  	[sflag:s26] =	ssyncadd.s32 $0xFFFFC000  }
0x44: {  	[spmem:s9] =	stream.linear.scatter [tilespmem:s21], [sflag:$0x1], $0x4000, $0x38;
	[tilespmem:$0x1C480] =	vst v63  }
0x45: {  	_ =	swait.ge [sflag:s26], $0x4000  }
0x46: {  	[sflag:s26] =	ssyncset.done $0x0  }
0x47: {  	[sflag:s26] =	ssyncadd.s32 $0xFFFFC000  }
0x48: {  	[spmem:s10] =	stream.linear.scatter [tilespmem:s21], [sflag:$0x1], $0x4000, $0x38;
	[tilespmem:$0x1C480] =	vst v63  }
0x49: {  	_ =	swait.ge [sflag:s26], $0x4000  }
0x4a: {  	[sflag:s26] =	ssyncset.done $0x0  }
0x4b: {  	[sflag:s26] =	ssyncadd.s32 $0xFFFFC000  }
0x4c: {  	[spmem:s11] =	stream.linear.scatter [tilespmem:s21], [sflag:$0x1], $0x4000, $0x38;
	[tilespmem:$0x1C480] =	vst v63  }
0x4d: {  	_ =	swait.ge [sflag:s26], $0x4000  }
0x4e: {  	[sflag:s26] =	ssyncset.done $0x0  }
0x4f: {  	s30 =	simm.s32 @!p0 $0x4080;
	[sflag:s26] =	ssyncadd.s32 $0xFFFFC000  }
0x50: {  	[spmem:s2] =	stream.linear.scatter @!p0 [tilespmem:s30], [sflag:$0x1], $0x4000, $0x38;
	[tilespmem:$0x1C480] =	vst v63  }
0x51: {  	s30 =	simm.s32 @!p0 $0x1  }
0x52: {  	_ =	swait.ge @!p0 [sflag:s30], $0x4000  }
0x53: {  	[sflag:s30] =	ssyncset.done @!p0 $0x0  }
0x54: {  	[sflag:s30] =	ssyncadd.s32 @!p0 $0xFFFFC000  }
0x55: {  	s30 =	sadd.s32 $0x0, s20;
	[bflag:$0x0] =	sbarrier.arrive $0xFFFF  }
0x56: {  	[tilespmem:s4], [sflag:$0x1] =	stream.linear.gather [hbm4b:s30+s4], $0x80, $0x38;
	[tilespmem:$0x1C480] =	vst v63  }
0x57: {  	_ =	swait.ge [sflag:s26], $0x80  }
0x58: {  	[sflag:s26] =	ssyncset.done $0x0  }
0x59: {  	[sflag:s26] =	ssyncadd.s32 $0xFFFFFF80  }
0x5a: {  	[spmem:s1] =	stream.indirect.scatter.add.f32 [tilespmem:s28], [sflag:$0x1], $0x80, s4, s28, $0xb8;
	[tilespmem:$0x1C480] =	vst v63  }
0x5b: {  	_ =	swait.ge [sflag:s26], $0x4000  }
0x5c: {  	s31 =	simm.s32 $0x20;
	s30 =	simm.s32 $0x10;
	[sflag:s26] =	ssyncset.done $0x0  }
.LBB2_4:
0x5d: {  	s0 =	sadd.s32 s30, s20  }
0x5e: {  	[sflag:s26] =	ssyncadd.s32 $0xFFFFC000;
	s30 =	smov.u32 s31;
	s3 =	sadd.s32 $0x10, s31  }
0x5f: {  	[tilespmem:s4], [sflag:$0x1] =	stream.linear.gather [hbm4b:s0+s4], $0x80, $0x38;
	[tilespmem:$0x1C480] =	vst v63  }
0x60: {  	p2 =	seq.s32 s31, $0x4E0;
	_ =	swait.ge [sflag:s26], $0x80  }
.Ltmp1:
0x61: {  	[sflag:s26] =	ssyncset.done $0x0;
	(pc) =	sbr.rel @!p2 .LBB2_4-.Ltmp1, $4  }
0x62: {  	[sflag:s26] =	ssyncadd.s32 $0xFFFFFF80  }
0x63: {  	[spmem:s1] =	stream.indirect.scatter.add.f32 [tilespmem:s28], [sflag:$0x1], $0x80, s4, s28, $0xb8;
	[tilespmem:$0x1C480] =	vst v63  }
0x64: {  	_ =	swait.ge [sflag:s26], $0x4000  }
0x65: {  	s31 =	smov.u32 s3;
	[sflag:s26] =	ssyncset.done $0x0  }
0x66: {  	s0 =	sadd.s32 s30, s20;
	[sflag:s26] =	ssyncadd.s32 $0xFFFFC000  }
0x67: {  	[tilespmem:s4], [sflag:$0x1] =	stream.linear.gather [hbm4b:s0+s4], $0x80, $0x38;
	[tilespmem:$0x1C480] =	vst v63  }
0x68: {  	_ =	swait.ge [sflag:s26], $0x80  }
0x69: {  	[sflag:s26] =	ssyncset.done $0x0  }
0x6a: {  	[sflag:s26] =	ssyncadd.s32 $0xFFFFFF80  }
0x6b: {  	[spmem:s1] =	stream.indirect.scatter.add.f32 [tilespmem:s28], [sflag:$0x1], $0x80, s4, s28, $0xb8;
	[tilespmem:$0x1C480] =	vst v63  }
0x6c: {  	_ =	swait.ge [sflag:s26], $0x4000  }
0x6d: {  	[sflag:s26] =	ssyncset.done $0x0  }
0x6e: {  	[sflag:s26] =	ssyncadd.s32 $0xFFFFC000  }
0x6f: {  	[tilespmem:s4], [sflag:$0x1] =	stream.linear.gather [hbm4b:s12+s4], $0x80, $0x38;
	[tilespmem:$0x1C480] =	vst v63  }
0x70: {  	_ =	swait.ge [sflag:s26], $0x80  }
0x71: {  	[sflag:s26] =	ssyncset.done $0x0  }
0x72: {  	[sflag:s26] =	ssyncadd.s32 $0xFFFFFF80  }
0x73: {  	[spmem:s2] =	stream.indirect.scatter.add.f32 [tilespmem:s28], [sflag:$0x1], $0x80, s4, s28, $0xb8;
	[tilespmem:$0x1C480] =	vst v63  }
0x74: {  	_ =	swait.ge [sflag:s26], $0x4000  }
0x75: {  	[sflag:s26] =	ssyncset.done $0x0  }
0x76: {  	[sflag:s26] =	ssyncadd.s32 $0xFFFFC000  }
0x77: {  	[tilespmem:s4], [sflag:$0x1] =	stream.linear.gather [hbm4b:s18+s4], $0x80, $0x38;
	[tilespmem:$0x1C480] =	vst v63  }
0x78: {  	_ =	swait.ge [sflag:s26], $0x80  }
0x79: {  	[sflag:s26] =	ssyncset.done $0x0  }
0x7a: {  	[sflag:s26] =	ssyncadd.s32 $0xFFFFFF80  }
0x7b: {  	[spmem:s2] =	stream.indirect.scatter.add.f32 [tilespmem:s28], [sflag:$0x1], $0x80, s4, s28, $0xb8;
	[tilespmem:$0x1C480] =	vst v63  }
0x7c: {  	_ =	swait.ge [sflag:s26], $0x4000  }
0x7d: {  	[sflag:s26] =	ssyncset.done $0x0  }
0x7e: {  	[sflag:s26] =	ssyncadd.s32 $0xFFFFC000  }
0x7f: {  	[tilespmem:s4], [sflag:$0x1] =	stream.linear.gather [hbm4b:s19+s4], $0x80, $0x38;
	[tilespmem:$0x1C480] =	vst v63  }
0x80: {  	_ =	swait.ge [sflag:s26], $0x80  }
0x81: {  	[sflag:s26] =	ssyncset.done $0x0  }
0x82: {  	[sflag:s26] =	ssyncadd.s32 $0xFFFFFF80  }
0x83: {  	[spmem:s2] =	stream.indirect.scatter.add.f32 [tilespmem:s28], [sflag:$0x1], $0x80, s4, s28, $0xb8;
	[tilespmem:$0x1C480] =	vst v63  }
0x84: {  	_ =	swait.ge [sflag:s26], $0x4000  }
0x85: {  	s30 =	stileid.u32;
	[sflag:s26] =	ssyncset.done $0x0  }
0x86: {  	s31 =	sshll.u32 s30, $0x6;
	[sflag:s26] =	ssyncadd.s32 $0xFFFFC000  }
0x87: {  	s30 =	sor.u32 $0x1C01, s31;
	s31 =	sshrl.u32 s5, $0x3;
	[bflag:$0x0] =	sbarrier.arrive $0xFFFF  }
0x88: {  	[hbm:s13], [sflag:s30] =	dma.local [spmem:s31], $0x800  }
0x89: {  	_ =	swait.ge [sflag:s26], $0x800  }
0x8a: {  	[sflag:s26] =	ssyncset.done $0x0  }
0x8b: {  	[sflag:s26] =	ssyncadd.s32 $0xFFFFF800  }
0x8c: {  	[hbm:s14], [sflag:s30] =	dma.local [spmem:s22], $0x800  }
0x8d: {  	_ =	swait.ge [sflag:s26], $0x800  }
0x8e: {  	[sflag:s26] =	ssyncset.done $0x0  }
0x8f: {  	[sflag:s26] =	ssyncadd.s32 $0xFFFFF800  }
0x90: {  	[hbm:s15], [sflag:s30] =	dma.local [spmem:s23], $0x800  }
0x91: {  	_ =	swait.ge [sflag:s26], $0x800  }
0x92: {  	[sflag:s26] =	ssyncset.done $0x0  }
0x93: {  	[sflag:s26] =	ssyncadd.s32 $0xFFFFF800  }
0x94: {  	[hbm:s16], [sflag:s30] =	dma.local [spmem:s24], $0x800  }
0x95: {  	_ =	swait.ge [sflag:s26], $0x800  }
0x96: {  	[sflag:s26] =	ssyncset.done $0x0  }
0x97: {  	[sflag:s26] =	ssyncadd.s32 $0xFFFFF800  }
0x98: {  	[hbm:s17], [sflag:s30] =	dma.local [spmem:s25], $0x800  }
0x99: {  	s29 =	sadd.s32 $0x1, s29;
	_ =	swait.ge [sflag:s26], $0x800  }
0x9a: {  	p2 =	sne.s32 s29, s7;
	[sflag:s26] =	ssyncset.done $0x0  }
0x9b: {  	s31 =	simm.s32 @p1 $0x1C01;
	s30 =	sshrl.u32 @p1 s2, $0x3;
	[sflag:s26] =	ssyncadd.s32 $0xFFFFF800  }
0x9c: {  	[hbm:s6], [sflag:s31] =	dma.local @p1 [spmem:s30], $0x800  }
.Ltmp2:
0x9d: {  	_ = 	snop;
	(pc) =	sbr.rel @p2 .LBB2_1-.Ltmp2, $4  }
0x9e: {  	s30 =	simm.s32 @p1 $0x1  }
0x9f: {  	_ =	swait.ge @p1 [sflag:s30], $0x800  }
0xa0: {  	[sflag:s30] =	ssyncset.done @p1 $0x0  }
0xa1: {  	[sflag:s30] =	ssyncadd.s32 @p1 $0xFFFFF800  }
0xa2: {  	_ =	sfence.sel $0x180000  }
0xa3: {  	[bflag:$0x0] =	sbarrier.arrive $0xFFFF  }
0xa4: {  	_ =	strace $0x90000047  }
0xa5: {  	[bflag:$0x2] =	sbarrier.arrive $0xFFFF  }
0xa6: {  	s0 =	rddreg [dreg:$0x3]  }
0xa7: {  	s0 =	sadd.s32 @!p0 $0x100000, s0  }
0xa8: {  	[sflag:s0] =	ssyncadd.tile.s32 @!p0 $0x1;
	_ =	shalt  }
.Lfunc_end2:
_tile_overlayer_lowered:
.L_overlay_start_2:
0xa9: {  	(tag) =	ssettag $0x2  }
0xaa: {  	s0 =	rddreg [dreg:$0x0];
	s2 =	stileid.u32  }
0xab: {  	s1 =	rddreg [dreg:$0x1];
	p0 =	sne.s32 s2, $0x0  }
0xac: {  	s3 =	rddreg [dreg:$0x2];
	[bflag:$0x3] =	sbarrier.arrive $0xFFFF;
	s2 =	simm.s32 @!p0 $0x1C01  }
0xad: {  	[timem:s3], [sflag:s2] =	dma.local @!p0 [hbm:s0], s1  }
0xae: {  	s0 =	simm.s32 @!p0 $0x1  }
0xaf: {  	_ =	swait.ge @!p0 [sflag:s0], s1  }
0xb0: {  	s1 =	ssub.s32 @!p0 $0x0, s1;
	[sflag:s0] =	ssyncset.done @!p0 $0x0  }
0xb1: {  	[sflag:s0] =	ssyncadd.s32 @!p0 s1  }
0xb2: {  	[bflag:$0x3] =	sbarrier.arrive $0xFFFF  }
0xb3: {  	_ =	shalt  }

// kernel: kernel.14.cloned.1.call-start
scs
__scs_entry_jumppad:
0x0: {  	(pc) =	sbr.rel $0x88, $3  }
0x1: {  	(tag) =	ssettag $0x0;
	lr =	simm.s32 $0x1  }
0x2: {  	[smem:$0x3F96] =	sst lr;
	_ =	strace $0xD0000000  }
0x3: {  	_ = 	snop  }
0x4: {  	_ = 	snop  }
0x5: {  	_ = 	snop  }
0x6: {  	_ = 	snop  }
0x7: {  	_ = 	snop  }
__scs_overlays_trampoline_lowered:
0x8: {  	[smem:$0x3FA5] =	sst s0  }
0x9: {  	[smem:$0x3FA6] =	sst s1  }
0xa: {  	[smem:$0x3FA7] =	sst s2  }
0xb: {  	[smem:$0x3FA8] =	sst s3  }
0xc: {  	[smem:$0x3FA9] =	sst s4  }
0xd: {  	[smem:$0x3FAA] =	sst s5  }
0xe: {  	[smem:$0x3FAB] =	sst s6  }
0xf: {  	[smem:$0x3FAC] =	sst s7  }
0x10: {  	[smem:$0x3FAD] =	sst s8  }
0x11: {  	[smem:$0x3FAE] =	sst s9;
	s0 =	simm.s32 @!p0 $0x0  }
0x12: {  	s1 =	sld [smem:$0x3F94];
	s0 =	simm.s32 @p0 $0x1  }
0x13: {  	[smem:$0x3FAF] =	sst s0;
	s0 =	simm.s32 @!p1 $0x0  }
0x14: {  	s2 =	sld [smem:$0x3F93];
	s0 =	simm.s32 @p1 $0x1  }
0x15: {  	[smem:$0x3FB0] =	sst s0;
	s0 =	simm.s32 @!p2 $0x0  }
0x16: {  	s3 =	sld [smem:$0x3FDB];
	s0 =	simm.s32 @p2 $0x1  }
0x17: {  	s4 =	simm.s32 $0x1BF5;
	[smem:$0x3FB2] =	sst s0  }
0x18: {  	s0 =	sld [smem:$0x3F95];
	_ =	swait.ge [sflag:s4], $0x0  }
0x19: {  	s7 =	sld [smem:$0x3F96]  }
0x1a: {  	s8 =	sadd.s32 $0xFFFFE003, lr  }
0x1b: {  	s9 =	sadd.s32 $0xFFFFFEF7, lr;
	s5 =	simm.s32 $0xFFFFFFFF;
	p2 =	slt.u32 s8, $0xFFFFF086  }
0x1c: {  	p1 =	slt.u32 s9, $0xF7A;
	s5 =	simm.s32 @!p2 $0x0  }
0x1d: {  	s5 =	simm.s32 @p1 $0x1;
	p0 =	seq.s32 s7, s2  }
0x1e: {  	s7 =	smul.u32 @!p0 $0xF7A, s2;
	p2 =	seq.s32 @!p0 s5, $0x0  }
0x1f: {  	s9 =	smul.u32 $0xF7A, s1;
	s8 =	simm.s32 @!p0 $0x1BF5;
	p2 =	por !p2, p0  }
0x20: {  	[sflag:s8] =	ssyncset.s32 @!p0 $0xFFFFF086;
	s6 =	sadd.s32 @!p0 s3, s7;
	s7 =	simm.s32 @!p0 $0x108  }
0x21: {  	s3 =	sadd.s32 s3, s9;
	s6 =	sadd.s32 @!p0 $0x88, s6;
	s7 =	simm.s32 @p2 $0x1082  }
0x22: {  	[simem:s7], [sflag:s8] =	dma.local @!p0 [hbm:s6], $0xF7A  }
0x23: {  	s9 =	sor.u32 $0xD0000000, s2;
	s6 =	simm.s32 $0x108;
	_ =	swait.ge @!p0 [sflag:s8], $0x0  }
0x24: {  	s3 =	sadd.s32 $0x88, s3;
	s6 =	simm.s32 @!p1 $0x1082;
	[sflag:s4] =	ssyncset.s32 $0xFFFFF086  }
0x25: {  	[simem:s6], [sflag:s4] =	dma.local [hbm:s3], $0xF7A  }
0x26: {  	[smem:$0x3F96] =	sst s1;
	(tag) =	ssettag s2;
	_ =	strace s9  }
0x27: {  	s1 =	sld [smem:$0x3FA6]  }
0x28: {  	s2 =	sld [smem:$0x3FA7]  }
0x29: {  	s4 =	sld [smem:$0x3FA9]  }
0x2a: {  	p0 =	seq.s32 s5, $0x0;
	s5 =	sld [smem:$0x3FAA]  }
0x2b: {  	s6 =	sld [smem:$0x3FAB]  }
0x2c: {  	s7 =	sld [smem:$0x3FAC]  }
0x2d: {  	s3 =	simm.s32 $0x108;
	s8 =	sld [smem:$0x3FAD]  }
0x2e: {  	s3 =	simm.s32 @!p0 $0x1082;
	s9 =	sld [smem:$0x3FAE]  }
0x2f: {  	lr =	sadd.s32 s0, s3;
	s0 =	sld [smem:$0x3FA5]  }
0x30: {  	s3 =	sld [smem:$0x3FA8]  }
0x31: {  	[smem:$0x3FB1] =	sst s10  }
0x32: {  	s10 =	sld [smem:$0x3FAF];
	_ =	sdelay $0x3  }
0x33: {  	p0 =	seq.s32 s10, $0x1;
	s10 =	sld [smem:$0x3FB1];
	_ =	sdelay $0x3  }
0x34: {  	[smem:$0x3FB1] =	sst s10  }
0x35: {  	s10 =	sld [smem:$0x3FB0];
	_ =	sdelay $0x3  }
0x36: {  	p1 =	seq.s32 s10, $0x1;
	s10 =	sld [smem:$0x3FB1];
	_ =	sdelay $0x3  }
0x37: {  	[smem:$0x3FB1] =	sst s10  }
0x38: {  	s10 =	sld [smem:$0x3FB2]  }
0x39: {  	_ = 	snop;
	(pc) =	sbr.ind lr, $3  }
0x3a: {  	_ = 	snop  }
0x3b: {  	_ = 	snop  }
0x3c: {  	p2 =	seq.s32 s10, $0x1;
	s10 =	sld [smem:$0x3FB1]  }
0x3d: {  	_ =	shalt  }
0x3e: {  	_ =	shalt  }
0x3f: {  	_ =	shalt  }
0x40: {  	_ =	shalt  }
0x41: {  	_ =	shalt  }
0x42: {  	_ =	shalt  }
0x43: {  	_ =	shalt  }
0x44: {  	_ =	shalt  }
0x45: {  	_ =	shalt  }
0x46: {  	_ =	shalt  }
0x47: {  	_ =	shalt  }
0x48: {  	_ =	shalt  }
0x49: {  	_ =	shalt  }
0x4a: {  	_ =	shalt  }
0x4b: {  	_ =	shalt  }
0x4c: {  	_ =	shalt  }
0x4d: {  	_ =	shalt  }
0x4e: {  	_ =	shalt  }
0x4f: {  	_ =	shalt  }
0x50: {  	_ =	shalt  }
0x51: {  	_ =	shalt  }
0x52: {  	_ =	shalt  }
0x53: {  	_ =	shalt  }
0x54: {  	_ =	shalt  }
0x55: {  	_ =	shalt  }
0x56: {  	_ =	shalt  }
0x57: {  	_ =	shalt  }
0x58: {  	_ =	shalt  }
0x59: {  	_ =	shalt  }
0x5a: {  	_ =	shalt  }
0x5b: {  	_ =	shalt  }
0x5c: {  	_ =	shalt  }
0x5d: {  	_ =	shalt  }
0x5e: {  	_ =	shalt  }
0x5f: {  	_ =	shalt  }
0x60: {  	_ =	shalt  }
0x61: {  	_ =	shalt  }
0x62: {  	_ =	shalt  }
0x63: {  	_ =	shalt  }
0x64: {  	_ =	shalt  }
0x65: {  	_ =	shalt  }
0x66: {  	_ =	shalt  }
0x67: {  	_ =	shalt  }
0x68: {  	_ =	shalt  }
0x69: {  	_ =	shalt  }
0x6a: {  	_ =	shalt  }
0x6b: {  	_ =	shalt  }
0x6c: {  	_ =	shalt  }
0x6d: {  	_ =	shalt  }
0x6e: {  	_ =	shalt  }
0x6f: {  	_ =	shalt  }
0x70: {  	_ =	shalt  }
0x71: {  	_ =	shalt  }
0x72: {  	_ =	shalt  }
0x73: {  	_ =	shalt  }
0x74: {  	_ =	shalt  }
0x75: {  	_ =	shalt  }
0x76: {  	_ =	shalt  }
0x77: {  	_ =	shalt  }
0x78: {  	_ =	shalt  }
0x79: {  	_ =	shalt  }
0x7a: {  	_ =	shalt  }
0x7b: {  	_ =	shalt  }
0x7c: {  	_ =	shalt  }
0x7d: {  	_ =	shalt  }
0x7e: {  	_ =	shalt  }
0x7f: {  	_ =	shalt  }
0x80: {  	_ =	shalt  }
0x81: {  	_ =	shalt  }
0x82: {  	_ =	shalt  }
0x83: {  	_ =	shalt  }
0x84: {  	_ =	shalt  }
0x85: {  	_ =	shalt  }
0x86: {  	_ =	shalt  }
0x87: {  	_ =	shalt  }
.Lfunc_end0:
.L_simem_size_0:
called_computation.1_lowered:
.L_overlay_start_0:
0x88: {  	s2 =	sld [smem:$0x3FD9]  }
0x89: {  	s3 =	sld [smem:$0x3FFE];
	_ =	sdelay $0x1  }
0x8a: {  	s1 =	srdreg.scid  }
0x8b: {  	s0 =	sand.u32 $0x1, s1  }
0x8c: {  	s16 =	sshll.u32 s0, $0xA;
	s2 =	sadd.s32 s3, s2  }
0x8d: {  	s2 =	sadd.s32 s2, s16  }
0x8e: {  	[smem:$0x3FBD] =	sst s2  }
0x8f: {  	_ = 	snop  }
0x90: {  	(tm) =	ssettm $0x1  }
0x91: {  	s17 =	sld [smem:$0x3FFB];
	_ =	sdelay $0x3  }
0x92: {  	_ =	strace s17  }
0x93: {  	s2 =	sld [smem:$0x3FFC];
	_ =	sdelay $0x3  }
0x94: {  	_ =	strace s2  }
0x95: {  	s2 =	sld [smem:$0x3FFD];
	_ =	sdelay $0x3  }
0x96: {  	_ =	strace s2  }
0x97: {  	_ =	strace $0x8FFFFFFF  }
0x98: {  	s18 =	sld [smem:$0x3FDB];
	_ =	sdelay $0x1  }
0x99: {  	s19 =	simm.s32 $_scs_section_size  }
0x9a: {  	s4 =	simm.s32 $_size__tile_overlayer_lowered;
	s5 =	simm.s32 $_tile_overlayer_lowered  }
0x9b: {  	s22 =	simm.s32 $0x1BFF;
	s21 =	sshll.u32 s5, $0x1;
	s2 =	sadd.s32 s19, s18  }
0x9c: {  	s6 =	simm.s32 $0x0;
	s20 =	sshll.u32 s4, $0x1;
	s4 =	sadd.s32 s21, s2  }
0x9d: {  	[timem:s6], [sflag:s22] =	dma.local [hbm:s4], s20  }
0x9e: {  	_ =	swait.ge [sflag:s22], s20  }
0x9f: {  	s3 =	ssub.s32 $0x0, s20;
	[sflag:s22] =	ssyncset.done $0x0  }
0xa0: {  	[sflag:s22] =	ssyncadd.s32 s3;
	_ =	sdelay $0x1  }
0xa1: {  	s23 =	simm.s32 $0x1B8B  }
0xa2: {  	_ =	swait.ge [sflag:s23], $0x1  }
0xa3: {  	[sflag:s23] =	ssyncset.done $0x0  }
0xa4: {  	s25 =	simm.s32 $0x1B8E;
	s24 =	sld [smem:$0x3FFE];
	[sflag:s23] =	ssyncadd.s32 $0xFFFFFFFF  }
0xa5: {  	s26 =	simm.s32 $execute0_lowered;
	[smem:$0x3FD2] =	sst s25  }
0xa6: {  	s4 =	sshll.u32 s26, $0x1;
	_ =	strace $0x80000049;
	[dreg:$0x1] =	wrdreg $0xFFFFFFFF  }
0xa7: {  	s28 =	simm.s32 $_size_execute0_lowered;
	s2 =	sadd.s32 s2, s4;
	[dreg:$0x0] =	wrdreg $0x0  }
0xa8: {  	s4 =	sshll.u32 s28, $0x1;
	[dreg:$0x2] =	wrdreg s2  }
0xa9: {  	[dreg:$0x3] =	wrdreg s4  }
0xaa: {  	[dreg:$0x4] =	wrdreg $0xC0  }
0xab: {  	_ =	task [dreg:s6], $0x5FFFF  }
0xac: {  	[dreg:$0x1] =	wrdreg $0xFFFFFFFF  }
0xad: {  	[dreg:$0x0] =	wrdreg $0x60  }
0xae: {  	[dreg:$0x2] =	wrdreg s24  }
0xaf: {  	[dreg:$0x3] =	wrdreg $0x81000  }
0xb0: {  	[dreg:$0x4] =	wrdreg $0x9  }
0xb1: {  	_ =	task.clear_ibuf [dreg:s6], $0x5FFFF;
	_ =	strace $0x90000049  }
0xb2: {  	s29 =	simm.s32 $0x9;
	_ =	strace $0x8000004B  }
0xb3: {  	_ =	swait.ge [sflag:s29], $0x1  }
0xb4: {  	[sflag:s29] =	ssyncadd.s32 $0xFFFFFFFF  }
0xb5: {  	_ =	strace $0x9000004B  }
0xb6: {  	_ =	sfence  }
0xb7: {  	s30 =	sld [smem:$0x0];
	_ =	sdelay $0x2  }
0xb8: {  	s31 =	sshll.u32 s1, $0xD;
	s1 =	sshrl.u32 s1, $0x2  }
0xb9: {  	s3 =	sand.u32 $0x4000, s31;
	s1 =	sadd.s32 s1, s30  }
0xba: {  	s0 =	sor.u32 s3, s0;
	s1 =	sshll.u32 s1, $0x11  }
0xbb: {  	s0 =	sor.u32 s1, s0  }
0xbc: {  	s0 =	sadd.s32 $0x8F2B, s0  }
0xbd: {  	[sflag:s0] =	ssyncadd.remote.s32 $0x1  }
0xbe: {  	_ =	sfence.sel $0xFFFF  }
0xbf: {  	[dreg:$0x0] =	wrdreg $0xFFFFFFFF;
	(pc) =	sbr.abs _section_cstart, $3  }
0xc0: {  	[dreg:$0x1] =	wrdreg $0xFFFFFFFF  }
0xc1: {  	_ =	task.clear_ibuf [dreg:s6], $0x2FFFF;
	_ =	strace $0x9FFFFFFF  }
0xc2: {  	(tm) =	ssettm $0x7FFFFFFF  }
0xc3: {  	_ =	shalt  }
tec
execute0_lowered:
.L_overlay_start_1:
0x0: {  	(tag) =	ssettag $0x1  }
0x1: {  	s5 =	rddreg [dreg:$0x0]  }
0x2: {  	s2 =	rddreg [dreg:$0x1];
	s0 =	stileid.u32  }
0x3: {  	s4 =	srdreg.scid;
	s6 =	smul.u32 $0x9E0, s0  }
0x4: {  	s3 =	simm.s32 $0x0;
	s28 =	simm.s32 $0x0;
	s16 =	smul.u32 $0x14000, s0  }
0x5: {  	s14 =	sand.u32 $0x1, s4;
	[smem:$0x7FF] =	sst s3;
	s26 =	smul.u32 $0x50000, s0  }
0x6: {  	s4 =	sadd.s32 $0xDA00, s5;
	s18 =	sadd.s32 $0x68E00, s5;
	s15 =	smul.u32 $0x140000, s14  }
0x7: {  	_ =	strace $0x8000004A;
	s29 =	ssub.s32 $0x2, s14;
	s21 =	smul.u32 $0x4F0, s14  }
0x8: {  	s17 =	sadd.s32 s6, s5;
	s8 =	sshrl.u32 s29, $0x1;
	s6 =	sshrl.u32 s26, $0x2  }
0x9: {  	s13 =	sadd.s32 $0x4000, s16;
	s19 =	sadd.s32 $0x8000, s16;
	s30 =	sadd.s32 $0xC000, s16  }
0xa: {  	s26 =	simm.s32 $0x1;
	s7 =	sadd.s32 s15, s16;
	s8 =	ssub.s32 s29, s8  }
0xb: {  	s5 =	sadd.s32 s6, s2;
	s11 =	sadd.s32 s15, s13;
	s20 =	sadd.s32 s15, s19  }
0xc: {  	s22 =	sadd.s32 s13, s2;
	s23 =	sadd.s32 s19, s2;
	s31 =	sadd.s32 s15, s30  }
0xd: {  	s16 =	sadd.s32 $0x10000, s16;
	s24 =	sadd.s32 s30, s2;
	s17 =	sadd.s32 s21, s17  }
0xe: {  	s21 =	simm.s32 $0x100;
	s7 =	sshrl.u32 s7, $0x3;
	s9 =	sadd.s32 $0x8000, s5  }
0xf: {  	s10 =	sadd.s32 $0xC000, s5;
	s12 =	sshrl.u32 s11, $0x3;
	s11 =	sadd.s32 $0x10000, s5  }
0x10: {  	s20 =	sshrl.u32 s20, $0x3;
	s19 =	sshrl.u32 s31, $0x3;
	s15 =	sadd.s32 s15, s16  }
0x11: {  	s25 =	sadd.s32 s16, s2;
	s16 =	sadd.s32 $0x3C00, s17;
	s17 =	sadd.s32 $0x5F000, s17  }
0x12: {  	s22 =	sshrl.u32 s22, $0x3;
	s23 =	sshrl.u32 s23, $0x3;
	s24 =	sshrl.u32 s24, $0x3  }
0x13: {  	s6 =	sadd.s32 s18, s7;
	s7 =	smax.u32 s8, $0x1;
	s8 =	sadd.s32 $0x4000, s5  }
0x14: {  	s12 =	sadd.s32 s18, s12;
	s13 =	sadd.s32 s18, s20;
	s14 =	sadd.s32 s18, s19  }
0x15: {  	s15 =	sshrl.u32 s15, $0x3;
	s19 =	simm.s32 $0x2;
	s20 =	simm.s32 $0x80  }
0x16: {  	v0 =	vimm.f32 $0.0e+00;
	s25 =	sshrl.u32 s25, $0x3;
	s15 =	sadd.s32 s18, s15;
	s18 =	simm.s32 $0x4100  }
.LBB2_1:
0x17: {  	s29 =	simm.s32 $0x0;
	s30 =	simm.s32 $0x200  }
.LBB2_2:
0x18: {  	p0 =	sne.s32 s30, $0xFE00;
	[tilespmem:s29+$0x4170] =	vst v0  }
0x19: {  	[tilespmem:s29+$0x4100] =	vst v0  }
0x1a: {  	[tilespmem:s29+$0x4110] =	vst v0  }
.Ltmp0:
0x1b: {  	[tilespmem:s29+$0x4120] =	vst v0;
	(pc) =	sbr.rel @p0 .LBB2_2-.Ltmp0, $4  }
0x1c: {  	[tilespmem:s29+$0x4130] =	vst v0  }
0x1d: {  	[tilespmem:s29+$0x4140] =	vst v0  }
0x1e: {  	[tilespmem:s29+$0x4150] =	vst v0  }
0x1f: {  	[tilespmem:s29+$0x4160] =	vst v0;
	s29 =	sshra.s32 s30, $0x2;
	s30 =	sadd.s32 $0x200, s30  }
0x20: {  	[tilespmem:s29+$0x4170] =	vst v0  }
0x21: {  	[tilespmem:s29+$0x4100] =	vst v0  }
0x22: {  	[tilespmem:s29+$0x4110] =	vst v0  }
0x23: {  	[tilespmem:s29+$0x4120] =	vst v0  }
0x24: {  	[tilespmem:s29+$0x4130] =	vst v0  }
0x25: {  	[tilespmem:s29+$0x4140] =	vst v0  }
0x26: {  	[tilespmem:s29+$0x4150] =	vst v0  }
0x27: {  	[tilespmem:s29+$0x4160] =	vst v0  }
0x28: {  	[spmem:s5] =	stream.linear.scatter [tilespmem:s18], [sflag:$0x2], $0x4000, $0x38;
	[tilespmem:$0x1C100] =	vst v63  }
0x29: {  	_ =	swait.ge [sflag:s19], $0x4000  }
0x2a: {  	[sflag:s19] =	ssyncset.done $0x0  }
0x2b: {  	[sflag:s19] =	ssyncadd.s32 $0xFFFFC000  }
0x2c: {  	[spmem:s8] =	stream.linear.scatter [tilespmem:s18], [sflag:$0x2], $0x4000, $0x38;
	[tilespmem:$0x1C100] =	vst v63  }
0x2d: {  	_ =	swait.ge [sflag:s19], $0x4000  }
0x2e: {  	[sflag:s19] =	ssyncset.done $0x0  }
0x2f: {  	[sflag:s19] =	ssyncadd.s32 $0xFFFFC000  }
0x30: {  	[spmem:s9] =	stream.linear.scatter [tilespmem:s18], [sflag:$0x2], $0x4000, $0x38;
	[tilespmem:$0x1C100] =	vst v63  }
0x31: {  	_ =	swait.ge [sflag:s19], $0x4000  }
0x32: {  	[sflag:s19] =	ssyncset.done $0x0  }
0x33: {  	[sflag:s19] =	ssyncadd.s32 $0xFFFFC000  }
0x34: {  	[spmem:s10] =	stream.linear.scatter [tilespmem:s18], [sflag:$0x2], $0x4000, $0x38;
	[tilespmem:$0x1C100] =	vst v63  }
0x35: {  	_ =	swait.ge [sflag:s19], $0x4000  }
0x36: {  	[sflag:s19] =	ssyncset.done $0x0  }
0x37: {  	[sflag:s19] =	ssyncadd.s32 $0xFFFFC000  }
0x38: {  	[spmem:s11] =	stream.linear.scatter [tilespmem:s18], [sflag:$0x2], $0x4000, $0x38;
	[tilespmem:$0x1C100] =	vst v63  }
0x39: {  	_ =	swait.ge [sflag:s19], $0x4000  }
0x3a: {  	[sflag:s19] =	ssyncset.done $0x0  }
0x3b: {  	[sflag:s19] =	ssyncadd.s32 $0xFFFFC000  }
0x3c: {  	s29 =	sadd.s32 $0x0, s17;
	[bflag:$0x0] =	sbarrier.arrive $0xFFFF  }
0x3d: {  	[tilespmem:s3], [sflag:$0x2] =	stream.linear.gather [hbm4b:s29+s3], $0x80, $0x38;
	[tilespmem:$0x1C100] =	vst v63  }
0x3e: {  	_ =	swait.ge [sflag:s19], $0x80  }
0x3f: {  	[sflag:s19] =	ssyncset.done $0x0  }
0x40: {  	s29 =	sadd.s32 $0x0, s16;
	[sflag:s19] =	ssyncadd.s32 $0xFFFFFF80  }
0x41: {  	[tilespmem:s20], [sflag:$0x2] =	stream.linear.gather [hbm4b:s29+s3], $0x80, $0x38;
	[tilespmem:$0x1C100] =	vst v63  }
0x42: {  	_ =	swait.ge [sflag:s19], $0x80  }
0x43: {  	[sflag:s19] =	ssyncset.done $0x0  }
0x44: {  	[sflag:s19] =	ssyncadd.s32 $0xFFFFFF80  }
0x45: {  	[tilespmem:s21], [sflag:$0x1] =	stream.indirect.gather [hbm4b:s4+s20], $0x80, s3, s20, $0xb8;
	[tilespmem:$0x1C100] =	vst v63  }
0x46: {  	_ =	swait.ge [sflag:s26], $0x4000  }
0x47: {  	[sflag:s26] =	ssyncset.done $0x0  }
0x48: {  	[sflag:s26] =	ssyncadd.s32 $0xFFFFC000  }
0x49: {  	[spmem:s2] =	stream.indirect.scatter.add.f32 [tilespmem:s21], [sflag:$0x2], $0x80, s20, s20, $0xb8;
	[tilespmem:$0x1C100] =	vst v63  }
0x4a: {  	_ =	swait.ge [sflag:s19], $0x4000  }
0x4b: {  	s30 =	simm.s32 $0x20;
	s29 =	simm.s32 $0x10;
	[sflag:s19] =	ssyncset.done $0x0  }
.LBB2_4:
0x4c: {  	s31 =	sadd.s32 s29, s17  }
0x4d: {  	[sflag:s19] =	ssyncadd.s32 $0xFFFFC000;
	s0 =	smov.u32 s30;
	s1 =	sadd.s32 $0x10, s30  }
0x4e: {  	[tilespmem:s3], [sflag:$0x2] =	stream.linear.gather [hbm4b:s31+s3], $0x80, $0x38;
	[tilespmem:$0x1C100] =	vst v63  }
0x4f: {  	p0 =	sne.s32 s30, $0x4E0;
	_ =	swait.ge [sflag:s19], $0x80  }
0x50: {  	[sflag:s19] =	ssyncset.done $0x0  }
0x51: {  	s30 =	sadd.s32 s29, s16;
	s29 =	smov.u32 s0;
	[sflag:s19] =	ssyncadd.s32 $0xFFFFFF80  }
0x52: {  	[tilespmem:s20], [sflag:$0x2] =	stream.linear.gather [hbm4b:s30+s3], $0x80, $0x38;
	[tilespmem:$0x1C100] =	vst v63  }
0x53: {  	_ =	swait.ge [sflag:s19], $0x80  }
0x54: {  	[sflag:s19] =	ssyncset.done $0x0  }
0x55: {  	[sflag:s19] =	ssyncadd.s32 $0xFFFFFF80  }
0x56: {  	[tilespmem:s21], [sflag:$0x1] =	stream.indirect.gather [hbm4b:s4+s20], $0x80, s3, s20, $0xb8;
	[tilespmem:$0x1C100] =	vst v63  }
0x57: {  	_ =	swait.ge [sflag:s26], $0x4000  }
.Ltmp1:
0x58: {  	[sflag:s26] =	ssyncset.done $0x0;
	(pc) =	sbr.rel @p0 .LBB2_4-.Ltmp1, $4  }
0x59: {  	[sflag:s26] =	ssyncadd.s32 $0xFFFFC000  }
0x5a: {  	[spmem:s2] =	stream.indirect.scatter.add.f32 [tilespmem:s21], [sflag:$0x2], $0x80, s20, s20, $0xb8;
	[tilespmem:$0x1C100] =	vst v63  }
0x5b: {  	_ =	swait.ge [sflag:s19], $0x4000  }
0x5c: {  	s30 =	smov.u32 s1;
	[sflag:s19] =	ssyncset.done $0x0  }
0x5d: {  	s0 =	sadd.s32 s29, s17;
	[sflag:s19] =	ssyncadd.s32 $0xFFFFC000  }
0x5e: {  	[tilespmem:s3], [sflag:$0x2] =	stream.linear.gather [hbm4b:s0+s3], $0x80, $0x38;
	[tilespmem:$0x1C100] =	vst v63  }
0x5f: {  	_ =	swait.ge [sflag:s19], $0x80  }
0x60: {  	[sflag:s19] =	ssyncset.done $0x0  }
0x61: {  	s30 =	sadd.s32 s29, s16;
	[sflag:s19] =	ssyncadd.s32 $0xFFFFFF80  }
0x62: {  	[tilespmem:s20], [sflag:$0x2] =	stream.linear.gather [hbm4b:s30+s3], $0x80, $0x38;
	[tilespmem:$0x1C100] =	vst v63  }
0x63: {  	_ =	swait.ge [sflag:s19], $0x80  }
0x64: {  	[sflag:s19] =	ssyncset.done $0x0  }
0x65: {  	[sflag:s19] =	ssyncadd.s32 $0xFFFFFF80  }
0x66: {  	[tilespmem:s21], [sflag:$0x1] =	stream.indirect.gather [hbm4b:s4+s20], $0x80, s3, s20, $0xb8;
	[tilespmem:$0x1C100] =	vst v63  }
0x67: {  	_ =	swait.ge [sflag:s26], $0x4000  }
0x68: {  	[sflag:s26] =	ssyncset.done $0x0  }
0x69: {  	[sflag:s26] =	ssyncadd.s32 $0xFFFFC000  }
0x6a: {  	[spmem:s2] =	stream.indirect.scatter.add.f32 [tilespmem:s21], [sflag:$0x2], $0x80, s20, s20, $0xb8;
	[tilespmem:$0x1C100] =	vst v63  }
0x6b: {  	_ =	swait.ge [sflag:s19], $0x4000  }
0x6c: {  	s31 =	stileid.u32;
	[sflag:s19] =	ssyncset.done $0x0  }
0x6d: {  	s0 =	sshll.u32 s31, $0x6;
	[sflag:s19] =	ssyncadd.s32 $0xFFFFC000  }
0x6e: {  	s1 =	sshrl.u32 s5, $0x3;
	s0 =	sor.u32 $0x1C02, s0;
	[bflag:$0x0] =	sbarrier.arrive $0xFFFF  }
0x6f: {  	[hbm:s6], [sflag:s0] =	dma.local [spmem:s1], $0x800  }
0x70: {  	_ =	swait.ge [sflag:s19], $0x800  }
0x71: {  	[sflag:s19] =	ssyncset.done $0x0  }
0x72: {  	[sflag:s19] =	ssyncadd.s32 $0xFFFFF800  }
0x73: {  	[hbm:s12], [sflag:s0] =	dma.local [spmem:s22], $0x800  }
0x74: {  	_ =	swait.ge [sflag:s19], $0x800  }
0x75: {  	[sflag:s19] =	ssyncset.done $0x0  }
0x76: {  	[sflag:s19] =	ssyncadd.s32 $0xFFFFF800  }
0x77: {  	[hbm:s13], [sflag:s0] =	dma.local [spmem:s23], $0x800  }
0x78: {  	_ =	swait.ge [sflag:s19], $0x800  }
0x79: {  	[sflag:s19] =	ssyncset.done $0x0  }
0x7a: {  	[sflag:s19] =	ssyncadd.s32 $0xFFFFF800  }
0x7b: {  	[hbm:s14], [sflag:s0] =	dma.local [spmem:s24], $0x800  }
0x7c: {  	s28 =	sadd.s32 $0x1, s28;
	_ =	swait.ge [sflag:s19], $0x800  }
0x7d: {  	p0 =	sne.s32 s28, s7;
	[sflag:s19] =	ssyncset.done $0x0  }
.Ltmp2:
0x7e: {  	[sflag:s19] =	ssyncadd.s32 $0xFFFFF800;
	(pc) =	sbr.rel @p0 .LBB2_1-.Ltmp2, $4  }
0x7f: {  	[hbm:s15], [sflag:s0] =	dma.local [spmem:s25], $0x800  }
0x80: {  	_ =	swait.ge [sflag:s19], $0x800  }
0x81: {  	[sflag:s19] =	ssyncset.done $0x0  }
0x82: {  	[sflag:s19] =	ssyncadd.s32 $0xFFFFF800  }
0x83: {  	_ =	sfence.sel $0x180000  }
0x84: {  	[bflag:$0x0] =	sbarrier.arrive $0xFFFF  }
0x85: {  	_ =	strace $0x9000004A  }
0x86: {  	s0 =	stileid.u32;
	[bflag:$0x2] =	sbarrier.arrive $0xFFFF  }
0x87: {  	p0 =	sne.s32 s0, $0x0;
	s0 =	rddreg [dreg:$0x2]  }
0x88: {  	s0 =	sadd.s32 @!p0 $0x100000, s0  }
0x89: {  	[sflag:s0] =	ssyncadd.tile.s32 @!p0 $0x1;
	_ =	shalt  }
.Lfunc_end2:
_tile_overlayer_lowered:
.L_overlay_start_2:
0x8a: {  	(tag) =	ssettag $0x2  }
0x8b: {  	s0 =	rddreg [dreg:$0x0];
	s2 =	stileid.u32  }
0x8c: {  	s1 =	rddreg [dreg:$0x1];
	p0 =	sne.s32 s2, $0x0  }
0x8d: {  	s3 =	rddreg [dreg:$0x2];
	[bflag:$0x3] =	sbarrier.arrive $0xFFFF;
	s2 =	simm.s32 @!p0 $0x1C02  }
0x8e: {  	[timem:s3], [sflag:s2] =	dma.local @!p0 [hbm:s0], s1  }
0x8f: {  	s0 =	simm.s32 @!p0 $0x2  }
0x90: {  	_ =	swait.ge @!p0 [sflag:s0], s1  }
0x91: {  	s1 =	ssub.s32 @!p0 $0x0, s1;
	[sflag:s0] =	ssyncset.done @!p0 $0x0  }
0x92: {  	[sflag:s0] =	ssyncadd.s32 @!p0 s1  }
0x93: {  	[bflag:$0x3] =	sbarrier.arrive $0xFFFF  }
0x94: {  	_ =	shalt  }

// kernel: kernel.17.cloned.1.call-start
scs
__scs_entry_jumppad:
0x0: {  	(pc) =	sbr.rel $0x88, $3  }
0x1: {  	(tag) =	ssettag $0x0;
	lr =	simm.s32 $0x1  }
0x2: {  	[smem:$0x3F96] =	sst lr;
	_ =	strace $0xD0000000  }
0x3: {  	_ = 	snop  }
0x4: {  	_ = 	snop  }
0x5: {  	_ = 	snop  }
0x6: {  	_ = 	snop  }
0x7: {  	_ = 	snop  }
__scs_overlays_trampoline_lowered:
0x8: {  	[smem:$0x3FA5] =	sst s0  }
0x9: {  	[smem:$0x3FA6] =	sst s1  }
0xa: {  	[smem:$0x3FA7] =	sst s2  }
0xb: {  	[smem:$0x3FA8] =	sst s3  }
0xc: {  	[smem:$0x3FA9] =	sst s4  }
0xd: {  	[smem:$0x3FAA] =	sst s5  }
0xe: {  	[smem:$0x3FAB] =	sst s6  }
0xf: {  	[smem:$0x3FAC] =	sst s7  }
0x10: {  	[smem:$0x3FAD] =	sst s8  }
0x11: {  	[smem:$0x3FAE] =	sst s9;
	s0 =	simm.s32 @!p0 $0x0  }
0x12: {  	s1 =	sld [smem:$0x3F94];
	s0 =	simm.s32 @p0 $0x1  }
0x13: {  	[smem:$0x3FAF] =	sst s0;
	s0 =	simm.s32 @!p1 $0x0  }
0x14: {  	s2 =	sld [smem:$0x3F93];
	s0 =	simm.s32 @p1 $0x1  }
0x15: {  	[smem:$0x3FB0] =	sst s0;
	s0 =	simm.s32 @!p2 $0x0  }
0x16: {  	s3 =	sld [smem:$0x3FDB];
	s0 =	simm.s32 @p2 $0x1  }
0x17: {  	s4 =	simm.s32 $0x1BF5;
	[smem:$0x3FB2] =	sst s0  }
0x18: {  	s0 =	sld [smem:$0x3F95];
	_ =	swait.ge [sflag:s4], $0x0  }
0x19: {  	s7 =	sld [smem:$0x3F96]  }
0x1a: {  	s8 =	sadd.s32 $0xFFFFE003, lr  }
0x1b: {  	s9 =	sadd.s32 $0xFFFFFEF7, lr;
	s5 =	simm.s32 $0xFFFFFFFF;
	p2 =	slt.u32 s8, $0xFFFFF086  }
0x1c: {  	p1 =	slt.u32 s9, $0xF7A;
	s5 =	simm.s32 @!p2 $0x0  }
0x1d: {  	s5 =	simm.s32 @p1 $0x1;
	p0 =	seq.s32 s7, s2  }
0x1e: {  	s7 =	smul.u32 @!p0 $0xF7A, s2;
	p2 =	seq.s32 @!p0 s5, $0x0  }
0x1f: {  	s9 =	smul.u32 $0xF7A, s1;
	s8 =	simm.s32 @!p0 $0x1BF5;
	p2 =	por !p2, p0  }
0x20: {  	[sflag:s8] =	ssyncset.s32 @!p0 $0xFFFFF086;
	s6 =	sadd.s32 @!p0 s3, s7;
	s7 =	simm.s32 @!p0 $0x108  }
0x21: {  	s3 =	sadd.s32 s3, s9;
	s6 =	sadd.s32 @!p0 $0x88, s6;
	s7 =	simm.s32 @p2 $0x1082  }
0x22: {  	[simem:s7], [sflag:s8] =	dma.local @!p0 [hbm:s6], $0xF7A  }
0x23: {  	s9 =	sor.u32 $0xD0000000, s2;
	s6 =	simm.s32 $0x108;
	_ =	swait.ge @!p0 [sflag:s8], $0x0  }
0x24: {  	s3 =	sadd.s32 $0x88, s3;
	s6 =	simm.s32 @!p1 $0x1082;
	[sflag:s4] =	ssyncset.s32 $0xFFFFF086  }
0x25: {  	[simem:s6], [sflag:s4] =	dma.local [hbm:s3], $0xF7A  }
0x26: {  	[smem:$0x3F96] =	sst s1;
	(tag) =	ssettag s2;
	_ =	strace s9  }
0x27: {  	s1 =	sld [smem:$0x3FA6]  }
0x28: {  	s2 =	sld [smem:$0x3FA7]  }
0x29: {  	s4 =	sld [smem:$0x3FA9]  }
0x2a: {  	p0 =	seq.s32 s5, $0x0;
	s5 =	sld [smem:$0x3FAA]  }
0x2b: {  	s6 =	sld [smem:$0x3FAB]  }
0x2c: {  	s7 =	sld [smem:$0x3FAC]  }
0x2d: {  	s3 =	simm.s32 $0x108;
	s8 =	sld [smem:$0x3FAD]  }
0x2e: {  	s3 =	simm.s32 @!p0 $0x1082;
	s9 =	sld [smem:$0x3FAE]  }
0x2f: {  	lr =	sadd.s32 s0, s3;
	s0 =	sld [smem:$0x3FA5]  }
0x30: {  	s3 =	sld [smem:$0x3FA8]  }
0x31: {  	[smem:$0x3FB1] =	sst s10  }
0x32: {  	s10 =	sld [smem:$0x3FAF];
	_ =	sdelay $0x3  }
0x33: {  	p0 =	seq.s32 s10, $0x1;
	s10 =	sld [smem:$0x3FB1];
	_ =	sdelay $0x3  }
0x34: {  	[smem:$0x3FB1] =	sst s10  }
0x35: {  	s10 =	sld [smem:$0x3FB0];
	_ =	sdelay $0x3  }
0x36: {  	p1 =	seq.s32 s10, $0x1;
	s10 =	sld [smem:$0x3FB1];
	_ =	sdelay $0x3  }
0x37: {  	[smem:$0x3FB1] =	sst s10  }
0x38: {  	s10 =	sld [smem:$0x3FB2]  }
0x39: {  	_ = 	snop;
	(pc) =	sbr.ind lr, $3  }
0x3a: {  	_ = 	snop  }
0x3b: {  	_ = 	snop  }
0x3c: {  	p2 =	seq.s32 s10, $0x1;
	s10 =	sld [smem:$0x3FB1]  }
0x3d: {  	_ =	shalt  }
0x3e: {  	_ =	shalt  }
0x3f: {  	_ =	shalt  }
0x40: {  	_ =	shalt  }
0x41: {  	_ =	shalt  }
0x42: {  	_ =	shalt  }
0x43: {  	_ =	shalt  }
0x44: {  	_ =	shalt  }
0x45: {  	_ =	shalt  }
0x46: {  	_ =	shalt  }
0x47: {  	_ =	shalt  }
0x48: {  	_ =	shalt  }
0x49: {  	_ =	shalt  }
0x4a: {  	_ =	shalt  }
0x4b: {  	_ =	shalt  }
0x4c: {  	_ =	shalt  }
0x4d: {  	_ =	shalt  }
0x4e: {  	_ =	shalt  }
0x4f: {  	_ =	shalt  }
0x50: {  	_ =	shalt  }
0x51: {  	_ =	shalt  }
0x52: {  	_ =	shalt  }
0x53: {  	_ =	shalt  }
0x54: {  	_ =	shalt  }
0x55: {  	_ =	shalt  }
0x56: {  	_ =	shalt  }
0x57: {  	_ =	shalt  }
0x58: {  	_ =	shalt  }
0x59: {  	_ =	shalt  }
0x5a: {  	_ =	shalt  }
0x5b: {  	_ =	shalt  }
0x5c: {  	_ =	shalt  }
0x5d: {  	_ =	shalt  }
0x5e: {  	_ =	shalt  }
0x5f: {  	_ =	shalt  }
0x60: {  	_ =	shalt  }
0x61: {  	_ =	shalt  }
0x62: {  	_ =	shalt  }
0x63: {  	_ =	shalt  }
0x64: {  	_ =	shalt  }
0x65: {  	_ =	shalt  }
0x66: {  	_ =	shalt  }
0x67: {  	_ =	shalt  }
0x68: {  	_ =	shalt  }
0x69: {  	_ =	shalt  }
0x6a: {  	_ =	shalt  }
0x6b: {  	_ =	shalt  }
0x6c: {  	_ =	shalt  }
0x6d: {  	_ =	shalt  }
0x6e: {  	_ =	shalt  }
0x6f: {  	_ =	shalt  }
0x70: {  	_ =	shalt  }
0x71: {  	_ =	shalt  }
0x72: {  	_ =	shalt  }
0x73: {  	_ =	shalt  }
0x74: {  	_ =	shalt  }
0x75: {  	_ =	shalt  }
0x76: {  	_ =	shalt  }
0x77: {  	_ =	shalt  }
0x78: {  	_ =	shalt  }
0x79: {  	_ =	shalt  }
0x7a: {  	_ =	shalt  }
0x7b: {  	_ =	shalt  }
0x7c: {  	_ =	shalt  }
0x7d: {  	_ =	shalt  }
0x7e: {  	_ =	shalt  }
0x7f: {  	_ =	shalt  }
0x80: {  	_ =	shalt  }
0x81: {  	_ =	shalt  }
0x82: {  	_ =	shalt  }
0x83: {  	_ =	shalt  }
0x84: {  	_ =	shalt  }
0x85: {  	_ =	shalt  }
0x86: {  	_ =	shalt  }
0x87: {  	_ =	shalt  }
.Lfunc_end0:
.L_simem_size_0:
called_computation.2_lowered:
.L_overlay_start_0:
0x88: {  	s2 =	sld [smem:$0x3FD9]  }
0x89: {  	s3 =	sld [smem:$0x3FFE];
	_ =	sdelay $0x1  }
0x8a: {  	s1 =	srdreg.scid  }
0x8b: {  	s0 =	sand.u32 $0x1, s1  }
0x8c: {  	s16 =	sshll.u32 s0, $0xA;
	s2 =	sadd.s32 s3, s2  }
0x8d: {  	s2 =	sadd.s32 s2, s16  }
0x8e: {  	[smem:$0x3FBD] =	sst s2  }
0x8f: {  	_ = 	snop  }
0x90: {  	(tm) =	ssettm $0x1  }
0x91: {  	s17 =	sld [smem:$0x3FFB];
	_ =	sdelay $0x3  }
0x92: {  	_ =	strace s17  }
0x93: {  	s2 =	sld [smem:$0x3FFC];
	_ =	sdelay $0x3  }
0x94: {  	_ =	strace s2  }
0x95: {  	s2 =	sld [smem:$0x3FFD];
	_ =	sdelay $0x3  }
0x96: {  	_ =	strace s2  }
0x97: {  	_ =	strace $0x8FFFFFFF  }
0x98: {  	s18 =	sld [smem:$0x3FDB];
	_ =	sdelay $0x1  }
0x99: {  	s19 =	simm.s32 $_scs_section_size  }
0x9a: {  	s4 =	simm.s32 $_size__tile_overlayer_lowered;
	s5 =	simm.s32 $_tile_overlayer_lowered  }
0x9b: {  	s22 =	simm.s32 $0x1BFF;
	s21 =	sshll.u32 s5, $0x1;
	s2 =	sadd.s32 s19, s18  }
0x9c: {  	s6 =	simm.s32 $0x0;
	s20 =	sshll.u32 s4, $0x1;
	s4 =	sadd.s32 s21, s2  }
0x9d: {  	[timem:s6], [sflag:s22] =	dma.local [hbm:s4], s20  }
0x9e: {  	_ =	swait.ge [sflag:s22], s20  }
0x9f: {  	s3 =	ssub.s32 $0x0, s20;
	[sflag:s22] =	ssyncset.done $0x0  }
0xa0: {  	[sflag:s22] =	ssyncadd.s32 s3;
	_ =	sdelay $0x1  }
0xa1: {  	s23 =	simm.s32 $0x1B8B  }
0xa2: {  	_ =	swait.ge [sflag:s23], $0x1  }
0xa3: {  	[sflag:s23] =	ssyncset.done $0x0  }
0xa4: {  	s25 =	simm.s32 $0x1B8E;
	s24 =	sld [smem:$0x3FFE];
	[sflag:s23] =	ssyncadd.s32 $0xFFFFFFFF  }
0xa5: {  	s26 =	simm.s32 $execute0_lowered;
	[smem:$0x3FD2] =	sst s25  }
0xa6: {  	s4 =	sshll.u32 s26, $0x1;
	_ =	strace $0x8000004C;
	[dreg:$0x1] =	wrdreg $0xFFFFFFFF  }
0xa7: {  	s28 =	simm.s32 $_size_execute0_lowered;
	s2 =	sadd.s32 s2, s4;
	[dreg:$0x0] =	wrdreg $0x0  }
0xa8: {  	s4 =	sshll.u32 s28, $0x1;
	[dreg:$0x2] =	wrdreg s2  }
0xa9: {  	[dreg:$0x3] =	wrdreg s4  }
0xaa: {  	[dreg:$0x4] =	wrdreg $0xC0  }
0xab: {  	_ =	task [dreg:s6], $0x5FFFF  }
0xac: {  	[dreg:$0x1] =	wrdreg $0xFFFFFFFF  }
0xad: {  	[dreg:$0x0] =	wrdreg $0x60  }
0xae: {  	[dreg:$0x2] =	wrdreg s24  }
0xaf: {  	[dreg:$0x3] =	wrdreg $0x81000  }
0xb0: {  	[dreg:$0x4] =	wrdreg $0x9  }
0xb1: {  	_ =	task.clear_ibuf [dreg:s6], $0x5FFFF;
	_ =	strace $0x9000004C  }
0xb2: {  	s29 =	simm.s32 $0x9;
	_ =	strace $0x8000004E  }
0xb3: {  	_ =	swait.ge [sflag:s29], $0x1  }
0xb4: {  	[sflag:s29] =	ssyncadd.s32 $0xFFFFFFFF  }
0xb5: {  	_ =	strace $0x9000004E  }
0xb6: {  	_ =	sfence  }
0xb7: {  	s30 =	sld [smem:$0x0];
	_ =	sdelay $0x2  }
0xb8: {  	s31 =	sshll.u32 s1, $0xD;
	s1 =	sshrl.u32 s1, $0x2  }
0xb9: {  	s3 =	sand.u32 $0x4000, s31;
	s1 =	sadd.s32 s1, s30  }
0xba: {  	s0 =	sor.u32 s3, s0;
	s1 =	sshll.u32 s1, $0x11  }
0xbb: {  	s0 =	sor.u32 s1, s0  }
0xbc: {  	s0 =	sadd.s32 $0x8F2B, s0  }
0xbd: {  	[sflag:s0] =	ssyncadd.remote.s32 $0x1  }
0xbe: {  	_ =	sfence.sel $0xFFFF  }
0xbf: {  	[dreg:$0x0] =	wrdreg $0xFFFFFFFF;
	(pc) =	sbr.abs _section_cstart, $3  }
0xc0: {  	[dreg:$0x1] =	wrdreg $0xFFFFFFFF  }
0xc1: {  	_ =	task.clear_ibuf [dreg:s6], $0x2FFFF;
	_ =	strace $0x9FFFFFFF  }
0xc2: {  	(tm) =	ssettm $0x7FFFFFFF  }
0xc3: {  	_ =	shalt  }
tec
execute0_lowered:
.L_overlay_start_1:
0x0: {  	(tag) =	ssettag $0x1  }
0x1: {  	s6 =	rddreg [dreg:$0x0]  }
0x2: {  	s2 =	rddreg [dreg:$0x1];
	s0 =	stileid.u32;
	s3 =	simm.s32 $0x0  }
0x3: {  	s4 =	srdreg.scid;
	s28 =	simm.s32 $0x1;
	s29 =	simm.s32 $0x0  }
0x4: {  	s7 =	smul.u32 $0x9E0, s0;
	[smem:$0x7FF] =	sst s3;
	s8 =	sand.u32 $0x1, s4  }
0x5: {  	s9 =	smul.u32 $0x50000, s0;
	s4 =	sadd.s32 $0xDA00, s6;
	s5 =	sadd.s32 $0x68E00, s6  }
0x6: {  	s14 =	smul.u32 $0x14000, s0;
	s16 =	sadd.s32 $0x90000, s6;
	_ =	strace $0x8000004D  }
0x7: {  	s15 =	smul.u32 $0x140000, s8;
	s21 =	ssub.s32 $0x2, s8;
	p0 =	seq.s32 s8, $0x1  }
0x8: {  	s18 =	sadd.s32 s7, s6;
	s22 =	sshrl.u32 s21, $0x1;
	s9 =	sshrl.u32 s9, $0x2  }
0x9: {  	s17 =	sadd.s32 $0x4000, s14;
	s19 =	sadd.s32 $0x8000, s14;
	s20 =	sadd.s32 $0xC000, s14  }
0xa: {  	s10 =	sadd.s32 s15, s14;
	s11 =	ssub.s32 s21, s22;
	s6 =	sadd.s32 s9, s2  }
0xb: {  	s12 =	sadd.s32 s15, s17;
	s22 =	sadd.s32 s17, s2;
	s25 =	sadd.s32 s15, s19  }
0xc: {  	s21 =	sadd.s32 s15, s20;
	s23 =	sshrl.u32 s10, $0x3;
	s8 =	smax.u32 s11, $0x1  }
0xd: {  	s9 =	sadd.s32 $0x4000, s6;
	s10 =	sadd.s32 $0x8000, s6;
	s11 =	sadd.s32 $0xC000, s6  }
0xe: {  	s13 =	sshrl.u32 s12, $0x3;
	s12 =	sadd.s32 $0x10000, s6;
	s17 =	sshrl.u32 s25, $0x3  }
0xf: {  	s26 =	sshrl.u32 s21, $0x3;
	s25 =	sadd.s32 s20, s2;
	s20 =	simm.s32 $0x2  }
0x10: {  	s21 =	simm.s32 $0x80;
	s22 =	sshrl.u32 s22, $0x3;
	s24 =	sadd.s32 s16, s23  }
0x11: {  	s13 =	sadd.s32 s16, s13;
	s23 =	sadd.s32 $0x10000, s14;
	s14 =	sadd.s32 s16, s17  }
.Ltmp0:
0x12: {  	s17 =	sadd.s32 $0x3C00, s18;
	s18 =	sadd.s32 $0x5F000, s18;
	(pc) =	sbr.rel .LBB2_1-.Ltmp0, $4  }
0x13: {  	[dreg:$0x3] =	wrdreg s24;
	s30 =	sadd.s32 s15, s23;
	s24 =	sadd.s32 s19, s2  }
0x14: {  	s15 =	sadd.s32 s16, s26;
	s26 =	sadd.s32 s23, s2;
	s19 =	simm.s32 $0x4100  }
0x15: {  	s31 =	sshrl.u32 s30, $0x3;
	s23 =	sshrl.u32 s24, $0x3;
	s24 =	sshrl.u32 s25, $0x3  }
0x16: {  	v0 =	vimm.f32 $0.0e+00;
	s25 =	sshrl.u32 s26, $0x3;
	s26 =	simm.s32 $0x100;
	s16 =	sadd.s32 s16, s31  }
.LBB2_6:
0x17: {  	s0 =	sadd.s32 s30, s18;
	[sflag:s20] =	ssyncadd.s32 $0xFFFFC000  }
0x18: {  	[tilespmem:s3], [sflag:$0x2] =	stream.linear.gather [hbm4b:s0+s3], $0x80, $0x38;
	[tilespmem:$0x1C100] =	vst v63  }
0x19: {  	_ =	swait.ge [sflag:s20], $0x80  }
0x1a: {  	[sflag:s20] =	ssyncset.done $0x0  }
0x1b: {  	s31 =	sadd.s32 s30, s17;
	[sflag:s20] =	ssyncadd.s32 $0xFFFFFF80  }
0x1c: {  	[tilespmem:s21], [sflag:$0x2] =	stream.linear.gather [hbm4b:s31+s3], $0x80, $0x38;
	[tilespmem:$0x1C100] =	vst v63  }
0x1d: {  	_ =	swait.ge [sflag:s20], $0x80  }
0x1e: {  	[sflag:s20] =	ssyncset.done $0x0  }
0x1f: {  	[sflag:s20] =	ssyncadd.s32 $0xFFFFFF80  }
0x20: {  	[tilespmem:s26], [sflag:$0x1] =	stream.indirect.gather [hbm4b:s4+s21], $0x80, s3, s21, $0xb8;
	[tilespmem:$0x1C100] =	vst v63  }
0x21: {  	_ =	swait.ge [sflag:s28], $0x4000  }
0x22: {  	[sflag:s28] =	ssyncset.done $0x0  }
0x23: {  	[sflag:s28] =	ssyncadd.s32 $0xFFFFC000  }
0x24: {  	[spmem:s2] =	stream.indirect.scatter.add.f32 [tilespmem:s26], [sflag:$0x2], $0x80, s21, s21, $0xb8;
	[tilespmem:$0x1C100] =	vst v63  }
0x25: {  	_ =	swait.ge [sflag:s20], $0x4000  }
0x26: {  	[sflag:s20] =	ssyncset.done $0x0  }
0x27: {  	[sflag:s20] =	ssyncadd.s32 $0xFFFFC000  }
.LBB2_10:
0x28: {  	s0 =	stileid.u32  }
0x29: {  	[bflag:$0x0] =	sbarrier.arrive $0xFFFF;
	s0 =	sshll.u32 s0, $0x6  }
0x2a: {  	s1 =	sshrl.u32 s6, $0x3;
	s7 =	rddreg [dreg:$0x3];
	s0 =	sor.u32 $0x1C02, s0  }
0x2b: {  	[hbm:s7], [sflag:s0] =	dma.local [spmem:s1], $0x800  }
0x2c: {  	_ =	swait.ge [sflag:s20], $0x800  }
0x2d: {  	[sflag:s20] =	ssyncset.done $0x0  }
0x2e: {  	[sflag:s20] =	ssyncadd.s32 $0xFFFFF800  }
0x2f: {  	[hbm:s13], [sflag:s0] =	dma.local [spmem:s22], $0x800  }
0x30: {  	_ =	swait.ge [sflag:s20], $0x800  }
0x31: {  	[sflag:s20] =	ssyncset.done $0x0  }
0x32: {  	[sflag:s20] =	ssyncadd.s32 $0xFFFFF800  }
0x33: {  	[hbm:s14], [sflag:s0] =	dma.local [spmem:s23], $0x800  }
0x34: {  	_ =	swait.ge [sflag:s20], $0x800  }
0x35: {  	[sflag:s20] =	ssyncset.done $0x0  }
0x36: {  	[sflag:s20] =	ssyncadd.s32 $0xFFFFF800  }
0x37: {  	[hbm:s15], [sflag:s0] =	dma.local [spmem:s24], $0x800  }
0x38: {  	s29 =	sadd.s32 $0x1, s29;
	_ =	swait.ge [sflag:s20], $0x800  }
0x39: {  	p1 =	sne.s32 s29, s8;
	[sflag:s20] =	ssyncset.done $0x0  }
.Ltmp1:
0x3a: {  	[sflag:s20] =	ssyncadd.s32 $0xFFFFF800;
	(pc) =	sbr.rel @!p1 .LBB2_11-.Ltmp1, $4  }
0x3b: {  	[hbm:s16], [sflag:s0] =	dma.local [spmem:s25], $0x800  }
0x3c: {  	_ =	swait.ge [sflag:s20], $0x800  }
0x3d: {  	[sflag:s20] =	ssyncset.done $0x0  }
0x3e: {  	[sflag:s20] =	ssyncadd.s32 $0xFFFFF800  }
.LBB2_1:
0x3f: {  	s30 =	simm.s32 $0x0;
	s31 =	simm.s32 $0x200  }
.LBB2_2:
0x40: {  	p1 =	sne.s32 s31, $0xFE00;
	[tilespmem:s30+$0x4170] =	vst v0  }
0x41: {  	[tilespmem:s30+$0x4100] =	vst v0  }
0x42: {  	[tilespmem:s30+$0x4110] =	vst v0  }
.Ltmp2:
0x43: {  	[tilespmem:s30+$0x4120] =	vst v0;
	(pc) =	sbr.rel @p1 .LBB2_2-.Ltmp2, $4  }
0x44: {  	[tilespmem:s30+$0x4130] =	vst v0  }
0x45: {  	[tilespmem:s30+$0x4140] =	vst v0  }
0x46: {  	[tilespmem:s30+$0x4150] =	vst v0  }
0x47: {  	[tilespmem:s30+$0x4160] =	vst v0;
	s30 =	sshra.s32 s31, $0x2;
	s31 =	sadd.s32 $0x200, s31  }
0x48: {  	[tilespmem:s30+$0x4170] =	vst v0  }
0x49: {  	[tilespmem:s30+$0x4100] =	vst v0  }
0x4a: {  	[tilespmem:s30+$0x4110] =	vst v0  }
0x4b: {  	[tilespmem:s30+$0x4120] =	vst v0  }
0x4c: {  	[tilespmem:s30+$0x4130] =	vst v0  }
0x4d: {  	[tilespmem:s30+$0x4140] =	vst v0  }
0x4e: {  	[tilespmem:s30+$0x4150] =	vst v0  }
0x4f: {  	[tilespmem:s30+$0x4160] =	vst v0  }
0x50: {  	[spmem:s6] =	stream.linear.scatter [tilespmem:s19], [sflag:$0x2], $0x4000, $0x38;
	[tilespmem:$0x1C100] =	vst v63  }
0x51: {  	_ =	swait.ge [sflag:s20], $0x4000  }
0x52: {  	[sflag:s20] =	ssyncset.done $0x0  }
0x53: {  	[sflag:s20] =	ssyncadd.s32 $0xFFFFC000  }
0x54: {  	[spmem:s9] =	stream.linear.scatter [tilespmem:s19], [sflag:$0x2], $0x4000, $0x38;
	[tilespmem:$0x1C100] =	vst v63  }
0x55: {  	_ =	swait.ge [sflag:s20], $0x4000  }
0x56: {  	[sflag:s20] =	ssyncset.done $0x0  }
0x57: {  	[sflag:s20] =	ssyncadd.s32 $0xFFFFC000  }
0x58: {  	[spmem:s10] =	stream.linear.scatter [tilespmem:s19], [sflag:$0x2], $0x4000, $0x38;
	[tilespmem:$0x1C100] =	vst v63  }
0x59: {  	_ =	swait.ge [sflag:s20], $0x4000  }
0x5a: {  	[sflag:s20] =	ssyncset.done $0x0  }
0x5b: {  	[sflag:s20] =	ssyncadd.s32 $0xFFFFC000  }
0x5c: {  	[spmem:s11] =	stream.linear.scatter [tilespmem:s19], [sflag:$0x2], $0x4000, $0x38;
	[tilespmem:$0x1C100] =	vst v63  }
0x5d: {  	_ =	swait.ge [sflag:s20], $0x4000  }
0x5e: {  	[sflag:s20] =	ssyncset.done $0x0  }
0x5f: {  	[sflag:s20] =	ssyncadd.s32 $0xFFFFC000  }
0x60: {  	[spmem:s12] =	stream.linear.scatter [tilespmem:s19], [sflag:$0x2], $0x4000, $0x38;
	[tilespmem:$0x1C100] =	vst v63  }
.Ltmp3:
0x61: {  	_ =	swait.ge [sflag:s20], $0x4000;
	(pc) =	sbr.rel @!p0 .LBB2_4-.Ltmp3, $3  }
0x62: {  	[sflag:s20] =	ssyncset.done $0x0  }
0x63: {  	[sflag:s20] =	ssyncadd.s32 $0xFFFFC000  }
0x64: {  	[bflag:$0x0] =	sbarrier.arrive $0xFFFF;
	_ =	sdelay $0x1  }
0x65: {  	s0 =	sadd.s32 $0x0, s18  }
0x66: {  	[tilespmem:s3], [sflag:$0x2] =	stream.linear.gather [hbm4b:s0+s3], $0x80, $0x38;
	[tilespmem:$0x1C100] =	vst v63  }
0x67: {  	_ =	swait.ge [sflag:s20], $0x80  }
0x68: {  	[sflag:s20] =	ssyncset.done $0x0  }
0x69: {  	s7 =	sadd.s32 $0x0, s17;
	[sflag:s20] =	ssyncadd.s32 $0xFFFFFF80  }
0x6a: {  	[tilespmem:s21], [sflag:$0x2] =	stream.linear.gather [hbm4b:s7+s3], $0x80, $0x38;
	[tilespmem:$0x1C100] =	vst v63  }
0x6b: {  	_ =	swait.ge [sflag:s20], $0x80  }
0x6c: {  	[sflag:s20] =	ssyncset.done $0x0  }
0x6d: {  	[sflag:s20] =	ssyncadd.s32 $0xFFFFFF80  }
0x6e: {  	[tilespmem:s26], [sflag:$0x1] =	stream.indirect.gather [hbm4b:s5+s21], $0x80, s3, s21, $0xb8;
	[tilespmem:$0x1C100] =	vst v63  }
0x6f: {  	_ =	swait.ge [sflag:s28], $0x4000  }
0x70: {  	[sflag:s28] =	ssyncset.done $0x0  }
0x71: {  	[sflag:s28] =	ssyncadd.s32 $0xFFFFC000  }
0x72: {  	[spmem:s2] =	stream.indirect.scatter.add.f32 [tilespmem:s26], [sflag:$0x2], $0x80, s21, s21, $0xb8;
	[tilespmem:$0x1C100] =	vst v63  }
0x73: {  	_ =	swait.ge [sflag:s20], $0x4000  }
0x74: {  	s30 =	simm.s32 $0x10;
	s31 =	simm.s32 $0x20;
	[sflag:s20] =	ssyncset.done $0x0  }
.LBB2_8:
0x75: {  	s0 =	sadd.s32 s30, s18  }
0x76: {  	[sflag:s20] =	ssyncadd.s32 $0xFFFFC000;
	s1 =	smov.u32 s31;
	s7 =	sadd.s32 $0x10, s31  }
0x77: {  	[tilespmem:s3], [sflag:$0x2] =	stream.linear.gather [hbm4b:s0+s3], $0x80, $0x38;
	[tilespmem:$0x1C100] =	vst v63  }
0x78: {  	p1 =	sne.s32 s31, $0x9D0;
	_ =	swait.ge [sflag:s20], $0x80  }
0x79: {  	[sflag:s20] =	ssyncset.done $0x0  }
0x7a: {  	s0 =	sadd.s32 s30, s17;
	s30 =	smov.u32 s1;
	[sflag:s20] =	ssyncadd.s32 $0xFFFFFF80  }
0x7b: {  	[tilespmem:s21], [sflag:$0x2] =	stream.linear.gather [hbm4b:s0+s3], $0x80, $0x38;
	[tilespmem:$0x1C100] =	vst v63  }
0x7c: {  	_ =	swait.ge [sflag:s20], $0x80  }
0x7d: {  	[sflag:s20] =	ssyncset.done $0x0  }
0x7e: {  	[sflag:s20] =	ssyncadd.s32 $0xFFFFFF80  }
0x7f: {  	[tilespmem:s26], [sflag:$0x1] =	stream.indirect.gather [hbm4b:s5+s21], $0x80, s3, s21, $0xb8;
	[tilespmem:$0x1C100] =	vst v63  }
0x80: {  	_ =	swait.ge [sflag:s28], $0x4000  }
.Ltmp4:
0x81: {  	[sflag:s28] =	ssyncset.done $0x0;
	(pc) =	sbr.rel @p1 .LBB2_8-.Ltmp4, $4  }
0x82: {  	[sflag:s28] =	ssyncadd.s32 $0xFFFFC000  }
0x83: {  	[spmem:s2] =	stream.indirect.scatter.add.f32 [tilespmem:s26], [sflag:$0x2], $0x80, s21, s21, $0xb8;
	[tilespmem:$0x1C100] =	vst v63  }
0x84: {  	_ =	swait.ge [sflag:s20], $0x4000  }
0x85: {  	s31 =	smov.u32 s7;
	[sflag:s20] =	ssyncset.done $0x0  }
0x86: {  	s0 =	sadd.s32 s30, s18;
	[sflag:s20] =	ssyncadd.s32 $0xFFFFC000  }
0x87: {  	[tilespmem:s3], [sflag:$0x2] =	stream.linear.gather [hbm4b:s0+s3], $0x80, $0x38;
	[tilespmem:$0x1C100] =	vst v63  }
0x88: {  	_ =	swait.ge [sflag:s20], $0x80  }
0x89: {  	[sflag:s20] =	ssyncset.done $0x0  }
0x8a: {  	s31 =	sadd.s32 s30, s17;
	[sflag:s20] =	ssyncadd.s32 $0xFFFFFF80  }
0x8b: {  	[tilespmem:s21], [sflag:$0x2] =	stream.linear.gather [hbm4b:s31+s3], $0x80, $0x38;
	[tilespmem:$0x1C100] =	vst v63  }
0x8c: {  	_ =	swait.ge [sflag:s20], $0x80  }
0x8d: {  	[sflag:s20] =	ssyncset.done $0x0  }
0x8e: {  	[sflag:s20] =	ssyncadd.s32 $0xFFFFFF80  }
0x8f: {  	[tilespmem:s26], [sflag:$0x1] =	stream.indirect.gather [hbm4b:s5+s21], $0x80, s3, s21, $0xb8;
	[tilespmem:$0x1C100] =	vst v63  }
0x90: {  	_ =	swait.ge [sflag:s28], $0x4000  }
0x91: {  	[sflag:s28] =	ssyncset.done $0x0  }
.Ltmp5:
0x92: {  	[sflag:s28] =	ssyncadd.s32 $0xFFFFC000;
	(pc) =	sbr.rel .LBB2_10-.Ltmp5, $4  }
0x93: {  	[spmem:s2] =	stream.indirect.scatter.add.f32 [tilespmem:s26], [sflag:$0x2], $0x80, s21, s21, $0xb8;
	[tilespmem:$0x1C100] =	vst v63  }
0x94: {  	_ =	swait.ge [sflag:s20], $0x4000  }
0x95: {  	[sflag:s20] =	ssyncset.done $0x0  }
0x96: {  	[sflag:s20] =	ssyncadd.s32 $0xFFFFC000  }
.LBB2_4:
0x97: {  	s30 =	sadd.s32 $0x0, s18  }
0x98: {  	[tilespmem:s3], [sflag:$0x2] =	stream.linear.gather [hbm4b:s30+s3], $0x80, $0x38;
	[tilespmem:$0x1C100] =	vst v63  }
0x99: {  	_ =	swait.ge [sflag:s20], $0x80  }
0x9a: {  	[sflag:s20] =	ssyncset.done $0x0  }
0x9b: {  	s30 =	sadd.s32 $0x0, s17;
	[sflag:s20] =	ssyncadd.s32 $0xFFFFFF80  }
0x9c: {  	[tilespmem:s21], [sflag:$0x2] =	stream.linear.gather [hbm4b:s30+s3], $0x80, $0x38;
	[tilespmem:$0x1C100] =	vst v63  }
0x9d: {  	_ =	swait.ge [sflag:s20], $0x80  }
0x9e: {  	[sflag:s20] =	ssyncset.done $0x0  }
0x9f: {  	[sflag:s20] =	ssyncadd.s32 $0xFFFFFF80  }
0xa0: {  	[tilespmem:s26], [sflag:$0x1] =	stream.indirect.gather [hbm4b:s4+s21], $0x80, s3, s21, $0xb8;
	[tilespmem:$0x1C100] =	vst v63  }
0xa1: {  	_ =	swait.ge [sflag:s28], $0x4000  }
0xa2: {  	[sflag:s28] =	ssyncset.done $0x0  }
0xa3: {  	[sflag:s28] =	ssyncadd.s32 $0xFFFFC000  }
0xa4: {  	[spmem:s2] =	stream.indirect.scatter.add.f32 [tilespmem:s26], [sflag:$0x2], $0x80, s21, s21, $0xb8;
	[tilespmem:$0x1C100] =	vst v63  }
0xa5: {  	_ =	swait.ge [sflag:s20], $0x4000  }
0xa6: {  	s31 =	simm.s32 $0x20;
	s30 =	simm.s32 $0x10;
	[sflag:s20] =	ssyncset.done $0x0  }
.LBB2_5:
0xa7: {  	s0 =	sadd.s32 s30, s18  }
0xa8: {  	[sflag:s20] =	ssyncadd.s32 $0xFFFFC000;
	s1 =	smov.u32 s31;
	s7 =	sadd.s32 $0x10, s31  }
0xa9: {  	[tilespmem:s3], [sflag:$0x2] =	stream.linear.gather [hbm4b:s0+s3], $0x80, $0x38;
	[tilespmem:$0x1C100] =	vst v63  }
0xaa: {  	p1 =	seq.s32 s31, $0x9D0;
	_ =	swait.ge [sflag:s20], $0x80  }
0xab: {  	[sflag:s20] =	ssyncset.done $0x0  }
0xac: {  	s0 =	sadd.s32 s30, s17;
	s30 =	smov.u32 s1;
	[sflag:s20] =	ssyncadd.s32 $0xFFFFFF80  }
0xad: {  	[tilespmem:s21], [sflag:$0x2] =	stream.linear.gather [hbm4b:s0+s3], $0x80, $0x38;
	[tilespmem:$0x1C100] =	vst v63  }
0xae: {  	_ =	swait.ge [sflag:s20], $0x80  }
0xaf: {  	[sflag:s20] =	ssyncset.done $0x0  }
0xb0: {  	[sflag:s20] =	ssyncadd.s32 $0xFFFFFF80  }
0xb1: {  	[tilespmem:s26], [sflag:$0x1] =	stream.indirect.gather [hbm4b:s4+s21], $0x80, s3, s21, $0xb8;
	[tilespmem:$0x1C100] =	vst v63  }
0xb2: {  	_ =	swait.ge [sflag:s28], $0x4000  }
.Ltmp6:
0xb3: {  	[sflag:s28] =	ssyncset.done $0x0;
	(pc) =	sbr.rel @!p1 .LBB2_5-.Ltmp6, $4  }
0xb4: {  	[sflag:s28] =	ssyncadd.s32 $0xFFFFC000  }
0xb5: {  	[spmem:s2] =	stream.indirect.scatter.add.f32 [tilespmem:s26], [sflag:$0x2], $0x80, s21, s21, $0xb8;
	[tilespmem:$0x1C100] =	vst v63  }
0xb6: {  	_ =	swait.ge [sflag:s20], $0x4000  }
0xb7: {  	s31 =	smov.u32 s7;
	[sflag:s20] =	ssyncset.done $0x0  }
.Ltmp7:
0xb8: {  	_ = 	snop;
	(pc) =	sbr.rel .LBB2_6-.Ltmp7, $1  }
0xb9: {  	_ =	sdelay $0x3  }
.LBB2_11:
0xba: {  	_ =	sfence.sel $0x180000  }
0xbb: {  	[bflag:$0x0] =	sbarrier.arrive $0xFFFF  }
0xbc: {  	_ =	strace $0x9000004D  }
0xbd: {  	s0 =	stileid.u32;
	[bflag:$0x2] =	sbarrier.arrive $0xFFFF  }
0xbe: {  	p0 =	sne.s32 s0, $0x0;
	s0 =	rddreg [dreg:$0x2]  }
0xbf: {  	s0 =	sadd.s32 @!p0 $0x100000, s0  }
0xc0: {  	[sflag:s0] =	ssyncadd.tile.s32 @!p0 $0x1;
	_ =	shalt  }
.Lfunc_end2:
_tile_overlayer_lowered:
.L_overlay_start_2:
0xc1: {  	(tag) =	ssettag $0x2  }
0xc2: {  	s0 =	rddreg [dreg:$0x0];
	s2 =	stileid.u32  }
0xc3: {  	s1 =	rddreg [dreg:$0x1];
	p0 =	sne.s32 s2, $0x0  }
0xc4: {  	s3 =	rddreg [dreg:$0x2];
	[bflag:$0x3] =	sbarrier.arrive $0xFFFF;
	s2 =	simm.s32 @!p0 $0x1C02  }
0xc5: {  	[timem:s3], [sflag:s2] =	dma.local @!p0 [hbm:s0], s1  }
0xc6: {  	s0 =	simm.s32 @!p0 $0x2  }
0xc7: {  	_ =	swait.ge @!p0 [sflag:s0], s1  }
0xc8: {  	s1 =	ssub.s32 @!p0 $0x0, s1;
	[sflag:s0] =	ssyncset.done @!p0 $0x0  }
0xc9: {  	[sflag:s0] =	ssyncadd.s32 @!p0 s1  }
0xca: {  	[bflag:$0x3] =	sbarrier.arrive $0xFFFF  }
0xcb: {  	_ =	shalt  }

// kernel: kernel.20.cloned.1.call-start
scs
__scs_entry_jumppad:
0x0: {  	(pc) =	sbr.rel $0x88, $3  }
0x1: {  	(tag) =	ssettag $0x0;
	lr =	simm.s32 $0x1  }
0x2: {  	[smem:$0x3F96] =	sst lr;
	_ =	strace $0xD0000000  }
0x3: {  	_ = 	snop  }
0x4: {  	_ = 	snop  }
0x5: {  	_ = 	snop  }
0x6: {  	_ = 	snop  }
0x7: {  	_ = 	snop  }
__scs_overlays_trampoline_lowered:
0x8: {  	[smem:$0x3FA5] =	sst s0  }
0x9: {  	[smem:$0x3FA6] =	sst s1  }
0xa: {  	[smem:$0x3FA7] =	sst s2  }
0xb: {  	[smem:$0x3FA8] =	sst s3  }
0xc: {  	[smem:$0x3FA9] =	sst s4  }
0xd: {  	[smem:$0x3FAA] =	sst s5  }
0xe: {  	[smem:$0x3FAB] =	sst s6  }
0xf: {  	[smem:$0x3FAC] =	sst s7  }
0x10: {  	[smem:$0x3FAD] =	sst s8  }
0x11: {  	[smem:$0x3FAE] =	sst s9;
	s0 =	simm.s32 @!p0 $0x0  }
0x12: {  	s1 =	sld [smem:$0x3F94];
	s0 =	simm.s32 @p0 $0x1  }
0x13: {  	[smem:$0x3FAF] =	sst s0;
	s0 =	simm.s32 @!p1 $0x0  }
0x14: {  	s2 =	sld [smem:$0x3F93];
	s0 =	simm.s32 @p1 $0x1  }
0x15: {  	[smem:$0x3FB0] =	sst s0;
	s0 =	simm.s32 @!p2 $0x0  }
0x16: {  	s3 =	sld [smem:$0x3FDB];
	s0 =	simm.s32 @p2 $0x1  }
0x17: {  	s4 =	simm.s32 $0x1BF5;
	[smem:$0x3FB2] =	sst s0  }
0x18: {  	s0 =	sld [smem:$0x3F95];
	_ =	swait.ge [sflag:s4], $0x0  }
0x19: {  	s7 =	sld [smem:$0x3F96]  }
0x1a: {  	s8 =	sadd.s32 $0xFFFFE003, lr  }
0x1b: {  	s9 =	sadd.s32 $0xFFFFFEF7, lr;
	s5 =	simm.s32 $0xFFFFFFFF;
	p2 =	slt.u32 s8, $0xFFFFF086  }
0x1c: {  	p1 =	slt.u32 s9, $0xF7A;
	s5 =	simm.s32 @!p2 $0x0  }
0x1d: {  	s5 =	simm.s32 @p1 $0x1;
	p0 =	seq.s32 s7, s2  }
0x1e: {  	s7 =	smul.u32 @!p0 $0xF7A, s2;
	p2 =	seq.s32 @!p0 s5, $0x0  }
0x1f: {  	s9 =	smul.u32 $0xF7A, s1;
	s8 =	simm.s32 @!p0 $0x1BF5;
	p2 =	por !p2, p0  }
0x20: {  	[sflag:s8] =	ssyncset.s32 @!p0 $0xFFFFF086;
	s6 =	sadd.s32 @!p0 s3, s7;
	s7 =	simm.s32 @!p0 $0x108  }
0x21: {  	s3 =	sadd.s32 s3, s9;
	s6 =	sadd.s32 @!p0 $0x88, s6;
	s7 =	simm.s32 @p2 $0x1082  }
0x22: {  	[simem:s7], [sflag:s8] =	dma.local @!p0 [hbm:s6], $0xF7A  }
0x23: {  	s9 =	sor.u32 $0xD0000000, s2;
	s6 =	simm.s32 $0x108;
	_ =	swait.ge @!p0 [sflag:s8], $0x0  }
0x24: {  	s3 =	sadd.s32 $0x88, s3;
	s6 =	simm.s32 @!p1 $0x1082;
	[sflag:s4] =	ssyncset.s32 $0xFFFFF086  }
0x25: {  	[simem:s6], [sflag:s4] =	dma.local [hbm:s3], $0xF7A  }
0x26: {  	[smem:$0x3F96] =	sst s1;
	(tag) =	ssettag s2;
	_ =	strace s9  }
0x27: {  	s1 =	sld [smem:$0x3FA6]  }
0x28: {  	s2 =	sld [smem:$0x3FA7]  }
0x29: {  	s4 =	sld [smem:$0x3FA9]  }
0x2a: {  	p0 =	seq.s32 s5, $0x0;
	s5 =	sld [smem:$0x3FAA]  }
0x2b: {  	s6 =	sld [smem:$0x3FAB]  }
0x2c: {  	s7 =	sld [smem:$0x3FAC]  }
0x2d: {  	s3 =	simm.s32 $0x108;
	s8 =	sld [smem:$0x3FAD]  }
0x2e: {  	s3 =	simm.s32 @!p0 $0x1082;
	s9 =	sld [smem:$0x3FAE]  }
0x2f: {  	lr =	sadd.s32 s0, s3;
	s0 =	sld [smem:$0x3FA5]  }
0x30: {  	s3 =	sld [smem:$0x3FA8]  }
0x31: {  	[smem:$0x3FB1] =	sst s10  }
0x32: {  	s10 =	sld [smem:$0x3FAF];
	_ =	sdelay $0x3  }
0x33: {  	p0 =	seq.s32 s10, $0x1;
	s10 =	sld [smem:$0x3FB1];
	_ =	sdelay $0x3  }
0x34: {  	[smem:$0x3FB1] =	sst s10  }
0x35: {  	s10 =	sld [smem:$0x3FB0];
	_ =	sdelay $0x3  }
0x36: {  	p1 =	seq.s32 s10, $0x1;
	s10 =	sld [smem:$0x3FB1];
	_ =	sdelay $0x3  }
0x37: {  	[smem:$0x3FB1] =	sst s10  }
0x38: {  	s10 =	sld [smem:$0x3FB2]  }
0x39: {  	_ = 	snop;
	(pc) =	sbr.ind lr, $3  }
0x3a: {  	_ = 	snop  }
0x3b: {  	_ = 	snop  }
0x3c: {  	p2 =	seq.s32 s10, $0x1;
	s10 =	sld [smem:$0x3FB1]  }
0x3d: {  	_ =	shalt  }
0x3e: {  	_ =	shalt  }
0x3f: {  	_ =	shalt  }
0x40: {  	_ =	shalt  }
0x41: {  	_ =	shalt  }
0x42: {  	_ =	shalt  }
0x43: {  	_ =	shalt  }
0x44: {  	_ =	shalt  }
0x45: {  	_ =	shalt  }
0x46: {  	_ =	shalt  }
0x47: {  	_ =	shalt  }
0x48: {  	_ =	shalt  }
0x49: {  	_ =	shalt  }
0x4a: {  	_ =	shalt  }
0x4b: {  	_ =	shalt  }
0x4c: {  	_ =	shalt  }
0x4d: {  	_ =	shalt  }
0x4e: {  	_ =	shalt  }
0x4f: {  	_ =	shalt  }
0x50: {  	_ =	shalt  }
0x51: {  	_ =	shalt  }
0x52: {  	_ =	shalt  }
0x53: {  	_ =	shalt  }
0x54: {  	_ =	shalt  }
0x55: {  	_ =	shalt  }
0x56: {  	_ =	shalt  }
0x57: {  	_ =	shalt  }
0x58: {  	_ =	shalt  }
0x59: {  	_ =	shalt  }
0x5a: {  	_ =	shalt  }
0x5b: {  	_ =	shalt  }
0x5c: {  	_ =	shalt  }
0x5d: {  	_ =	shalt  }
0x5e: {  	_ =	shalt  }
0x5f: {  	_ =	shalt  }
0x60: {  	_ =	shalt  }
0x61: {  	_ =	shalt  }
0x62: {  	_ =	shalt  }
0x63: {  	_ =	shalt  }
0x64: {  	_ =	shalt  }
0x65: {  	_ =	shalt  }
0x66: {  	_ =	shalt  }
0x67: {  	_ =	shalt  }
0x68: {  	_ =	shalt  }
0x69: {  	_ =	shalt  }
0x6a: {  	_ =	shalt  }
0x6b: {  	_ =	shalt  }
0x6c: {  	_ =	shalt  }
0x6d: {  	_ =	shalt  }
0x6e: {  	_ =	shalt  }
0x6f: {  	_ =	shalt  }
0x70: {  	_ =	shalt  }
0x71: {  	_ =	shalt  }
0x72: {  	_ =	shalt  }
0x73: {  	_ =	shalt  }
0x74: {  	_ =	shalt  }
0x75: {  	_ =	shalt  }
0x76: {  	_ =	shalt  }
0x77: {  	_ =	shalt  }
0x78: {  	_ =	shalt  }
0x79: {  	_ =	shalt  }
0x7a: {  	_ =	shalt  }
0x7b: {  	_ =	shalt  }
0x7c: {  	_ =	shalt  }
0x7d: {  	_ =	shalt  }
0x7e: {  	_ =	shalt  }
0x7f: {  	_ =	shalt  }
0x80: {  	_ =	shalt  }
0x81: {  	_ =	shalt  }
0x82: {  	_ =	shalt  }
0x83: {  	_ =	shalt  }
0x84: {  	_ =	shalt  }
0x85: {  	_ =	shalt  }
0x86: {  	_ =	shalt  }
0x87: {  	_ =	shalt  }
.Lfunc_end0:
.L_simem_size_0:
called_computation.3_lowered:
.L_overlay_start_0:
0x88: {  	s2 =	sld [smem:$0x3FD9]  }
0x89: {  	s3 =	sld [smem:$0x3FFE];
	_ =	sdelay $0x1  }
0x8a: {  	s1 =	srdreg.scid  }
0x8b: {  	s0 =	sand.u32 $0x1, s1  }
0x8c: {  	s16 =	sshll.u32 s0, $0xA;
	s2 =	sadd.s32 s3, s2  }
0x8d: {  	s2 =	sadd.s32 s2, s16  }
0x8e: {  	[smem:$0x3FBD] =	sst s2  }
0x8f: {  	_ = 	snop  }
0x90: {  	(tm) =	ssettm $0x1  }
0x91: {  	s17 =	sld [smem:$0x3FFB];
	_ =	sdelay $0x3  }
0x92: {  	_ =	strace s17  }
0x93: {  	s2 =	sld [smem:$0x3FFC];
	_ =	sdelay $0x3  }
0x94: {  	_ =	strace s2  }
0x95: {  	s2 =	sld [smem:$0x3FFD];
	_ =	sdelay $0x3  }
0x96: {  	_ =	strace s2  }
0x97: {  	_ =	strace $0x8FFFFFFF  }
0x98: {  	s18 =	sld [smem:$0x3FDB];
	_ =	sdelay $0x1  }
0x99: {  	s19 =	simm.s32 $_scs_section_size  }
0x9a: {  	s4 =	simm.s32 $_size__tile_overlayer_lowered;
	s5 =	simm.s32 $_tile_overlayer_lowered  }
0x9b: {  	s22 =	simm.s32 $0x1BFF;
	s21 =	sshll.u32 s5, $0x1;
	s2 =	sadd.s32 s19, s18  }
0x9c: {  	s6 =	simm.s32 $0x0;
	s20 =	sshll.u32 s4, $0x1;
	s4 =	sadd.s32 s21, s2  }
0x9d: {  	[timem:s6], [sflag:s22] =	dma.local [hbm:s4], s20  }
0x9e: {  	_ =	swait.ge [sflag:s22], s20  }
0x9f: {  	s3 =	ssub.s32 $0x0, s20;
	[sflag:s22] =	ssyncset.done $0x0  }
0xa0: {  	[sflag:s22] =	ssyncadd.s32 s3;
	_ =	sdelay $0x1  }
0xa1: {  	s23 =	simm.s32 $0x1B8B  }
0xa2: {  	_ =	swait.ge [sflag:s23], $0x1  }
0xa3: {  	[sflag:s23] =	ssyncset.done $0x0  }
0xa4: {  	s25 =	simm.s32 $0x1B8E;
	s24 =	sld [smem:$0x3FFE];
	[sflag:s23] =	ssyncadd.s32 $0xFFFFFFFF  }
0xa5: {  	s26 =	simm.s32 $execute0_lowered;
	[smem:$0x3FD2] =	sst s25  }
0xa6: {  	s4 =	sshll.u32 s26, $0x1;
	_ =	strace $0x8000004F;
	[dreg:$0x1] =	wrdreg $0xFFFFFFFF  }
0xa7: {  	s28 =	simm.s32 $_size_execute0_lowered;
	s2 =	sadd.s32 s2, s4;
	[dreg:$0x0] =	wrdreg $0x0  }
0xa8: {  	s4 =	sshll.u32 s28, $0x1;
	[dreg:$0x2] =	wrdreg s2  }
0xa9: {  	[dreg:$0x3] =	wrdreg s4  }
0xaa: {  	[dreg:$0x4] =	wrdreg $0xC0  }
0xab: {  	_ =	task [dreg:s6], $0x5FFFF  }
0xac: {  	[dreg:$0x1] =	wrdreg $0xFFFFFFFF  }
0xad: {  	[dreg:$0x0] =	wrdreg $0x60  }
0xae: {  	[dreg:$0x2] =	wrdreg s24  }
0xaf: {  	[dreg:$0x3] =	wrdreg $0x81000  }
0xb0: {  	[dreg:$0x4] =	wrdreg $0x9  }
0xb1: {  	_ =	task.clear_ibuf [dreg:s6], $0x5FFFF;
	_ =	strace $0x9000004F  }
0xb2: {  	s29 =	simm.s32 $0x9;
	_ =	strace $0x80000051  }
0xb3: {  	_ =	swait.ge [sflag:s29], $0x1  }
0xb4: {  	[sflag:s29] =	ssyncadd.s32 $0xFFFFFFFF  }
0xb5: {  	_ =	strace $0x90000051  }
0xb6: {  	_ =	sfence  }
0xb7: {  	s30 =	sld [smem:$0x0];
	_ =	sdelay $0x2  }
0xb8: {  	s31 =	sshll.u32 s1, $0xD;
	s1 =	sshrl.u32 s1, $0x2  }
0xb9: {  	s3 =	sand.u32 $0x4000, s31;
	s1 =	sadd.s32 s1, s30  }
0xba: {  	s0 =	sor.u32 s3, s0;
	s1 =	sshll.u32 s1, $0x11  }
0xbb: {  	s0 =	sor.u32 s1, s0  }
0xbc: {  	s0 =	sadd.s32 $0x8F2B, s0  }
0xbd: {  	[sflag:s0] =	ssyncadd.remote.s32 $0x1  }
0xbe: {  	_ =	sfence.sel $0xFFFF  }
0xbf: {  	[dreg:$0x0] =	wrdreg $0xFFFFFFFF;
	(pc) =	sbr.abs _section_cstart, $3  }
0xc0: {  	[dreg:$0x1] =	wrdreg $0xFFFFFFFF  }
0xc1: {  	_ =	task.clear_ibuf [dreg:s6], $0x2FFFF;
	_ =	strace $0x9FFFFFFF  }
0xc2: {  	(tm) =	ssettm $0x7FFFFFFF  }
0xc3: {  	_ =	shalt  }
tec
execute0_lowered:
.L_overlay_start_1:
0x0: {  	(tag) =	ssettag $0x1  }
0x1: {  	s5 =	rddreg [dreg:$0x0]  }
0x2: {  	s2 =	rddreg [dreg:$0x1];
	s0 =	stileid.u32  }
0x3: {  	s4 =	srdreg.scid;
	s6 =	smul.u32 $0x9E0, s0  }
0x4: {  	s3 =	simm.s32 $0x0;
	s28 =	simm.s32 $0x0;
	s16 =	smul.u32 $0x14000, s0  }
0x5: {  	s14 =	sand.u32 $0x1, s4;
	[smem:$0x7FF] =	sst s3;
	s26 =	smul.u32 $0x50000, s0  }
0x6: {  	s4 =	sadd.s32 $0xDA00, s5;
	s18 =	sadd.s32 $0x68E00, s5;
	s15 =	smul.u32 $0x140000, s14  }
0x7: {  	_ =	strace $0x80000050;
	s29 =	ssub.s32 $0x2, s14;
	s21 =	smul.u32 $0x4F0, s14  }
0x8: {  	s17 =	sadd.s32 s6, s5;
	s8 =	sshrl.u32 s29, $0x1;
	s6 =	sshrl.u32 s26, $0x2  }
0x9: {  	s13 =	sadd.s32 $0x4000, s16;
	s19 =	sadd.s32 $0x8000, s16;
	s30 =	sadd.s32 $0xC000, s16  }
0xa: {  	s26 =	simm.s32 $0x1;
	s7 =	sadd.s32 s15, s16;
	s8 =	ssub.s32 s29, s8  }
0xb: {  	s5 =	sadd.s32 s6, s2;
	s11 =	sadd.s32 s15, s13;
	s20 =	sadd.s32 s15, s19  }
0xc: {  	s22 =	sadd.s32 s13, s2;
	s23 =	sadd.s32 s19, s2;
	s31 =	sadd.s32 s15, s30  }
0xd: {  	s16 =	sadd.s32 $0x10000, s16;
	s24 =	sadd.s32 s30, s2;
	s17 =	sadd.s32 s21, s17  }
0xe: {  	s21 =	simm.s32 $0x100;
	s7 =	sshrl.u32 s7, $0x3;
	s9 =	sadd.s32 $0x8000, s5  }
0xf: {  	s10 =	sadd.s32 $0xC000, s5;
	s12 =	sshrl.u32 s11, $0x3;
	s11 =	sadd.s32 $0x10000, s5  }
0x10: {  	s20 =	sshrl.u32 s20, $0x3;
	s19 =	sshrl.u32 s31, $0x3;
	s15 =	sadd.s32 s15, s16  }
0x11: {  	s25 =	sadd.s32 s16, s2;
	s16 =	sadd.s32 $0x3C00, s17;
	s17 =	sadd.s32 $0x5F000, s17  }
0x12: {  	s22 =	sshrl.u32 s22, $0x3;
	s23 =	sshrl.u32 s23, $0x3;
	s24 =	sshrl.u32 s24, $0x3  }
0x13: {  	s6 =	sadd.s32 s18, s7;
	s7 =	smax.u32 s8, $0x1;
	s8 =	sadd.s32 $0x4000, s5  }
0x14: {  	s12 =	sadd.s32 s18, s12;
	s13 =	sadd.s32 s18, s20;
	s14 =	sadd.s32 s18, s19  }
0x15: {  	s15 =	sshrl.u32 s15, $0x3;
	s19 =	simm.s32 $0x2;
	s20 =	simm.s32 $0x80  }
0x16: {  	v0 =	vimm.f32 $0.0e+00;
	s25 =	sshrl.u32 s25, $0x3;
	s15 =	sadd.s32 s18, s15;
	s18 =	simm.s32 $0x4100  }
.LBB2_1:
0x17: {  	s29 =	simm.s32 $0x0;
	s30 =	simm.s32 $0x200  }
.LBB2_2:
0x18: {  	p0 =	sne.s32 s30, $0xFE00;
	[tilespmem:s29+$0x4170] =	vst v0  }
0x19: {  	[tilespmem:s29+$0x4100] =	vst v0  }
0x1a: {  	[tilespmem:s29+$0x4110] =	vst v0  }
.Ltmp0:
0x1b: {  	[tilespmem:s29+$0x4120] =	vst v0;
	(pc) =	sbr.rel @p0 .LBB2_2-.Ltmp0, $4  }
0x1c: {  	[tilespmem:s29+$0x4130] =	vst v0  }
0x1d: {  	[tilespmem:s29+$0x4140] =	vst v0  }
0x1e: {  	[tilespmem:s29+$0x4150] =	vst v0  }
0x1f: {  	[tilespmem:s29+$0x4160] =	vst v0;
	s29 =	sshra.s32 s30, $0x2;
	s30 =	sadd.s32 $0x200, s30  }
0x20: {  	[tilespmem:s29+$0x4170] =	vst v0  }
0x21: {  	[tilespmem:s29+$0x4100] =	vst v0  }
0x22: {  	[tilespmem:s29+$0x4110] =	vst v0  }
0x23: {  	[tilespmem:s29+$0x4120] =	vst v0  }
0x24: {  	[tilespmem:s29+$0x4130] =	vst v0  }
0x25: {  	[tilespmem:s29+$0x4140] =	vst v0  }
0x26: {  	[tilespmem:s29+$0x4150] =	vst v0  }
0x27: {  	[tilespmem:s29+$0x4160] =	vst v0  }
0x28: {  	[spmem:s5] =	stream.linear.scatter [tilespmem:s18], [sflag:$0x2], $0x4000, $0x38;
	[tilespmem:$0x1C100] =	vst v63  }
0x29: {  	_ =	swait.ge [sflag:s19], $0x4000  }
0x2a: {  	[sflag:s19] =	ssyncset.done $0x0  }
0x2b: {  	[sflag:s19] =	ssyncadd.s32 $0xFFFFC000  }
0x2c: {  	[spmem:s8] =	stream.linear.scatter [tilespmem:s18], [sflag:$0x2], $0x4000, $0x38;
	[tilespmem:$0x1C100] =	vst v63  }
0x2d: {  	_ =	swait.ge [sflag:s19], $0x4000  }
0x2e: {  	[sflag:s19] =	ssyncset.done $0x0  }
0x2f: {  	[sflag:s19] =	ssyncadd.s32 $0xFFFFC000  }
0x30: {  	[spmem:s9] =	stream.linear.scatter [tilespmem:s18], [sflag:$0x2], $0x4000, $0x38;
	[tilespmem:$0x1C100] =	vst v63  }
0x31: {  	_ =	swait.ge [sflag:s19], $0x4000  }
0x32: {  	[sflag:s19] =	ssyncset.done $0x0  }
0x33: {  	[sflag:s19] =	ssyncadd.s32 $0xFFFFC000  }
0x34: {  	[spmem:s10] =	stream.linear.scatter [tilespmem:s18], [sflag:$0x2], $0x4000, $0x38;
	[tilespmem:$0x1C100] =	vst v63  }
0x35: {  	_ =	swait.ge [sflag:s19], $0x4000  }
0x36: {  	[sflag:s19] =	ssyncset.done $0x0  }
0x37: {  	[sflag:s19] =	ssyncadd.s32 $0xFFFFC000  }
0x38: {  	[spmem:s11] =	stream.linear.scatter [tilespmem:s18], [sflag:$0x2], $0x4000, $0x38;
	[tilespmem:$0x1C100] =	vst v63  }
0x39: {  	_ =	swait.ge [sflag:s19], $0x4000  }
0x3a: {  	[sflag:s19] =	ssyncset.done $0x0  }
0x3b: {  	[sflag:s19] =	ssyncadd.s32 $0xFFFFC000  }
0x3c: {  	s29 =	sadd.s32 $0x0, s17;
	[bflag:$0x0] =	sbarrier.arrive $0xFFFF  }
0x3d: {  	[tilespmem:s3], [sflag:$0x2] =	stream.linear.gather [hbm4b:s29+s3], $0x80, $0x38;
	[tilespmem:$0x1C100] =	vst v63  }
0x3e: {  	_ =	swait.ge [sflag:s19], $0x80  }
0x3f: {  	[sflag:s19] =	ssyncset.done $0x0  }
0x40: {  	s29 =	sadd.s32 $0x0, s16;
	[sflag:s19] =	ssyncadd.s32 $0xFFFFFF80  }
0x41: {  	[tilespmem:s20], [sflag:$0x2] =	stream.linear.gather [hbm4b:s29+s3], $0x80, $0x38;
	[tilespmem:$0x1C100] =	vst v63  }
0x42: {  	_ =	swait.ge [sflag:s19], $0x80  }
0x43: {  	[sflag:s19] =	ssyncset.done $0x0  }
0x44: {  	[sflag:s19] =	ssyncadd.s32 $0xFFFFFF80  }
0x45: {  	[tilespmem:s21], [sflag:$0x1] =	stream.indirect.gather [hbm4b:s4+s20], $0x80, s3, s20, $0xb8;
	[tilespmem:$0x1C100] =	vst v63  }
0x46: {  	_ =	swait.ge [sflag:s26], $0x4000  }
0x47: {  	[sflag:s26] =	ssyncset.done $0x0  }
0x48: {  	[sflag:s26] =	ssyncadd.s32 $0xFFFFC000  }
0x49: {  	[spmem:s2] =	stream.indirect.scatter.add.f32 [tilespmem:s21], [sflag:$0x2], $0x80, s20, s20, $0xb8;
	[tilespmem:$0x1C100] =	vst v63  }
0x4a: {  	_ =	swait.ge [sflag:s19], $0x4000  }
0x4b: {  	s30 =	simm.s32 $0x20;
	s29 =	simm.s32 $0x10;
	[sflag:s19] =	ssyncset.done $0x0  }
.LBB2_4:
0x4c: {  	s31 =	sadd.s32 s29, s17  }
0x4d: {  	[sflag:s19] =	ssyncadd.s32 $0xFFFFC000;
	s0 =	smov.u32 s30;
	s1 =	sadd.s32 $0x10, s30  }
0x4e: {  	[tilespmem:s3], [sflag:$0x2] =	stream.linear.gather [hbm4b:s31+s3], $0x80, $0x38;
	[tilespmem:$0x1C100] =	vst v63  }
0x4f: {  	p0 =	sne.s32 s30, $0x4E0;
	_ =	swait.ge [sflag:s19], $0x80  }
0x50: {  	[sflag:s19] =	ssyncset.done $0x0  }
0x51: {  	s30 =	sadd.s32 s29, s16;
	s29 =	smov.u32 s0;
	[sflag:s19] =	ssyncadd.s32 $0xFFFFFF80  }
0x52: {  	[tilespmem:s20], [sflag:$0x2] =	stream.linear.gather [hbm4b:s30+s3], $0x80, $0x38;
	[tilespmem:$0x1C100] =	vst v63  }
0x53: {  	_ =	swait.ge [sflag:s19], $0x80  }
0x54: {  	[sflag:s19] =	ssyncset.done $0x0  }
0x55: {  	[sflag:s19] =	ssyncadd.s32 $0xFFFFFF80  }
0x56: {  	[tilespmem:s21], [sflag:$0x1] =	stream.indirect.gather [hbm4b:s4+s20], $0x80, s3, s20, $0xb8;
	[tilespmem:$0x1C100] =	vst v63  }
0x57: {  	_ =	swait.ge [sflag:s26], $0x4000  }
.Ltmp1:
0x58: {  	[sflag:s26] =	ssyncset.done $0x0;
	(pc) =	sbr.rel @p0 .LBB2_4-.Ltmp1, $4  }
0x59: {  	[sflag:s26] =	ssyncadd.s32 $0xFFFFC000  }
0x5a: {  	[spmem:s2] =	stream.indirect.scatter.add.f32 [tilespmem:s21], [sflag:$0x2], $0x80, s20, s20, $0xb8;
	[tilespmem:$0x1C100] =	vst v63  }
0x5b: {  	_ =	swait.ge [sflag:s19], $0x4000  }
0x5c: {  	s30 =	smov.u32 s1;
	[sflag:s19] =	ssyncset.done $0x0  }
0x5d: {  	s0 =	sadd.s32 s29, s17;
	[sflag:s19] =	ssyncadd.s32 $0xFFFFC000  }
0x5e: {  	[tilespmem:s3], [sflag:$0x2] =	stream.linear.gather [hbm4b:s0+s3], $0x80, $0x38;
	[tilespmem:$0x1C100] =	vst v63  }
0x5f: {  	_ =	swait.ge [sflag:s19], $0x80  }
0x60: {  	[sflag:s19] =	ssyncset.done $0x0  }
0x61: {  	s30 =	sadd.s32 s29, s16;
	[sflag:s19] =	ssyncadd.s32 $0xFFFFFF80  }
0x62: {  	[tilespmem:s20], [sflag:$0x2] =	stream.linear.gather [hbm4b:s30+s3], $0x80, $0x38;
	[tilespmem:$0x1C100] =	vst v63  }
0x63: {  	_ =	swait.ge [sflag:s19], $0x80  }
0x64: {  	[sflag:s19] =	ssyncset.done $0x0  }
0x65: {  	[sflag:s19] =	ssyncadd.s32 $0xFFFFFF80  }
0x66: {  	[tilespmem:s21], [sflag:$0x1] =	stream.indirect.gather [hbm4b:s4+s20], $0x80, s3, s20, $0xb8;
	[tilespmem:$0x1C100] =	vst v63  }
0x67: {  	_ =	swait.ge [sflag:s26], $0x4000  }
0x68: {  	[sflag:s26] =	ssyncset.done $0x0  }
0x69: {  	[sflag:s26] =	ssyncadd.s32 $0xFFFFC000  }
0x6a: {  	[spmem:s2] =	stream.indirect.scatter.add.f32 [tilespmem:s21], [sflag:$0x2], $0x80, s20, s20, $0xb8;
	[tilespmem:$0x1C100] =	vst v63  }
0x6b: {  	_ =	swait.ge [sflag:s19], $0x4000  }
0x6c: {  	s31 =	stileid.u32;
	[sflag:s19] =	ssyncset.done $0x0  }
0x6d: {  	s0 =	sshll.u32 s31, $0x6;
	[sflag:s19] =	ssyncadd.s32 $0xFFFFC000  }
0x6e: {  	s1 =	sshrl.u32 s5, $0x3;
	s0 =	sor.u32 $0x1C02, s0;
	[bflag:$0x0] =	sbarrier.arrive $0xFFFF  }
0x6f: {  	[hbm:s6], [sflag:s0] =	dma.local [spmem:s1], $0x800  }
0x70: {  	_ =	swait.ge [sflag:s19], $0x800  }
0x71: {  	[sflag:s19] =	ssyncset.done $0x0  }
0x72: {  	[sflag:s19] =	ssyncadd.s32 $0xFFFFF800  }
0x73: {  	[hbm:s12], [sflag:s0] =	dma.local [spmem:s22], $0x800  }
0x74: {  	_ =	swait.ge [sflag:s19], $0x800  }
0x75: {  	[sflag:s19] =	ssyncset.done $0x0  }
0x76: {  	[sflag:s19] =	ssyncadd.s32 $0xFFFFF800  }
0x77: {  	[hbm:s13], [sflag:s0] =	dma.local [spmem:s23], $0x800  }
0x78: {  	_ =	swait.ge [sflag:s19], $0x800  }
0x79: {  	[sflag:s19] =	ssyncset.done $0x0  }
0x7a: {  	[sflag:s19] =	ssyncadd.s32 $0xFFFFF800  }
0x7b: {  	[hbm:s14], [sflag:s0] =	dma.local [spmem:s24], $0x800  }
0x7c: {  	s28 =	sadd.s32 $0x1, s28;
	_ =	swait.ge [sflag:s19], $0x800  }
0x7d: {  	p0 =	sne.s32 s28, s7;
	[sflag:s19] =	ssyncset.done $0x0  }
.Ltmp2:
0x7e: {  	[sflag:s19] =	ssyncadd.s32 $0xFFFFF800;
	(pc) =	sbr.rel @p0 .LBB2_1-.Ltmp2, $4  }
0x7f: {  	[hbm:s15], [sflag:s0] =	dma.local [spmem:s25], $0x800  }
0x80: {  	_ =	swait.ge [sflag:s19], $0x800  }
0x81: {  	[sflag:s19] =	ssyncset.done $0x0  }
0x82: {  	[sflag:s19] =	ssyncadd.s32 $0xFFFFF800  }
0x83: {  	_ =	sfence.sel $0x180000  }
0x84: {  	[bflag:$0x0] =	sbarrier.arrive $0xFFFF  }
0x85: {  	_ =	strace $0x90000050  }
0x86: {  	s0 =	stileid.u32;
	[bflag:$0x2] =	sbarrier.arrive $0xFFFF  }
0x87: {  	p0 =	sne.s32 s0, $0x0;
	s0 =	rddreg [dreg:$0x2]  }
0x88: {  	s0 =	sadd.s32 @!p0 $0x100000, s0  }
0x89: {  	[sflag:s0] =	ssyncadd.tile.s32 @!p0 $0x1;
	_ =	shalt  }
.Lfunc_end2:
_tile_overlayer_lowered:
.L_overlay_start_2:
0x8a: {  	(tag) =	ssettag $0x2  }
0x8b: {  	s0 =	rddreg [dreg:$0x0];
	s2 =	stileid.u32  }
0x8c: {  	s1 =	rddreg [dreg:$0x1];
	p0 =	sne.s32 s2, $0x0  }
0x8d: {  	s3 =	rddreg [dreg:$0x2];
	[bflag:$0x3] =	sbarrier.arrive $0xFFFF;
	s2 =	simm.s32 @!p0 $0x1C02  }
0x8e: {  	[timem:s3], [sflag:s2] =	dma.local @!p0 [hbm:s0], s1  }
0x8f: {  	s0 =	simm.s32 @!p0 $0x2  }
0x90: {  	_ =	swait.ge @!p0 [sflag:s0], s1  }
0x91: {  	s1 =	ssub.s32 @!p0 $0x0, s1;
	[sflag:s0] =	ssyncset.done @!p0 $0x0  }
0x92: {  	[sflag:s0] =	ssyncadd.s32 @!p0 s1  }
0x93: {  	[bflag:$0x3] =	sbarrier.arrive $0xFFFF  }
0x94: {  	_ =	shalt  }

// kernel: kernel.23.cloned.1.call-start
scs
__scs_entry_jumppad:
0x0: {  	(pc) =	sbr.rel $0x88, $3  }
0x1: {  	(tag) =	ssettag $0x0;
	lr =	simm.s32 $0x1  }
0x2: {  	[smem:$0x3F96] =	sst lr;
	_ =	strace $0xD0000000  }
0x3: {  	_ = 	snop  }
0x4: {  	_ = 	snop  }
0x5: {  	_ = 	snop  }
0x6: {  	_ = 	snop  }
0x7: {  	_ = 	snop  }
__scs_overlays_trampoline_lowered:
0x8: {  	[smem:$0x3FA5] =	sst s0  }
0x9: {  	[smem:$0x3FA6] =	sst s1  }
0xa: {  	[smem:$0x3FA7] =	sst s2  }
0xb: {  	[smem:$0x3FA8] =	sst s3  }
0xc: {  	[smem:$0x3FA9] =	sst s4  }
0xd: {  	[smem:$0x3FAA] =	sst s5  }
0xe: {  	[smem:$0x3FAB] =	sst s6  }
0xf: {  	[smem:$0x3FAC] =	sst s7  }
0x10: {  	[smem:$0x3FAD] =	sst s8  }
0x11: {  	[smem:$0x3FAE] =	sst s9;
	s0 =	simm.s32 @!p0 $0x0  }
0x12: {  	s1 =	sld [smem:$0x3F94];
	s0 =	simm.s32 @p0 $0x1  }
0x13: {  	[smem:$0x3FAF] =	sst s0;
	s0 =	simm.s32 @!p1 $0x0  }
0x14: {  	s2 =	sld [smem:$0x3F93];
	s0 =	simm.s32 @p1 $0x1  }
0x15: {  	[smem:$0x3FB0] =	sst s0;
	s0 =	simm.s32 @!p2 $0x0  }
0x16: {  	s3 =	sld [smem:$0x3FDB];
	s0 =	simm.s32 @p2 $0x1  }
0x17: {  	s4 =	simm.s32 $0x1BF5;
	[smem:$0x3FB2] =	sst s0  }
0x18: {  	s0 =	sld [smem:$0x3F95];
	_ =	swait.ge [sflag:s4], $0x0  }
0x19: {  	s7 =	sld [smem:$0x3F96]  }
0x1a: {  	s8 =	sadd.s32 $0xFFFFE003, lr  }
0x1b: {  	s9 =	sadd.s32 $0xFFFFFEF7, lr;
	s5 =	simm.s32 $0xFFFFFFFF;
	p2 =	slt.u32 s8, $0xFFFFF086  }
0x1c: {  	p1 =	slt.u32 s9, $0xF7A;
	s5 =	simm.s32 @!p2 $0x0  }
0x1d: {  	s5 =	simm.s32 @p1 $0x1;
	p0 =	seq.s32 s7, s2  }
0x1e: {  	s7 =	smul.u32 @!p0 $0xF7A, s2;
	p2 =	seq.s32 @!p0 s5, $0x0  }
0x1f: {  	s9 =	smul.u32 $0xF7A, s1;
	s8 =	simm.s32 @!p0 $0x1BF5;
	p2 =	por !p2, p0  }
0x20: {  	[sflag:s8] =	ssyncset.s32 @!p0 $0xFFFFF086;
	s6 =	sadd.s32 @!p0 s3, s7;
	s7 =	simm.s32 @!p0 $0x108  }
0x21: {  	s3 =	sadd.s32 s3, s9;
	s6 =	sadd.s32 @!p0 $0x88, s6;
	s7 =	simm.s32 @p2 $0x1082  }
0x22: {  	[simem:s7], [sflag:s8] =	dma.local @!p0 [hbm:s6], $0xF7A  }
0x23: {  	s9 =	sor.u32 $0xD0000000, s2;
	s6 =	simm.s32 $0x108;
	_ =	swait.ge @!p0 [sflag:s8], $0x0  }
0x24: {  	s3 =	sadd.s32 $0x88, s3;
	s6 =	simm.s32 @!p1 $0x1082;
	[sflag:s4] =	ssyncset.s32 $0xFFFFF086  }
0x25: {  	[simem:s6], [sflag:s4] =	dma.local [hbm:s3], $0xF7A  }
0x26: {  	[smem:$0x3F96] =	sst s1;
	(tag) =	ssettag s2;
	_ =	strace s9  }
0x27: {  	s1 =	sld [smem:$0x3FA6]  }
0x28: {  	s2 =	sld [smem:$0x3FA7]  }
0x29: {  	s4 =	sld [smem:$0x3FA9]  }
0x2a: {  	p0 =	seq.s32 s5, $0x0;
	s5 =	sld [smem:$0x3FAA]  }
0x2b: {  	s6 =	sld [smem:$0x3FAB]  }
0x2c: {  	s7 =	sld [smem:$0x3FAC]  }
0x2d: {  	s3 =	simm.s32 $0x108;
	s8 =	sld [smem:$0x3FAD]  }
0x2e: {  	s3 =	simm.s32 @!p0 $0x1082;
	s9 =	sld [smem:$0x3FAE]  }
0x2f: {  	lr =	sadd.s32 s0, s3;
	s0 =	sld [smem:$0x3FA5]  }
0x30: {  	s3 =	sld [smem:$0x3FA8]  }
0x31: {  	[smem:$0x3FB1] =	sst s10  }
0x32: {  	s10 =	sld [smem:$0x3FAF];
	_ =	sdelay $0x3  }
0x33: {  	p0 =	seq.s32 s10, $0x1;
	s10 =	sld [smem:$0x3FB1];
	_ =	sdelay $0x3  }
0x34: {  	[smem:$0x3FB1] =	sst s10  }
0x35: {  	s10 =	sld [smem:$0x3FB0];
	_ =	sdelay $0x3  }
0x36: {  	p1 =	seq.s32 s10, $0x1;
	s10 =	sld [smem:$0x3FB1];
	_ =	sdelay $0x3  }
0x37: {  	[smem:$0x3FB1] =	sst s10  }
0x38: {  	s10 =	sld [smem:$0x3FB2]  }
0x39: {  	_ = 	snop;
	(pc) =	sbr.ind lr, $3  }
0x3a: {  	_ = 	snop  }
0x3b: {  	_ = 	snop  }
0x3c: {  	p2 =	seq.s32 s10, $0x1;
	s10 =	sld [smem:$0x3FB1]  }
0x3d: {  	_ =	shalt  }
0x3e: {  	_ =	shalt  }
0x3f: {  	_ =	shalt  }
0x40: {  	_ =	shalt  }
0x41: {  	_ =	shalt  }
0x42: {  	_ =	shalt  }
0x43: {  	_ =	shalt  }
0x44: {  	_ =	shalt  }
0x45: {  	_ =	shalt  }
0x46: {  	_ =	shalt  }
0x47: {  	_ =	shalt  }
0x48: {  	_ =	shalt  }
0x49: {  	_ =	shalt  }
0x4a: {  	_ =	shalt  }
0x4b: {  	_ =	shalt  }
0x4c: {  	_ =	shalt  }
0x4d: {  	_ =	shalt  }
0x4e: {  	_ =	shalt  }
0x4f: {  	_ =	shalt  }
0x50: {  	_ =	shalt  }
0x51: {  	_ =	shalt  }
0x52: {  	_ =	shalt  }
0x53: {  	_ =	shalt  }
0x54: {  	_ =	shalt  }
0x55: {  	_ =	shalt  }
0x56: {  	_ =	shalt  }
0x57: {  	_ =	shalt  }
0x58: {  	_ =	shalt  }
0x59: {  	_ =	shalt  }
0x5a: {  	_ =	shalt  }
0x5b: {  	_ =	shalt  }
0x5c: {  	_ =	shalt  }
0x5d: {  	_ =	shalt  }
0x5e: {  	_ =	shalt  }
0x5f: {  	_ =	shalt  }
0x60: {  	_ =	shalt  }
0x61: {  	_ =	shalt  }
0x62: {  	_ =	shalt  }
0x63: {  	_ =	shalt  }
0x64: {  	_ =	shalt  }
0x65: {  	_ =	shalt  }
0x66: {  	_ =	shalt  }
0x67: {  	_ =	shalt  }
0x68: {  	_ =	shalt  }
0x69: {  	_ =	shalt  }
0x6a: {  	_ =	shalt  }
0x6b: {  	_ =	shalt  }
0x6c: {  	_ =	shalt  }
0x6d: {  	_ =	shalt  }
0x6e: {  	_ =	shalt  }
0x6f: {  	_ =	shalt  }
0x70: {  	_ =	shalt  }
0x71: {  	_ =	shalt  }
0x72: {  	_ =	shalt  }
0x73: {  	_ =	shalt  }
0x74: {  	_ =	shalt  }
0x75: {  	_ =	shalt  }
0x76: {  	_ =	shalt  }
0x77: {  	_ =	shalt  }
0x78: {  	_ =	shalt  }
0x79: {  	_ =	shalt  }
0x7a: {  	_ =	shalt  }
0x7b: {  	_ =	shalt  }
0x7c: {  	_ =	shalt  }
0x7d: {  	_ =	shalt  }
0x7e: {  	_ =	shalt  }
0x7f: {  	_ =	shalt  }
0x80: {  	_ =	shalt  }
0x81: {  	_ =	shalt  }
0x82: {  	_ =	shalt  }
0x83: {  	_ =	shalt  }
0x84: {  	_ =	shalt  }
0x85: {  	_ =	shalt  }
0x86: {  	_ =	shalt  }
0x87: {  	_ =	shalt  }
.Lfunc_end0:
.L_simem_size_0:
called_computation.4_lowered:
.L_overlay_start_0:
0x88: {  	s2 =	sld [smem:$0x3FD9]  }
0x89: {  	s3 =	sld [smem:$0x3FFE];
	_ =	sdelay $0x1  }
0x8a: {  	s1 =	srdreg.scid  }
0x8b: {  	s0 =	sand.u32 $0x1, s1  }
0x8c: {  	s17 =	sshll.u32 s0, $0xA;
	s2 =	sadd.s32 s3, s2  }
0x8d: {  	s2 =	sadd.s32 s2, s17  }
0x8e: {  	[smem:$0x3FBD] =	sst s2  }
0x8f: {  	_ = 	snop  }
0x90: {  	s2 =	sld [smem:$0x3FC1]  }
0x91: {  	s18 =	sld [smem:$0x3FD0];
	(tm) =	ssettm $0x1  }
0x92: {  	s4 =	sld [smem:$0x3FFB];
	_ =	sdelay $0x3  }
0x93: {  	_ =	strace s4  }
0x94: {  	s4 =	sld [smem:$0x3FFC];
	_ =	sdelay $0x3  }
0x95: {  	_ =	strace s4  }
0x96: {  	s4 =	sld [smem:$0x3FFD];
	_ =	sdelay $0x3  }
0x97: {  	_ =	strace s4  }
0x98: {  	_ =	strace $0x8FFFFFFF  }
0x99: {  	s19 =	sld [smem:$0x3FDB];
	_ =	sdelay $0x1  }
0x9a: {  	s5 =	simm.s32 $_scs_section_size  }
0x9b: {  	s6 =	simm.s32 $_size__tile_overlayer_lowered;
	s7 =	simm.s32 $_tile_overlayer_lowered  }
0x9c: {  	s22 =	simm.s32 $0x1BFF;
	s21 =	sshll.u32 s7, $0x1;
	s4 =	sadd.s32 s5, s19  }
0x9d: {  	s8 =	simm.s32 $0x0;
	s20 =	sshll.u32 s6, $0x1;
	s6 =	sadd.s32 s21, s4  }
0x9e: {  	[timem:s8], [sflag:s22] =	dma.local [hbm:s6], s20  }
0x9f: {  	_ =	swait.ge [sflag:s22], s20  }
0xa0: {  	s5 =	ssub.s32 $0x0, s20;
	[sflag:s22] =	ssyncset.done $0x0  }
0xa1: {  	[sflag:s22] =	ssyncadd.s32 s5;
	_ =	sdelay $0x1  }
0xa2: {  	s23 =	simm.s32 $0x1B8B  }
0xa3: {  	_ =	swait.ge [sflag:s23], $0x1  }
0xa4: {  	[sflag:s23] =	ssyncset.done $0x0  }
0xa5: {  	s25 =	simm.s32 $0x1B8E;
	s24 =	sld [smem:$0x3FFE];
	[sflag:s23] =	ssyncadd.s32 $0xFFFFFFFF  }
0xa6: {  	s26 =	simm.s32 $execute0_lowered;
	[smem:$0x3FD2] =	sst s25  }
0xa7: {  	s6 =	sshll.u32 s26, $0x1;
	_ =	strace $0x80000052;
	[dreg:$0x1] =	wrdreg $0xFFFFFFFF  }
0xa8: {  	s28 =	simm.s32 $_size_execute0_lowered;
	s4 =	sadd.s32 s4, s6;
	[dreg:$0x0] =	wrdreg $0x0  }
0xa9: {  	s6 =	sshll.u32 s28, $0x1;
	[dreg:$0x2] =	wrdreg s4  }
0xaa: {  	[dreg:$0x3] =	wrdreg s6  }
0xab: {  	[dreg:$0x4] =	wrdreg $0xC0  }
0xac: {  	_ =	task [dreg:s8], $0x5FFFF  }
0xad: {  	[dreg:$0x1] =	wrdreg $0xFFFFFFFF  }
0xae: {  	[dreg:$0x0] =	wrdreg $0x60  }
0xaf: {  	[dreg:$0x2] =	wrdreg s18  }
0xb0: {  	[dreg:$0x3] =	wrdreg s24  }
0xb1: {  	[dreg:$0x4] =	wrdreg s2  }
0xb2: {  	[dreg:$0x5] =	wrdreg $0x9  }
0xb3: {  	_ =	task.clear_ibuf [dreg:s8], $0x6FFFF;
	_ =	strace $0x90000052  }
0xb4: {  	s29 =	simm.s32 $0x9;
	_ =	strace $0x80000054  }
0xb5: {  	_ =	swait.ge [sflag:s29], $0x1  }
0xb6: {  	[sflag:s29] =	ssyncadd.s32 $0xFFFFFFFF  }
0xb7: {  	_ =	strace $0x90000054  }
0xb8: {  	_ =	sfence  }
0xb9: {  	s30 =	sld [smem:$0x0];
	_ =	sdelay $0x2  }
0xba: {  	s31 =	sshll.u32 s1, $0xD;
	s1 =	sshrl.u32 s1, $0x2  }
0xbb: {  	s3 =	sand.u32 $0x4000, s31;
	s1 =	sadd.s32 s1, s30  }
0xbc: {  	s0 =	sor.u32 s3, s0;
	s1 =	sshll.u32 s1, $0x11  }
0xbd: {  	s0 =	sor.u32 s1, s0  }
0xbe: {  	s0 =	sadd.s32 $0x8F2B, s0  }
0xbf: {  	[sflag:s0] =	ssyncadd.remote.s32 $0x1  }
0xc0: {  	_ =	sfence.sel $0xFFFF  }
0xc1: {  	[dreg:$0x0] =	wrdreg $0xFFFFFFFF;
	(pc) =	sbr.abs _section_cstart, $3  }
0xc2: {  	[dreg:$0x1] =	wrdreg $0xFFFFFFFF  }
0xc3: {  	_ =	task.clear_ibuf [dreg:s8], $0x2FFFF;
	_ =	strace $0x9FFFFFFF  }
0xc4: {  	(tm) =	ssettm $0x7FFFFFFF  }
0xc5: {  	_ =	shalt  }
tec
execute0_lowered:
.L_overlay_start_1:
0x0: {  	(tag) =	ssettag $0x1  }
0x1: {  	s0 =	srdreg.scid  }
0x2: {  	s7 =	sand.u32 $0x1, s0;
	s0 =	stileid.u32  }
0x3: {  	s4 =	sor.u32 s0, s7  }
0x4: {  	p0 =	sne.s32 s4, $0x0  }
.Ltmp0:
0x5: {  	_ = 	snop;
	(pc) =	sbr.rel @p0 .LBB2_5-.Ltmp0, $4  }
0x6: {  	s1 =	rddreg [dreg:$0x0]  }
0x7: {  	s8 =	rddreg [dreg:$0x1]  }
0x8: {  	s3 =	rddreg [dreg:$0x2]  }
0x9: {  	s2 =	rddreg [dreg:$0x3];
	_ =	strace $0x80000053  }
0xa: {  	s4 =	sadd.s32 $0xE0E00, s8  }
0xb: {  	s5 =	sadd.s32 $0xB8E00, s8;
	s6 =	sadd.s32 $0xDA00, s8;
	s9 =	ssub.s32 $0x2, s7  }
0xc: {  	s7 =	sadd.s32 $0x34C00, s8;
	s8 =	sadd.s32 $0x3C00, s8;
	s11 =	simm.s32 $0x2  }
0xd: {  	s12 =	simm.s32 $0x8080;
	s13 =	simm.s32 $0x40;
	s14 =	simm.s32 $0x80  }
0xe: {  	s15 =	simm.s32 $0x1;
	s16 =	simm.s32 $0x2080;
	s17 =	simm.s32 $0x4080  }
0xf: {  	s18 =	simm.s32 $0x6080;
	s19 =	simm.s32 $0x8100;
	s10 =	sshrl.u32 s9, $0x1  }
0x10: {  	s20 =	simm.s32 $0x0;
	s9 =	ssub.s32 s9, s10;
	s10 =	simm.s32 $0x0  }
.LBB2_2:
0x11: {  	[tilespmem:s10], [sflag:$0x2] =	stream.linear.gather [hbm4b:s1+s10], $0x80, $0x38;
	[tilespmem:$0xA100] =	vst v63  }
0x12: {  	_ =	swait.ge [sflag:s11], $0x80  }
0x13: {  	[sflag:s11] =	ssyncset.done $0x0  }
0x14: {  	[sflag:s11] =	ssyncadd.s32 $0xFFFFFF80  }
0x15: {  	[tilespmem:s12], [sflag:$0x2] =	stream.linear.gather [hbm4b:s3+s10], $0x80, $0x38;
	[tilespmem:$0xA100] =	vst v63  }
0x16: {  	_ =	swait.ge [sflag:s11], $0x80  }
0x17: {  	[sflag:s11] =	ssyncset.done $0x0  }
0x18: {  	[sflag:s11] =	ssyncadd.s32 $0xFFFFFF80  }
0x19: {  	[tilespmem:s14], [sflag:$0x1] =	stream.indirect.gather [hbm4b:s4+s13], $0x80, s10, s13, $0xb8;
	[tilespmem:$0xA100] =	vst v63  }
0x1a: {  	_ =	swait.ge [sflag:s15], $0x2000  }
0x1b: {  	[sflag:s15] =	ssyncset.done $0x0  }
0x1c: {  	[sflag:s15] =	ssyncadd.s32 $0xFFFFE000  }
0x1d: {  	[tilespmem:s16], [sflag:$0x1] =	stream.indirect.gather [hbm4b:s5+s13], $0x80, s10, s13, $0xb8;
	[tilespmem:$0xA100] =	vst v63  }
0x1e: {  	_ =	swait.ge [sflag:s15], $0x2000  }
0x1f: {  	[sflag:s15] =	ssyncset.done $0x0  }
0x20: {  	[sflag:s15] =	ssyncadd.s32 $0xFFFFE000  }
0x21: {  	[tilespmem:s17], [sflag:$0x1] =	stream.indirect.gather [hbm4b:s6+s13], $0x80, s10, s13, $0xb8;
	[tilespmem:$0xA100] =	vst v63  }
0x22: {  	_ =	swait.ge [sflag:s15], $0x2000  }
0x23: {  	[sflag:s15] =	ssyncset.done $0x0  }
0x24: {  	[sflag:s15] =	ssyncadd.s32 $0xFFFFE000  }
0x25: {  	[tilespmem:s18], [sflag:$0x1] =	stream.indirect.gather [hbm4b:s7+s13], $0x80, s10, s13, $0xb8;
	[tilespmem:$0xA100] =	vst v63  }
0x26: {  	_ =	swait.ge [sflag:s15], $0x2000  }
0x27: {  	[sflag:s15] =	ssyncset.done $0x0  }
0x28: {  	s21 =	simm.s32 $0x0;
	[sflag:s15] =	ssyncadd.s32 $0xFFFFE000  }
0x29: {  	v0 =	vld [tilespmem:s21+$0x80]  }
0x2a: {  	v1 =	vld [tilespmem:s21+$0x2080];
	_ =	sdelay $0x1  }
0x2b: {  	v2 =	vld [tilespmem:s21+$0x4080];
	_ =	sdelay $0x1  }
0x2c: {  	v3 =	vld [tilespmem:s21+$0x6080]  }
0x2d: {  	v0 =	vadd.f32 v1, v0  }
0x2e: {  	v1 =	vld [tilespmem:$0x8080]  }
0x2f: {  	v4 =	vld [tilespmem:s21+$0x2090];
	v0 =	vadd.f32 v2, v0  }
0x30: {  	v2 =	vld [tilespmem:s21+$0x90]  }
0x31: {  	v0 =	vmul.f32 v3, v0  }
0x32: {  	v3 =	vld [tilespmem:s21+$0x4090]  }
0x33: {  	v0 =	vadd.f32 v1, v0  }
0x34: {  	v1 =	vld [tilespmem:s21+$0x6090]  }
0x35: {  	[tilespmem:s21+$0x8100] =	vst v0;
	v0 =	vadd.f32 v4, v2  }
0x36: {  	v2 =	vld [tilespmem:$0x8090]  }
0x37: {  	v4 =	vld [tilespmem:s21+$0x20A0];
	v0 =	vadd.f32 v3, v0  }
0x38: {  	v3 =	vld [tilespmem:s21+$0xA0]  }
0x39: {  	v0 =	vmul.f32 v1, v0  }
0x3a: {  	v1 =	vld [tilespmem:s21+$0x40A0]  }
0x3b: {  	v0 =	vadd.f32 v2, v0  }
0x3c: {  	v2 =	vld [tilespmem:s21+$0x60A0]  }
0x3d: {  	[tilespmem:s21+$0x8110] =	vst v0;
	v0 =	vadd.f32 v4, v3  }
0x3e: {  	v3 =	vld [tilespmem:$0x80A0]  }
0x3f: {  	v4 =	vld [tilespmem:s21+$0x20B0];
	v0 =	vadd.f32 v1, v0  }
0x40: {  	v1 =	vld [tilespmem:s21+$0xB0]  }
0x41: {  	v0 =	vmul.f32 v2, v0  }
0x42: {  	v2 =	vld [tilespmem:s21+$0x40B0]  }
0x43: {  	v0 =	vadd.f32 v3, v0  }
0x44: {  	v3 =	vld [tilespmem:s21+$0x60B0]  }
0x45: {  	[tilespmem:s21+$0x8120] =	vst v0;
	v0 =	vadd.f32 v4, v1  }
0x46: {  	v1 =	vld [tilespmem:$0x80B0]  }
0x47: {  	v4 =	vld [tilespmem:s21+$0x20C0];
	v0 =	vadd.f32 v2, v0  }
0x48: {  	v2 =	vld [tilespmem:s21+$0xC0]  }
0x49: {  	v0 =	vmul.f32 v3, v0  }
0x4a: {  	v3 =	vld [tilespmem:s21+$0x40C0]  }
0x4b: {  	v0 =	vadd.f32 v1, v0  }
0x4c: {  	v1 =	vld [tilespmem:s21+$0x60C0]  }
0x4d: {  	[tilespmem:s21+$0x8130] =	vst v0;
	v0 =	vadd.f32 v4, v2  }
0x4e: {  	v2 =	vld [tilespmem:$0x80C0]  }
0x4f: {  	v4 =	vld [tilespmem:s21+$0x20D0];
	v0 =	vadd.f32 v3, v0  }
0x50: {  	v3 =	vld [tilespmem:s21+$0xD0]  }
0x51: {  	v0 =	vmul.f32 v1, v0  }
0x52: {  	v1 =	vld [tilespmem:s21+$0x40D0]  }
0x53: {  	v0 =	vadd.f32 v2, v0  }
0x54: {  	v2 =	vld [tilespmem:s21+$0x60D0]  }
0x55: {  	[tilespmem:s21+$0x8140] =	vst v0;
	v0 =	vadd.f32 v4, v3  }
0x56: {  	v3 =	vld [tilespmem:$0x80D0]  }
0x57: {  	v4 =	vld [tilespmem:s21+$0x20E0];
	v0 =	vadd.f32 v1, v0  }
0x58: {  	v1 =	vld [tilespmem:s21+$0xE0]  }
0x59: {  	v0 =	vmul.f32 v2, v0  }
0x5a: {  	v2 =	vld [tilespmem:s21+$0x40E0]  }
0x5b: {  	v0 =	vadd.f32 v3, v0  }
0x5c: {  	v3 =	vld [tilespmem:s21+$0x60E0]  }
0x5d: {  	[tilespmem:s21+$0x8150] =	vst v0;
	v0 =	vadd.f32 v4, v1  }
0x5e: {  	v1 =	vld [tilespmem:$0x80E0]  }
0x5f: {  	v4 =	vld [tilespmem:s21+$0x20F0];
	v0 =	vadd.f32 v2, v0  }
0x60: {  	v2 =	vld [tilespmem:s21+$0xF0]  }
0x61: {  	v0 =	vmul.f32 v3, v0  }
0x62: {  	v3 =	vld [tilespmem:s21+$0x40F0]  }
0x63: {  	v1 =	vadd.f32 v1, v0  }
0x64: {  	v0 =	vld [tilespmem:s21+$0x60F0]  }
0x65: {  	v4 =	vadd.f32 v4, v2;
	[tilespmem:s21+$0x8160] =	vst v1  }
0x66: {  	s23 =	simm.s32 $0x80;
	v2 =	vld [tilespmem:$0x80F0]  }
0x67: {  	s22 =	simm.s32 $0x400;
	v1 =	vld [tilespmem:s23+$0x80];
	v3 =	vadd.f32 v3, v4  }
.LBB2_3:
0x68: {  	p0 =	sne.s32 s22, $0x7E00;
	v4 =	vld [tilespmem:s23+$0x2080]  }
0x69: {  	v0 =	vmul.f32 v0, v3  }
0x6a: {  	v3 =	vld [tilespmem:s23+$0x4080]  }
0x6b: {  	v0 =	vadd.f32 v2, v0  }
0x6c: {  	v2 =	vld [tilespmem:s23+$0x6080]  }
0x6d: {  	v1 =	vadd.f32 v4, v1;
	[tilespmem:s21+$0x8170] =	vst v0;
	s21 =	smov.u32 s23  }
0x6e: {  	v0 =	vld [tilespmem:$0x8080]  }
0x6f: {  	v1 =	vadd.f32 v3, v1;
	v3 =	vld [tilespmem:s21+$0x90]  }
0x70: {  	v4 =	vld [tilespmem:s21+$0x2090]  }
0x71: {  	v1 =	vmul.f32 v2, v1  }
0x72: {  	v2 =	vld [tilespmem:s21+$0x4090]  }
0x73: {  	v0 =	vadd.f32 v0, v1  }
0x74: {  	v1 =	vld [tilespmem:s21+$0x6090]  }
0x75: {  	[tilespmem:s21+$0x8100] =	vst v0;
	v0 =	vadd.f32 v4, v3  }
0x76: {  	v3 =	vld [tilespmem:$0x8090]  }
0x77: {  	v0 =	vadd.f32 v2, v0;
	v2 =	vld [tilespmem:s21+$0xA0]  }
0x78: {  	v4 =	vld [tilespmem:s21+$0x20A0]  }
0x79: {  	v0 =	vmul.f32 v1, v0  }
0x7a: {  	v1 =	vld [tilespmem:s21+$0x40A0]  }
0x7b: {  	v0 =	vadd.f32 v3, v0  }
0x7c: {  	v3 =	vld [tilespmem:s21+$0x60A0]  }
0x7d: {  	[tilespmem:s21+$0x8110] =	vst v0;
	v0 =	vadd.f32 v4, v2  }
0x7e: {  	v2 =	vld [tilespmem:$0x80A0]  }
0x7f: {  	v0 =	vadd.f32 v1, v0;
	v1 =	vld [tilespmem:s21+$0xB0]  }
0x80: {  	v4 =	vld [tilespmem:s21+$0x20B0]  }
0x81: {  	v0 =	vmul.f32 v3, v0  }
0x82: {  	v3 =	vld [tilespmem:s21+$0x40B0]  }
0x83: {  	v0 =	vadd.f32 v2, v0  }
0x84: {  	v2 =	vld [tilespmem:s21+$0x60B0]  }
0x85: {  	[tilespmem:s21+$0x8120] =	vst v0;
	v0 =	vadd.f32 v4, v1  }
0x86: {  	v1 =	vld [tilespmem:$0x80B0]  }
0x87: {  	v0 =	vadd.f32 v3, v0;
	v3 =	vld [tilespmem:s21+$0xC0]  }
0x88: {  	v4 =	vld [tilespmem:s21+$0x20C0]  }
0x89: {  	v0 =	vmul.f32 v2, v0  }
0x8a: {  	v2 =	vld [tilespmem:s21+$0x40C0]  }
0x8b: {  	v0 =	vadd.f32 v1, v0  }
0x8c: {  	v1 =	vld [tilespmem:s21+$0x60C0]  }
0x8d: {  	[tilespmem:s21+$0x8130] =	vst v0;
	v0 =	vadd.f32 v4, v3  }
0x8e: {  	v3 =	vld [tilespmem:$0x80C0]  }
0x8f: {  	v0 =	vadd.f32 v2, v0;
	v2 =	vld [tilespmem:s21+$0xD0]  }
0x90: {  	v4 =	vld [tilespmem:s21+$0x20D0]  }
0x91: {  	v0 =	vmul.f32 v1, v0  }
0x92: {  	v1 =	vld [tilespmem:s21+$0x40D0]  }
0x93: {  	v0 =	vadd.f32 v3, v0  }
0x94: {  	v3 =	vld [tilespmem:s21+$0x60D0]  }
0x95: {  	[tilespmem:s21+$0x8140] =	vst v0;
	v0 =	vadd.f32 v4, v2  }
0x96: {  	v2 =	vld [tilespmem:$0x80D0]  }
0x97: {  	v0 =	vadd.f32 v1, v0;
	v1 =	vld [tilespmem:s21+$0xE0]  }
0x98: {  	v4 =	vld [tilespmem:s21+$0x20E0]  }
0x99: {  	v0 =	vmul.f32 v3, v0  }
0x9a: {  	v3 =	vld [tilespmem:s21+$0x40E0]  }
0x9b: {  	v0 =	vadd.f32 v2, v0  }
0x9c: {  	v2 =	vld [tilespmem:s21+$0x60E0]  }
0x9d: {  	[tilespmem:s21+$0x8150] =	vst v0;
	v0 =	vadd.f32 v4, v1  }
0x9e: {  	v1 =	vld [tilespmem:$0x80E0]  }
0x9f: {  	v0 =	vadd.f32 v3, v0;
	v3 =	vld [tilespmem:s21+$0xF0]  }
0xa0: {  	v4 =	vld [tilespmem:s21+$0x20F0]  }
0xa1: {  	v0 =	vmul.f32 v2, v0  }
0xa2: {  	v5 =	vld [tilespmem:s21+$0x40F0]  }
.Ltmp1:
0xa3: {  	v1 =	vadd.f32 v1, v0;
	(pc) =	sbr.rel @p0 .LBB2_3-.Ltmp1, $4  }
0xa4: {  	v0 =	vld [tilespmem:s21+$0x60F0]  }
0xa5: {  	[tilespmem:s21+$0x8160] =	vst v1;
	v3 =	vadd.f32 v4, v3  }
0xa6: {  	s23 =	sshra.s32 s22, $0x2;
	v2 =	vld [tilespmem:$0x80F0]  }
0xa7: {  	s22 =	sadd.s32 $0x200, s22;
	v1 =	vld [tilespmem:s23+$0x80];
	v3 =	vadd.f32 v5, v3  }
0xa8: {  	v4 =	vld [tilespmem:s23+$0x2080]  }
0xa9: {  	v0 =	vmul.f32 v0, v3  }
0xaa: {  	v20 =	vld [tilespmem:s23+$0x4080]  }
0xab: {  	v0 =	vadd.f32 v2, v0  }
0xac: {  	v21 =	vld [tilespmem:s23+$0x6080]  }
0xad: {  	v1 =	vadd.f32 v4, v1;
	[tilespmem:s21+$0x8170] =	vst v0  }
0xae: {  	v0 =	vld [tilespmem:$0x8080]  }
0xaf: {  	v22 =	vld [tilespmem:s23+$0x90];
	v1 =	vadd.f32 v20, v1  }
0xb0: {  	v23 =	vld [tilespmem:s23+$0x2090]  }
0xb1: {  	v1 =	vmul.f32 v21, v1  }
0xb2: {  	v24 =	vld [tilespmem:s23+$0x4090]  }
0xb3: {  	v0 =	vadd.f32 v0, v1  }
0xb4: {  	v25 =	vld [tilespmem:s23+$0x6090]  }
0xb5: {  	v26 =	vadd.f32 v23, v22;
	[tilespmem:s23+$0x8100] =	vst v0  }
0xb6: {  	v27 =	vld [tilespmem:$0x8090]  }
0xb7: {  	v28 =	vld [tilespmem:s23+$0xA0];
	v0 =	vadd.f32 v24, v26  }
0xb8: {  	v29 =	vld [tilespmem:s23+$0x20A0]  }
0xb9: {  	v0 =	vmul.f32 v25, v0  }
0xba: {  	v30 =	vld [tilespmem:s23+$0x40A0]  }
0xbb: {  	v0 =	vadd.f32 v27, v0  }
0xbc: {  	v31 =	vld [tilespmem:s23+$0x60A0]  }
0xbd: {  	v32 =	vadd.f32 v29, v28;
	[tilespmem:s23+$0x8110] =	vst v0  }
0xbe: {  	v33 =	vld [tilespmem:$0x80A0]  }
0xbf: {  	v34 =	vld [tilespmem:s23+$0xB0];
	v0 =	vadd.f32 v30, v32  }
0xc0: {  	v35 =	vld [tilespmem:s23+$0x20B0]  }
0xc1: {  	v0 =	vmul.f32 v31, v0  }
0xc2: {  	v36 =	vld [tilespmem:s23+$0x40B0]  }
0xc3: {  	v0 =	vadd.f32 v33, v0  }
0xc4: {  	v37 =	vld [tilespmem:s23+$0x60B0]  }
0xc5: {  	v38 =	vadd.f32 v35, v34;
	[tilespmem:s23+$0x8120] =	vst v0  }
0xc6: {  	v39 =	vld [tilespmem:$0x80B0]  }
0xc7: {  	v40 =	vld [tilespmem:s23+$0xC0];
	v0 =	vadd.f32 v36, v38  }
0xc8: {  	v41 =	vld [tilespmem:s23+$0x20C0]  }
0xc9: {  	v0 =	vmul.f32 v37, v0  }
0xca: {  	v42 =	vld [tilespmem:s23+$0x40C0]  }
0xcb: {  	v0 =	vadd.f32 v39, v0  }
0xcc: {  	v43 =	vld [tilespmem:s23+$0x60C0]  }
0xcd: {  	v44 =	vadd.f32 v41, v40;
	[tilespmem:s23+$0x8130] =	vst v0  }
0xce: {  	v45 =	vld [tilespmem:$0x80C0]  }
0xcf: {  	v46 =	vld [tilespmem:s23+$0xD0];
	v0 =	vadd.f32 v42, v44  }
0xd0: {  	v47 =	vld [tilespmem:s23+$0x20D0]  }
0xd1: {  	v0 =	vmul.f32 v43, v0  }
0xd2: {  	v48 =	vld [tilespmem:s23+$0x40D0]  }
0xd3: {  	v0 =	vadd.f32 v45, v0  }
0xd4: {  	v49 =	vld [tilespmem:s23+$0x60D0]  }
0xd5: {  	v50 =	vadd.f32 v47, v46;
	[tilespmem:s23+$0x8140] =	vst v0  }
0xd6: {  	v51 =	vld [tilespmem:$0x80D0]  }
0xd7: {  	v52 =	vld [tilespmem:s23+$0xE0];
	v0 =	vadd.f32 v48, v50  }
0xd8: {  	v53 =	vld [tilespmem:s23+$0x20E0]  }
0xd9: {  	v0 =	vmul.f32 v49, v0  }
0xda: {  	v54 =	vld [tilespmem:s23+$0x40E0]  }
0xdb: {  	v0 =	vadd.f32 v51, v0  }
0xdc: {  	v55 =	vld [tilespmem:s23+$0x60E0]  }
0xdd: {  	v56 =	vadd.f32 v53, v52;
	[tilespmem:s23+$0x8150] =	vst v0  }
0xde: {  	v57 =	vld [tilespmem:$0x80E0]  }
0xdf: {  	v58 =	vld [tilespmem:s23+$0xF0];
	v0 =	vadd.f32 v54, v56  }
0xe0: {  	v59 =	vld [tilespmem:s23+$0x20F0]  }
0xe1: {  	v0 =	vmul.f32 v55, v0  }
0xe2: {  	v60 =	vld [tilespmem:s23+$0x40F0]  }
0xe3: {  	v0 =	vadd.f32 v57, v0  }
0xe4: {  	v61 =	vld [tilespmem:s23+$0x60F0]  }
0xe5: {  	v62 =	vadd.f32 v59, v58;
	[tilespmem:s23+$0x8160] =	vst v0  }
0xe6: {  	v63 =	vld [tilespmem:$0x80F0]  }
0xe7: {  	v0 =	vadd.f32 v60, v62;
	_ =	sdelay $0x1  }
0xe8: {  	v0 =	vmul.f32 v61, v0;
	_ =	sdelay $0x1  }
0xe9: {  	s20 =	sadd.s32 $0x1, s20;
	v0 =	vadd.f32 v63, v0  }
0xea: {  	p0 =	sne.s32 s20, s9  }
.Ltmp2:
0xeb: {  	[tilespmem:s23+$0x8170] =	vst v0;
	(pc) =	sbr.rel @p0 .LBB2_2-.Ltmp2, $4  }
0xec: {  	[hbm4b:s8+s10] =	stream.linear.scatter [tilespmem:s19], [sflag:$0x2], $0x2000, $0x38;
	[tilespmem:$0xA100] =	vst v63  }
0xed: {  	_ =	swait.ge [sflag:s11], $0x2000  }
0xee: {  	[sflag:s11] =	ssyncset.done $0x0  }
0xef: {  	[sflag:s11] =	ssyncadd.s32 $0xFFFFE000  }
.LBB2_5:
0xf0: {  	_ =	sfence.sel $0x180000  }
0xf1: {  	[bflag:$0x0] =	sbarrier.arrive $0xFFFF  }
0xf2: {  	p0 =	sne.s32 s0, $0x0;
	_ =	strace $0x90000053  }
0xf3: {  	s0 =	sadd.s32 @!p0 $0x100000, s2;
	[bflag:$0x2] =	sbarrier.arrive $0xFFFF  }
0xf4: {  	[sflag:s0] =	ssyncadd.tile.s32 @!p0 $0x1;
	_ =	shalt  }
.Lfunc_end2:
_tile_overlayer_lowered:
.L_overlay_start_2:
0xf5: {  	(tag) =	ssettag $0x2  }
0xf6: {  	s0 =	rddreg [dreg:$0x0];
	s2 =	stileid.u32  }
0xf7: {  	s1 =	rddreg [dreg:$0x1];
	p0 =	sne.s32 s2, $0x0  }
0xf8: {  	s3 =	rddreg [dreg:$0x2];
	[bflag:$0x3] =	sbarrier.arrive $0xFFFF;
	s2 =	simm.s32 @!p0 $0x1C02  }
0xf9: {  	[timem:s3], [sflag:s2] =	dma.local @!p0 [hbm:s0], s1  }
0xfa: {  	s0 =	simm.s32 @!p0 $0x2  }
0xfb: {  	_ =	swait.ge @!p0 [sflag:s0], s1  }
0xfc: {  	s1 =	ssub.s32 @!p0 $0x0, s1;
	[sflag:s0] =	ssyncset.done @!p0 $0x0  }
0xfd: {  	[sflag:s0] =	ssyncadd.s32 @!p0 s1  }
0xfe: {  	[bflag:$0x3] =	sbarrier.arrive $0xFFFF  }
0xff: {  	_ =	shalt  }

</sc_bundles>
